<compile_context>
chip_gen: v7x
topology: tpu7x:2x2x1
jax: 0.10.2.dev20260603
libtpu: 0.0.44.dev20260713+nightly
codegen_flags: <defaults>
</compile_context>

<pallas_src>
import functools

import jax
import jax.numpy as jnp
from jax import lax
from jax.experimental import pallas as pl
from jax.experimental.pallas import tpu as pltpu
from jax.experimental.pallas import tpu_sc as plsc

NCLS = 19
NPROT = 10
NVAL = NCLS * NPROT
N = 65536
NS = 16
L = 16
Q = N // NS
VPB = 8
NG = Q // (VPB * L)
RB = 8192
NBLK = N // RB

_MESH = plsc.VectorSubcoreMesh(
    core_axis_name="c", subcore_axis_name="s", num_cores=1, num_subcores=NS
)


def _iota():
    return lax.iota(jnp.int32, L)


def _take16(v, idx):
    dn = lax.GatherDimensionNumbers(
        offset_dims=(), collapsed_slice_dims=(0,), start_index_map=(0,)
    )
    return lax.gather(
        v, idx[:, None], dn, slice_sizes=(1,),
        mode=lax.GatherScatterMode.PROMISE_IN_BOUNDS,
    )


def _bcast_last(v):
    return _take16(v, jnp.full((L,), L - 1, jnp.int32))


def _tc_body(t_ref, g_ref, l_ref, pred_ref, tout_ref):
    t = t_ref[0, 0, :]
    g = g_ref[0, 0, :]
    tout_ref[0, 0, :] = jnp.where(g != 0, jnp.int32(-1), t)
    cols = lax.broadcasted_iota(jnp.int32, (RB, NVAL), 1)
    m = cols == t[:, None]
    pred_ref[0, 0, :] = jnp.sum(
        jnp.where(m, l_ref[...], jnp.float32(0)), axis=1
    )


_tc_gather = pl.pallas_call(
    _tc_body,
    grid=(NBLK,),
    in_specs=[
        pl.BlockSpec((1, 1, RB), lambda i: (i, 0, 0)),
        pl.BlockSpec((1, 1, RB), lambda i: (i, 0, 0)),
        pl.BlockSpec((RB, NVAL), lambda i: (i, 0)),
    ],
    out_specs=[
        pl.BlockSpec((1, 1, RB), lambda i: (i, 0, 0)),
        pl.BlockSpec((1, 1, RB), lambda i: (i, 0, 0)),
    ],
    out_shape=[
        jax.ShapeDtypeStruct((NBLK, 1, RB), jnp.float32),
        jax.ShapeDtypeStruct((NBLK, 1, RB), jnp.int32),
    ],
    compiler_params=pltpu.CompilerParams(dimension_semantics=("arbitrary",)),
)


@functools.partial(
    pl.kernel,
    out_type=(
        jax.ShapeDtypeStruct((N,), jnp.float32),
        jax.ShapeDtypeStruct((N,), jnp.float32),
        jax.ShapeDtypeStruct((NS, 32), jnp.int32),
    ),
    mesh=_MESH,
    compiler_params=pltpu.CompilerParams(needs_layout_passes=False),
    scratch_types=[
        pltpu.VMEM((Q,), jnp.int32),
        pltpu.VMEM((Q,), jnp.int32),
        pltpu.VMEM((Q + L,), jnp.int32),
        pltpu.VMEM((Q + L,), jnp.int32),
        pltpu.VMEM((NS, 32), jnp.int32),
        pltpu.VMEM((N,), jnp.float32),
        pltpu.VMEM((Q,), jnp.float32),
        pltpu.VMEM((Q,), jnp.float32),
        pltpu.VMEM((32,), jnp.int32),
        pltpu.SemaphoreType.DMA,
    ],
)
def _sc(tgt_hbm, pred_hbm, edge_hbm, body_hbm, cnts_hbm,
        t_v, bidxp_v, epos_v, ecls_v, cnts_v, predfull_v, edge_v, body_v,
        hist_v, sem):
    w = lax.axis_index("s")
    base = w * Q
    pltpu.async_copy(pred_hbm, predfull_v, sem)
    pltpu.sync_copy(tgt_hbm.at[pl.ds(base, Q)], t_v)
    iota = _iota()
    zeros = jnp.zeros((L,), jnp.int32)
    ones = jnp.ones((L,), jnp.int32)
    fzeros = jnp.zeros((L,), jnp.float32)
    hist_v[pl.ds(0, L)] = zeros
    hist_v[pl.ds(L, L)] = zeros

    def pass_a(b, carry):
        cnt, r179, r189 = carry
        for k in range(VPB):
            off = b * (VPB * L) + k * L
            x = t_v[pl.ds(off, L)]
            edge_v[pl.ds(off, L)] = fzeros
            nvec = base + off + iota
            cls = (x * 205) >> 11
            is_edge = (x - cls * NPROT) == (NPROT - 1)
            plsc.addupdate_scatter(hist_v, [cls], ones, mask=is_edge)
            cs179 = plsc.cumsum((x == 179).astype(jnp.int32))
            cs189 = plsc.cumsum((x == 189).astype(jnp.int32))
            bidxp_v[pl.ds(off, L)] = nvec - jnp.where(
                x == 189, r179 + cs179, r189 + cs189
            )
            r179 = r179 + _bcast_last(cs179)
            r189 = r189 + _bcast_last(cs189)
            plsc.store_compressed(epos_v.at[pl.ds(cnt, L)], off + iota,
                                  mask=is_edge)
            plsc.store_compressed(ecls_v.at[pl.ds(cnt, L)], cls, mask=is_edge)
            cnt = cnt + jnp.sum(is_edge.astype(jnp.int32))
        return (cnt, r179, r189)

    cnt, _, _ = lax.fori_loop(0, NG, pass_a, (jnp.int32(0), zeros, zeros))
    pltpu.sync_copy(hist_v, cnts_hbm.at[w])
    pltpu.make_async_copy(pred_hbm, predfull_v, sem).wait()

    plsc.subcore_barrier()

    pltpu.sync_copy(cnts_hbm, cnts_v)
    off_lo = zeros
    off_hi = zeros
    for ww in range(NS):
        take = ww < w
        off_lo = off_lo + jnp.where(take, cnts_v[ww, pl.ds(0, L)], zeros)
        off_hi = off_hi + jnp.where(take, cnts_v[ww, pl.ds(L, L)], zeros)
    hist_v[pl.ds(0, L)] = off_lo
    hist_v[pl.ds(L, L)] = off_hi
    off179 = _take16(off_hi, jnp.full((L,), 1, jnp.int32))
    off189 = _take16(off_hi, jnp.full((L,), 2, jnp.int32))

    def body_pass(j, _):
        off = j * L
        x = t_v[pl.ds(off, L)]
        bidx = bidxp_v[pl.ds(off, L)] - jnp.where(x == 189, off179, off189)
        body_v[pl.ds(off, L)] = plsc.load_gather(predfull_v, [bidx])
        return 0

    lax.fori_loop(0, Q // L, body_pass, 0)

    def edge_pass(j, _):
        valid = (j * L + iota) < cnt
        cls = ecls_v[pl.ds(j * L, L)]
        pfx = zeros
        for s in range(1, L):
            sh = _take16(cls, jnp.maximum(iota - s, 0))
            pfx = pfx + ((sh == cls) & (iota >= s)).astype(jnp.int32)
        cur = plsc.load_gather(hist_v, [cls], mask=valid)
        rank = cur + pfx
        plsc.addupdate_scatter(hist_v, [cls], ones, mask=valid)
        vals = plsc.load_gather(predfull_v, [rank], mask=valid)
        lpos = epos_v[pl.ds(j * L, L)]
        plsc.store_scatter(edge_v, [lpos], vals, mask=valid)
        return 0

    nv = (cnt + L - 1) >> 4
    lax.fori_loop(0, nv, edge_pass, 0)
    pltpu.sync_copy(edge_v, edge_hbm.at[pl.ds(base, Q)])
    pltpu.sync_copy(body_v, body_hbm.at[pl.ds(base, Q)])


def kernel(seg_edge, seg_body, contrast_logits, contrast_target, confidence,
           target, gt_boundary, sem_gt):
    del seg_edge, seg_body, confidence, target, sem_gt
    tgt = contrast_target.astype(jnp.int32)
    gtb = gt_boundary.astype(jnp.int32)
    pred3, tout3 = _tc_gather(
        tgt.reshape(NBLK, 1, RB), gtb.reshape(NBLK, 1, RB), contrast_logits
    )
    pred = pred3.reshape(N)
    tout = tout3.reshape(N)
    edge, body, _ = _sc(tgt, pred)
    return (edge, body, tout)

# --- scband reference (transcript-rebuilt; emitter-appended) ---
"""Pipeline reference for scband-edge-body-loss-36618891166387 (READ-ONLY COPY).

The authoritative reference and input builder live on the scoring server;
editing this copy changes nothing except your own understanding.
"""

import jax, jax.numpy as jnp
import numpy as np

NUM_CLASSES = 19
NUM_PROTOTYPE = 10
IGNORE_LABEL = -1
N = 65536


def _masked_scatter(dest, mask, src):
    # Faithful torch masked_scatter_ semantics: masked positions of dest are
    # filled with the leading elements of src taken in flattened order.
    idx = jnp.clip(jnp.cumsum(mask) - 1, 0, src.shape[0] - 1)
    return jnp.where(mask, src[idx], dest)


def setup_inputs(seed: int = 0):
    key = jax.random.key(seed)
    ks = jax.random.split(key, 8)
    return {
        "seg_edge": jax.random.normal(ks[0], (4, 1, 128, 128), jnp.float32),
        "seg_body": jax.random.normal(ks[1], (4, NUM_CLASSES, 128, 128), jnp.float32),
        "contrast_logits": jax.random.normal(ks[2], (N, NUM_CLASSES * NUM_PROTOTYPE), jnp.float32),
        "contrast_target": jax.random.randint(ks[3], (N,), 0, NUM_CLASSES * NUM_PROTOTYPE, jnp.int32),
        "confidence": jax.random.uniform(ks[4], (4, 1, 128, 128), jnp.float32),
        "target": jax.random.randint(ks[5], (4, 128, 128), 0, NUM_CLASSES, jnp.int32),
        "gt_boundary": jax.random.bernoulli(ks[6], 0.1, (N,)),
        "sem_gt": jax.random.randint(ks[7], (4, 128, 128), 0, NUM_CLASSES, jnp.int32),
    }


def reference(seg_edge, seg_body, contrast_logits, contrast_target, confidence, target, gt_boundary, sem_gt):
    # pred_logits: logit at each pixel's assigned prototype (gather along dim 1)
    pred_logits = jnp.take_along_axis(contrast_logits, contrast_target[:, None], axis=1)[:, 0]
    edge_contrast_logits = jnp.zeros_like(pred_logits)
    body_contrast_logits = jnp.zeros_like(pred_logits)
    for i in range(NUM_CLASSES):
        edge_cls_logits = jnp.max(contrast_logits, axis=1)  # computed per-iteration as in original (unused)
        edge_mask = contrast_target == (NUM_PROTOTYPE - 1) + NUM_PROTOTYPE * i
        edge_contrast_logits = _masked_scatter(edge_contrast_logits, edge_mask, pred_logits)
        body_contrast_logits = _masked_scatter(body_contrast_logits, jnp.logical_not(edge_mask), pred_logits)
    contrast_target_out = jnp.where(gt_boundary, IGNORE_LABEL, contrast_target)
    return (edge_contrast_logits, body_contrast_logits, contrast_target_out)

if __name__ == "__main__":
    import jax
    _d = setup_inputs()
    print(jax.jit(kernel)(*tuple(_d.values())))

</pallas_src>

<mosaic_0001>
#map = affine_map<(d0, d1) -> (0)>
#map1 = affine_map<(d0, d1) -> (0, 0)>
module attributes {stable_mosaic.version = 14 : i64} {
  func.func @_sc(%arg0: i32, %arg1: i32, %arg2: memref<65536xi32, #tpu.memory_space<hbm>>, %arg3: memref<65536xf32, #tpu.memory_space<hbm>>, %arg4: memref<65536xf32, #tpu.memory_space<hbm>>, %arg5: memref<65536xf32, #tpu.memory_space<hbm>>, %arg6: memref<16x32xi32, #tpu.memory_space<hbm>>, %arg7: memref<4096xi32, #tpu.memory_space<vmem>>, %arg8: memref<4096xi32, #tpu.memory_space<vmem>>, %arg9: memref<4112xi32, #tpu.memory_space<vmem>>, %arg10: memref<4112xi32, #tpu.memory_space<vmem>>, %arg11: memref<16x32xi32, #tpu.memory_space<vmem>>, %arg12: memref<65536xf32, #tpu.memory_space<vmem>>, %arg13: memref<4096xf32, #tpu.memory_space<vmem>>, %arg14: memref<4096xf32, #tpu.memory_space<vmem>>, %arg15: memref<32xi32, #tpu.memory_space<vmem>>, %arg16: memref<!tpu.dma_semaphore, #tpu.memory_space<semaphore_mem>>) attributes {dimension_semantics = [#tpu.dimension_semantics<core_parallel>, #tpu.dimension_semantics<subcore_parallel>], iteration_bounds = array<i64: 1, 16>, scalar_prefetch = 0 : i64, scratch_operands = 10 : i64, tpu.core_type = #tpu.core_type<sc_vector_subcore>, window_params = [{transform_indices = #map}, {transform_indices = #map}, {transform_indices = #map}, {transform_indices = #map}, {transform_indices = #map1}]} {
    %mul3A = arith.constant 4096 : i32
    %mul3A_0 = arith.muli %arg1, %mul3A : i32
    tpu.enqueue_dma source(%arg3 : memref<65536xf32, #tpu.memory_space<hbm>>) target(%arg12 : memref<65536xf32, #tpu.memory_space<vmem>>) target_semaphore(%arg16 : memref<!tpu.dma_semaphore, #tpu.memory_space<semaphore_mem>>)
    "tpu.region"() ({
      %run_scoped3A = tpu.sem_alloc : memref<!tpu.dma_semaphore, #tpu.memory_space<semaphore_mem>>
      %dma_start3A = tpu.memref_slice %arg2[%mul3A_0] : memref<65536xi32, #tpu.memory_space<hbm>> -> memref<4096xi32, #tpu.memory_space<hbm>>
      %dma_start3A_270 = tpu.memref_slice %arg2[%mul3A_0] : memref<65536xi32, #tpu.memory_space<hbm>> -> memref<4096xi32, #tpu.memory_space<hbm>>
      tpu.enqueue_dma source(%dma_start3A_270 : memref<4096xi32, #tpu.memory_space<hbm>>) target(%arg7 : memref<4096xi32, #tpu.memory_space<vmem>>) target_semaphore(%run_scoped3A : memref<!tpu.dma_semaphore, #tpu.memory_space<semaphore_mem>>)
      %dma_wait3A = tpu.memref_slice %arg2[%mul3A_0] : memref<65536xi32, #tpu.memory_space<hbm>> -> memref<4096xi32, #tpu.memory_space<hbm>>
      %dma_wait3A_271 = tpu.memref_slice %arg2[%mul3A_0] : memref<65536xi32, #tpu.memory_space<hbm>> -> memref<4096xi32, #tpu.memory_space<hbm>>
      tpu.wait_dma2 semaphore(%run_scoped3A : memref<!tpu.dma_semaphore, #tpu.memory_space<semaphore_mem>>) src(%dma_wait3A_271 : memref<4096xi32, #tpu.memory_space<hbm>>) dst(%arg7 : memref<4096xi32, #tpu.memory_space<vmem>>)
      tpu.yield
    }) : () -> ()
    %iota3A = tpu.iota {dimensions = array<i32: 0>} : vector<16xi32>
    %broadcast_in_dim3A = arith.constant 0 : i32
    %broadcast_in_dim3A_1 = vector.broadcast %broadcast_in_dim3A : i32 to vector<16xi32>
    %broadcast_in_dim3A_2 = arith.constant 1 : i32
    %broadcast_in_dim3A_3 = vector.broadcast %broadcast_in_dim3A_2 : i32 to vector<16xi32>
    %broadcast_in_dim3A_4 = arith.constant 0.000000e+00 : f32
    %broadcast_in_dim3A_5 = vector.broadcast %broadcast_in_dim3A_4 : f32 to vector<16xf32>
    %swap3A = arith.constant 0 : index
    %swap3A_6 = tpu.vector_load %arg15[%swap3A] {strides = array<i32>} : memref<32xi32, #tpu.memory_space<vmem>>, vector<16xi32>,
    tpu.vector_store %arg15[%swap3A], %broadcast_in_dim3A_1 {strides = array<i32>} : memref<32xi32, #tpu.memory_space<vmem>>, vector<16xi32>,
    %swap3A_7 = arith.constant 16 : index
    %swap3A_8 = tpu.vector_load %arg15[%swap3A_7] {strides = array<i32>} : memref<32xi32, #tpu.memory_space<vmem>>, vector<16xi32>,
    tpu.vector_store %arg15[%swap3A_7], %broadcast_in_dim3A_1 {strides = array<i32>} : memref<32xi32, #tpu.memory_space<vmem>>, vector<16xi32>,
    %scan3A = arith.constant 0 : i32
    %scan3A_9 = arith.constant 0 : i32
    %scan3A_10 = arith.constant 32 : i32
    %scan3A_11 = arith.addi %scan3A_9, %scan3A_10 : i32
    %scan3A_12 = arith.constant 1 : i32
    %scan3A_13:3 = scf.for %scan3A_270 = %scan3A_9 to %scan3A_11 step %scan3A_12 iter_args(%scan3A_271 = %scan3A, %scan3A_272 = %broadcast_in_dim3A_1, %scan3A_273 = %broadcast_in_dim3A_1) -> (i32, vector<16xi32>, vector<16xi32>)  : i32 {
      %mul3A_274 = arith.constant 128 : i32
      %mul3A_275 = arith.muli %scan3A_270, %mul3A_274 : i32
      %add3A_276 = arith.constant 0 : i32
      %add3A_277 = arith.addi %mul3A_275, %add3A_276 : i32
      %get3A_278 = arith.index_cast %add3A_277 : i32 to index
      %get3A_279 = tpu.vector_load %arg7[%get3A_278] {strides = array<i32>} : memref<4096xi32, #tpu.memory_space<vmem>>, vector<16xi32>,
      %swap3A_280 = arith.index_cast %add3A_277 : i32 to index
      %swap3A_281 = tpu.vector_load %arg13[%swap3A_280] {strides = array<i32>} : memref<4096xf32, #tpu.memory_space<vmem>>, vector<16xf32>,
      tpu.vector_store %arg13[%swap3A_280], %broadcast_in_dim3A_5 {strides = array<i32>} : memref<4096xf32, #tpu.memory_space<vmem>>, vector<16xf32>,
      %add3A_282 = arith.addi %mul3A_0, %add3A_277 : i32
      %add3A_283 = vector.broadcast %add3A_282 : i32 to vector<16xi32>
      %add3A_284 = arith.addi %add3A_283, %iota3A : vector<16xi32>
      %mul3A_285 = arith.constant 205 : i32
      %mul3A_286 = vector.broadcast %mul3A_285 : i32 to vector<16xi32>
      %mul3A_287 = arith.muli %get3A_279, %mul3A_286 : vector<16xi32>
      %shift_right_arithmetic3A_288 = arith.constant 11 : i32
      %shift_right_arithmetic3A_289 = vector.broadcast %shift_right_arithmetic3A_288 : i32 to vector<16xi32>
      %shift_right_arithmetic3A_290 = arith.shrsi %mul3A_287, %shift_right_arithmetic3A_289 : vector<16xi32>
      %mul3A_291 = arith.constant 10 : i32
      %mul3A_292 = vector.broadcast %mul3A_291 : i32 to vector<16xi32>
      %mul3A_293 = arith.muli %shift_right_arithmetic3A_290, %mul3A_292 : vector<16xi32>
      %sub3A_294 = arith.subi %get3A_279, %mul3A_293 : vector<16xi32>
      %eq3A = arith.constant 9 : i32
      %eq3A_295 = vector.broadcast %eq3A : i32 to vector<16xi32>
      %eq3A_296 = arith.cmpi eq, %sub3A_294, %eq3A_295 : vector<16xi32>
      tpu.vector_store_idx %arg15[%shift_right_arithmetic3A_290], %broadcast_in_dim3A_3 masked %eq3A_296 {add = true} : memref<32xi32, #tpu.memory_space<vmem>>[vector<16xi32>], vector<16xi32>, vector<16xi1>
      %eq3A_297 = arith.constant 179 : i32
      %eq3A_298 = vector.broadcast %eq3A_297 : i32 to vector<16xi32>
      %eq3A_299 = arith.cmpi eq, %get3A_279, %eq3A_298 : vector<16xi32>
      %convert_element_type3A = arith.extui %eq3A_299 : vector<16xi1> to vector<16xi32>
      %broadcast_in_dim3A_300 = arith.constant true
      %broadcast_in_dim3A_301 = vector.broadcast %broadcast_in_dim3A_300 : i1 to vector<16xi1>
      %masked_cumsum3A = tpu.scan <sum>, %convert_element_type3A masked %broadcast_in_dim3A_301 : vector<16xi32>, vector<16xi1> -> vector<16xi32>
      %eq3A_302 = arith.constant 189 : i32
      %eq3A_303 = vector.broadcast %eq3A_302 : i32 to vector<16xi32>
      %eq3A_304 = arith.cmpi eq, %get3A_279, %eq3A_303 : vector<16xi32>
      %convert_element_type3A_305 = arith.extui %eq3A_304 : vector<16xi1> to vector<16xi32>
      %broadcast_in_dim3A_306 = arith.constant true
      %broadcast_in_dim3A_307 = vector.broadcast %broadcast_in_dim3A_306 : i1 to vector<16xi1>
      %masked_cumsum3A_308 = tpu.scan <sum>, %convert_element_type3A_305 masked %broadcast_in_dim3A_307 : vector<16xi32>, vector<16xi1> -> vector<16xi32>
      %eq3A_309 = arith.constant 189 : i32
      %eq3A_310 = vector.broadcast %eq3A_309 : i32 to vector<16xi32>
      %eq3A_311 = arith.cmpi eq, %get3A_279, %eq3A_310 : vector<16xi32>
      %add3A_312 = arith.addi %scan3A_272, %masked_cumsum3A : vector<16xi32>
      %add3A_313 = arith.addi %scan3A_273, %masked_cumsum3A_308 : vector<16xi32>
      %select_n3A_314 = arith.select %eq3A_311, %add3A_312, %add3A_313 : vector<16xi1>, vector<16xi32>
      %sub3A_315 = arith.subi %add3A_284, %select_n3A_314 : vector<16xi32>
      %swap3A_316 = arith.index_cast %add3A_277 : i32 to index
      %swap3A_317 = tpu.vector_load %arg8[%swap3A_316] {strides = array<i32>} : memref<4096xi32, #tpu.memory_space<vmem>>, vector<16xi32>,
      tpu.vector_store %arg8[%swap3A_316], %sub3A_315 {strides = array<i32>} : memref<4096xi32, #tpu.memory_space<vmem>>, vector<16xi32>,
      %broadcast_in_dim3A_318 = arith.constant 15 : i32
      %broadcast_in_dim3A_319 = vector.broadcast %broadcast_in_dim3A_318 : i32 to vector<16xi32>
      %broadcast_in_dim3A_320 = vector.shape_cast %broadcast_in_dim3A_319 : vector<16xi32> to vector<16x1xi32>
      %gather3A_321 = vector.shape_cast %broadcast_in_dim3A_320 : vector<16x1xi32> to vector<16xi32>
      %gather3A_322 = tpu.dynamic_gather %masked_cumsum3A[%gather3A_321] in [0] : vector<16xi32>, vector<16xi32> -> vector<16xi32>
      %add3A_323 = arith.addi %scan3A_272, %gather3A_322 : vector<16xi32>
      %broadcast_in_dim3A_324 = arith.constant 15 : i32
      %broadcast_in_dim3A_325 = vector.broadcast %broadcast_in_dim3A_324 : i32 to vector<16xi32>
      %broadcast_in_dim3A_326 = vector.shape_cast %broadcast_in_dim3A_325 : vector<16xi32> to vector<16x1xi32>
      %gather3A_327 = vector.shape_cast %broadcast_in_dim3A_326 : vector<16x1xi32> to vector<16xi32>
      %gather3A_328 = tpu.dynamic_gather %masked_cumsum3A_308[%gather3A_327] in [0] : vector<16xi32>, vector<16xi32> -> vector<16xi32>
      %add3A_329 = arith.addi %scan3A_273, %gather3A_328 : vector<16xi32>
      %add3A_330 = vector.broadcast %add3A_277 : i32 to vector<16xi32>
      %add3A_331 = arith.addi %add3A_330, %iota3A : vector<16xi32>
      %swap3A_332 = arith.index_cast %scan3A_271 : i32 to index
      %swap3A_333 = tpu.vector_load %arg9[%swap3A_332] masked %eq3A_296 {strides = array<i32>} : memref<4112xi32, #tpu.memory_space<vmem>>, vector<16xi32>, vector<16xi1>
      tpu.vector_store %arg9[%swap3A_332], %add3A_331 masked %eq3A_296 {strides = array<i32>} : memref<4112xi32, #tpu.memory_space<vmem>>, vector<16xi32>, vector<16xi1>
      %swap3A_334 = arith.index_cast %scan3A_271 : i32 to index
      %swap3A_335 = tpu.vector_load %arg10[%swap3A_334] masked %eq3A_296 {strides = array<i32>} : memref<4112xi32, #tpu.memory_space<vmem>>, vector<16xi32>, vector<16xi1>
      tpu.vector_store %arg10[%swap3A_334], %shift_right_arithmetic3A_290 masked %eq3A_296 {strides = array<i32>} : memref<4112xi32, #tpu.memory_space<vmem>>, vector<16xi32>, vector<16xi1>
      %convert_element_type3A_336 = arith.extui %eq3A_296 : vector<16xi1> to vector<16xi32>
      %reduce_sum3A = arith.constant true
      %reduce_sum3A_337 = vector.broadcast %reduce_sum3A : i1 to vector<16xi1>
      %reduce_sum3A_338 = tpu.scan <sum>, %convert_element_type3A_336 masked %reduce_sum3A_337 : vector<16xi32>, vector<16xi1> -> vector<16xi32>
      %reduce_sum3A_339 = vector.extract %reduce_sum3A_338[15] : i32 from vector<16xi32>
      %add3A_340 = arith.addi %scan3A_271, %reduce_sum3A_339 : i32
      %mul3A_341 = arith.constant 128 : i32
      %mul3A_342 = arith.muli %scan3A_270, %mul3A_341 : i32
      %add3A_343 = arith.constant 16 : i32
      %add3A_344 = arith.addi %mul3A_342, %add3A_343 : i32
      %get3A_345 = arith.index_cast %add3A_344 : i32 to index
      %get3A_346 = tpu.vector_load %arg7[%get3A_345] {strides = array<i32>} : memref<4096xi32, #tpu.memory_space<vmem>>, vector<16xi32>,
      %swap3A_347 = arith.index_cast %add3A_344 : i32 to index
      %swap3A_348 = tpu.vector_load %arg13[%swap3A_347] {strides = array<i32>} : memref<4096xf32, #tpu.memory_space<vmem>>, vector<16xf32>,
      tpu.vector_store %arg13[%swap3A_347], %broadcast_in_dim3A_5 {strides = array<i32>} : memref<4096xf32, #tpu.memory_space<vmem>>, vector<16xf32>,
      %add3A_349 = arith.addi %mul3A_0, %add3A_344 : i32
      %add3A_350 = vector.broadcast %add3A_349 : i32 to vector<16xi32>
      %add3A_351 = arith.addi %add3A_350, %iota3A : vector<16xi32>
      %mul3A_352 = arith.constant 205 : i32
      %mul3A_353 = vector.broadcast %mul3A_352 : i32 to vector<16xi32>
      %mul3A_354 = arith.muli %get3A_346, %mul3A_353 : vector<16xi32>
      %shift_right_arithmetic3A_355 = arith.constant 11 : i32
      %shift_right_arithmetic3A_356 = vector.broadcast %shift_right_arithmetic3A_355 : i32 to vector<16xi32>
      %shift_right_arithmetic3A_357 = arith.shrsi %mul3A_354, %shift_right_arithmetic3A_356 : vector<16xi32>
      %mul3A_358 = arith.constant 10 : i32
      %mul3A_359 = vector.broadcast %mul3A_358 : i32 to vector<16xi32>
      %mul3A_360 = arith.muli %shift_right_arithmetic3A_357, %mul3A_359 : vector<16xi32>
      %sub3A_361 = arith.subi %get3A_346, %mul3A_360 : vector<16xi32>
      %eq3A_362 = arith.constant 9 : i32
      %eq3A_363 = vector.broadcast %eq3A_362 : i32 to vector<16xi32>
      %eq3A_364 = arith.cmpi eq, %sub3A_361, %eq3A_363 : vector<16xi32>
      tpu.vector_store_idx %arg15[%shift_right_arithmetic3A_357], %broadcast_in_dim3A_3 masked %eq3A_364 {add = true} : memref<32xi32, #tpu.memory_space<vmem>>[vector<16xi32>], vector<16xi32>, vector<16xi1>
      %eq3A_365 = arith.constant 179 : i32
      %eq3A_366 = vector.broadcast %eq3A_365 : i32 to vector<16xi32>
      %eq3A_367 = arith.cmpi eq, %get3A_346, %eq3A_366 : vector<16xi32>
      %convert_element_type3A_368 = arith.extui %eq3A_367 : vector<16xi1> to vector<16xi32>
      %broadcast_in_dim3A_369 = arith.constant true
      %broadcast_in_dim3A_370 = vector.broadcast %broadcast_in_dim3A_369 : i1 to vector<16xi1>
      %masked_cumsum3A_371 = tpu.scan <sum>, %convert_element_type3A_368 masked %broadcast_in_dim3A_370 : vector<16xi32>, vector<16xi1> -> vector<16xi32>
      %eq3A_372 = arith.constant 189 : i32
      %eq3A_373 = vector.broadcast %eq3A_372 : i32 to vector<16xi32>
      %eq3A_374 = arith.cmpi eq, %get3A_346, %eq3A_373 : vector<16xi32>
      %convert_element_type3A_375 = arith.extui %eq3A_374 : vector<16xi1> to vector<16xi32>
      %broadcast_in_dim3A_376 = arith.constant true
      %broadcast_in_dim3A_377 = vector.broadcast %broadcast_in_dim3A_376 : i1 to vector<16xi1>
      %masked_cumsum3A_378 = tpu.scan <sum>, %convert_element_type3A_375 masked %broadcast_in_dim3A_377 : vector<16xi32>, vector<16xi1> -> vector<16xi32>
      %eq3A_379 = arith.constant 189 : i32
      %eq3A_380 = vector.broadcast %eq3A_379 : i32 to vector<16xi32>
      %eq3A_381 = arith.cmpi eq, %get3A_346, %eq3A_380 : vector<16xi32>
      %add3A_382 = arith.addi %add3A_323, %masked_cumsum3A_371 : vector<16xi32>
      %add3A_383 = arith.addi %add3A_329, %masked_cumsum3A_378 : vector<16xi32>
      %select_n3A_384 = arith.select %eq3A_381, %add3A_382, %add3A_383 : vector<16xi1>, vector<16xi32>
      %sub3A_385 = arith.subi %add3A_351, %select_n3A_384 : vector<16xi32>
      %swap3A_386 = arith.index_cast %add3A_344 : i32 to index
      %swap3A_387 = tpu.vector_load %arg8[%swap3A_386] {strides = array<i32>} : memref<4096xi32, #tpu.memory_space<vmem>>, vector<16xi32>,
      tpu.vector_store %arg8[%swap3A_386], %sub3A_385 {strides = array<i32>} : memref<4096xi32, #tpu.memory_space<vmem>>, vector<16xi32>,
      %broadcast_in_dim3A_388 = arith.constant 15 : i32
      %broadcast_in_dim3A_389 = vector.broadcast %broadcast_in_dim3A_388 : i32 to vector<16xi32>
      %broadcast_in_dim3A_390 = vector.shape_cast %broadcast_in_dim3A_389 : vector<16xi32> to vector<16x1xi32>
      %gather3A_391 = vector.shape_cast %broadcast_in_dim3A_390 : vector<16x1xi32> to vector<16xi32>
      %gather3A_392 = tpu.dynamic_gather %masked_cumsum3A_371[%gather3A_391] in [0] : vector<16xi32>, vector<16xi32> -> vector<16xi32>
      %add3A_393 = arith.addi %add3A_323, %gather3A_392 : vector<16xi32>
      %broadcast_in_dim3A_394 = arith.constant 15 : i32
      %broadcast_in_dim3A_395 = vector.broadcast %broadcast_in_dim3A_394 : i32 to vector<16xi32>
      %broadcast_in_dim3A_396 = vector.shape_cast %broadcast_in_dim3A_395 : vector<16xi32> to vector<16x1xi32>
      %gather3A_397 = vector.shape_cast %broadcast_in_dim3A_396 : vector<16x1xi32> to vector<16xi32>
      %gather3A_398 = tpu.dynamic_gather %masked_cumsum3A_378[%gather3A_397] in [0] : vector<16xi32>, vector<16xi32> -> vector<16xi32>
      %add3A_399 = arith.addi %add3A_329, %gather3A_398 : vector<16xi32>
      %add3A_400 = vector.broadcast %add3A_344 : i32 to vector<16xi32>
      %add3A_401 = arith.addi %add3A_400, %iota3A : vector<16xi32>
      %swap3A_402 = arith.index_cast %add3A_340 : i32 to index
      %swap3A_403 = tpu.vector_load %arg9[%swap3A_402] masked %eq3A_364 {strides = array<i32>} : memref<4112xi32, #tpu.memory_space<vmem>>, vector<16xi32>, vector<16xi1>
      tpu.vector_store %arg9[%swap3A_402], %add3A_401 masked %eq3A_364 {strides = array<i32>} : memref<4112xi32, #tpu.memory_space<vmem>>, vector<16xi32>, vector<16xi1>
      %swap3A_404 = arith.index_cast %add3A_340 : i32 to index
      %swap3A_405 = tpu.vector_load %arg10[%swap3A_404] masked %eq3A_364 {strides = array<i32>} : memref<4112xi32, #tpu.memory_space<vmem>>, vector<16xi32>, vector<16xi1>
      tpu.vector_store %arg10[%swap3A_404], %shift_right_arithmetic3A_357 masked %eq3A_364 {strides = array<i32>} : memref<4112xi32, #tpu.memory_space<vmem>>, vector<16xi32>, vector<16xi1>
      %convert_element_type3A_406 = arith.extui %eq3A_364 : vector<16xi1> to vector<16xi32>
      %reduce_sum3A_407 = arith.constant true
      %reduce_sum3A_408 = vector.broadcast %reduce_sum3A_407 : i1 to vector<16xi1>
      %reduce_sum3A_409 = tpu.scan <sum>, %convert_element_type3A_406 masked %reduce_sum3A_408 : vector<16xi32>, vector<16xi1> -> vector<16xi32>
      %reduce_sum3A_410 = vector.extract %reduce_sum3A_409[15] : i32 from vector<16xi32>
      %add3A_411 = arith.addi %add3A_340, %reduce_sum3A_410 : i32
      %mul3A_412 = arith.constant 128 : i32
      %mul3A_413 = arith.muli %scan3A_270, %mul3A_412 : i32
      %add3A_414 = arith.constant 32 : i32
      %add3A_415 = arith.addi %mul3A_413, %add3A_414 : i32
      %get3A_416 = arith.index_cast %add3A_415 : i32 to index
      %get3A_417 = tpu.vector_load %arg7[%get3A_416] {strides = array<i32>} : memref<4096xi32, #tpu.memory_space<vmem>>, vector<16xi32>,
      %swap3A_418 = arith.index_cast %add3A_415 : i32 to index
      %swap3A_419 = tpu.vector_load %arg13[%swap3A_418] {strides = array<i32>} : memref<4096xf32, #tpu.memory_space<vmem>>, vector<16xf32>,
      tpu.vector_store %arg13[%swap3A_418], %broadcast_in_dim3A_5 {strides = array<i32>} : memref<4096xf32, #tpu.memory_space<vmem>>, vector<16xf32>,
      %add3A_420 = arith.addi %mul3A_0, %add3A_415 : i32
      %add3A_421 = vector.broadcast %add3A_420 : i32 to vector<16xi32>
      %add3A_422 = arith.addi %add3A_421, %iota3A : vector<16xi32>
      %mul3A_423 = arith.constant 205 : i32
      %mul3A_424 = vector.broadcast %mul3A_423 : i32 to vector<16xi32>
      %mul3A_425 = arith.muli %get3A_417, %mul3A_424 : vector<16xi32>
      %shift_right_arithmetic3A_426 = arith.constant 11 : i32
      %shift_right_arithmetic3A_427 = vector.broadcast %shift_right_arithmetic3A_426 : i32 to vector<16xi32>
      %shift_right_arithmetic3A_428 = arith.shrsi %mul3A_425, %shift_right_arithmetic3A_427 : vector<16xi32>
      %mul3A_429 = arith.constant 10 : i32
      %mul3A_430 = vector.broadcast %mul3A_429 : i32 to vector<16xi32>
      %mul3A_431 = arith.muli %shift_right_arithmetic3A_428, %mul3A_430 : vector<16xi32>
      %sub3A_432 = arith.subi %get3A_417, %mul3A_431 : vector<16xi32>
      %eq3A_433 = arith.constant 9 : i32
      %eq3A_434 = vector.broadcast %eq3A_433 : i32 to vector<16xi32>
      %eq3A_435 = arith.cmpi eq, %sub3A_432, %eq3A_434 : vector<16xi32>
      tpu.vector_store_idx %arg15[%shift_right_arithmetic3A_428], %broadcast_in_dim3A_3 masked %eq3A_435 {add = true} : memref<32xi32, #tpu.memory_space<vmem>>[vector<16xi32>], vector<16xi32>, vector<16xi1>
      %eq3A_436 = arith.constant 179 : i32
      %eq3A_437 = vector.broadcast %eq3A_436 : i32 to vector<16xi32>
      %eq3A_438 = arith.cmpi eq, %get3A_417, %eq3A_437 : vector<16xi32>
      %convert_element_type3A_439 = arith.extui %eq3A_438 : vector<16xi1> to vector<16xi32>
      %broadcast_in_dim3A_440 = arith.constant true
      %broadcast_in_dim3A_441 = vector.broadcast %broadcast_in_dim3A_440 : i1 to vector<16xi1>
      %masked_cumsum3A_442 = tpu.scan <sum>, %convert_element_type3A_439 masked %broadcast_in_dim3A_441 : vector<16xi32>, vector<16xi1> -> vector<16xi32>
      %eq3A_443 = arith.constant 189 : i32
      %eq3A_444 = vector.broadcast %eq3A_443 : i32 to vector<16xi32>
      %eq3A_445 = arith.cmpi eq, %get3A_417, %eq3A_444 : vector<16xi32>
      %convert_element_type3A_446 = arith.extui %eq3A_445 : vector<16xi1> to vector<16xi32>
      %broadcast_in_dim3A_447 = arith.constant true
      %broadcast_in_dim3A_448 = vector.broadcast %broadcast_in_dim3A_447 : i1 to vector<16xi1>
      %masked_cumsum3A_449 = tpu.scan <sum>, %convert_element_type3A_446 masked %broadcast_in_dim3A_448 : vector<16xi32>, vector<16xi1> -> vector<16xi32>
      %eq3A_450 = arith.constant 189 : i32
      %eq3A_451 = vector.broadcast %eq3A_450 : i32 to vector<16xi32>
      %eq3A_452 = arith.cmpi eq, %get3A_417, %eq3A_451 : vector<16xi32>
      %add3A_453 = arith.addi %add3A_393, %masked_cumsum3A_442 : vector<16xi32>
      %add3A_454 = arith.addi %add3A_399, %masked_cumsum3A_449 : vector<16xi32>
      %select_n3A_455 = arith.select %eq3A_452, %add3A_453, %add3A_454 : vector<16xi1>, vector<16xi32>
      %sub3A_456 = arith.subi %add3A_422, %select_n3A_455 : vector<16xi32>
      %swap3A_457 = arith.index_cast %add3A_415 : i32 to index
      %swap3A_458 = tpu.vector_load %arg8[%swap3A_457] {strides = array<i32>} : memref<4096xi32, #tpu.memory_space<vmem>>, vector<16xi32>,
      tpu.vector_store %arg8[%swap3A_457], %sub3A_456 {strides = array<i32>} : memref<4096xi32, #tpu.memory_space<vmem>>, vector<16xi32>,
      %broadcast_in_dim3A_459 = arith.constant 15 : i32
      %broadcast_in_dim3A_460 = vector.broadcast %broadcast_in_dim3A_459 : i32 to vector<16xi32>
      %broadcast_in_dim3A_461 = vector.shape_cast %broadcast_in_dim3A_460 : vector<16xi32> to vector<16x1xi32>
      %gather3A_462 = vector.shape_cast %broadcast_in_dim3A_461 : vector<16x1xi32> to vector<16xi32>
      %gather3A_463 = tpu.dynamic_gather %masked_cumsum3A_442[%gather3A_462] in [0] : vector<16xi32>, vector<16xi32> -> vector<16xi32>
      %add3A_464 = arith.addi %add3A_393, %gather3A_463 : vector<16xi32>
      %broadcast_in_dim3A_465 = arith.constant 15 : i32
      %broadcast_in_dim3A_466 = vector.broadcast %broadcast_in_dim3A_465 : i32 to vector<16xi32>
      %broadcast_in_dim3A_467 = vector.shape_cast %broadcast_in_dim3A_466 : vector<16xi32> to vector<16x1xi32>
      %gather3A_468 = vector.shape_cast %broadcast_in_dim3A_467 : vector<16x1xi32> to vector<16xi32>
      %gather3A_469 = tpu.dynamic_gather %masked_cumsum3A_449[%gather3A_468] in [0] : vector<16xi32>, vector<16xi32> -> vector<16xi32>
      %add3A_470 = arith.addi %add3A_399, %gather3A_469 : vector<16xi32>
      %add3A_471 = vector.broadcast %add3A_415 : i32 to vector<16xi32>
      %add3A_472 = arith.addi %add3A_471, %iota3A : vector<16xi32>
      %swap3A_473 = arith.index_cast %add3A_411 : i32 to index
      %swap3A_474 = tpu.vector_load %arg9[%swap3A_473] masked %eq3A_435 {strides = array<i32>} : memref<4112xi32, #tpu.memory_space<vmem>>, vector<16xi32>, vector<16xi1>
      tpu.vector_store %arg9[%swap3A_473], %add3A_472 masked %eq3A_435 {strides = array<i32>} : memref<4112xi32, #tpu.memory_space<vmem>>, vector<16xi32>, vector<16xi1>
      %swap3A_475 = arith.index_cast %add3A_411 : i32 to index
      %swap3A_476 = tpu.vector_load %arg10[%swap3A_475] masked %eq3A_435 {strides = array<i32>} : memref<4112xi32, #tpu.memory_space<vmem>>, vector<16xi32>, vector<16xi1>
      tpu.vector_store %arg10[%swap3A_475], %shift_right_arithmetic3A_428 masked %eq3A_435 {strides = array<i32>} : memref<4112xi32, #tpu.memory_space<vmem>>, vector<16xi32>, vector<16xi1>
      %convert_element_type3A_477 = arith.extui %eq3A_435 : vector<16xi1> to vector<16xi32>
      %reduce_sum3A_478 = arith.constant true
      %reduce_sum3A_479 = vector.broadcast %reduce_sum3A_478 : i1 to vector<16xi1>
      %reduce_sum3A_480 = tpu.scan <sum>, %convert_element_type3A_477 masked %reduce_sum3A_479 : vector<16xi32>, vector<16xi1> -> vector<16xi32>
      %reduce_sum3A_481 = vector.extract %reduce_sum3A_480[15] : i32 from vector<16xi32>
      %add3A_482 = arith.addi %add3A_411, %reduce_sum3A_481 : i32
      %mul3A_483 = arith.constant 128 : i32
      %mul3A_484 = arith.muli %scan3A_270, %mul3A_483 : i32
      %add3A_485 = arith.constant 48 : i32
      %add3A_486 = arith.addi %mul3A_484, %add3A_485 : i32
      %get3A_487 = arith.index_cast %add3A_486 : i32 to index
      %get3A_488 = tpu.vector_load %arg7[%get3A_487] {strides = array<i32>} : memref<4096xi32, #tpu.memory_space<vmem>>, vector<16xi32>,
      %swap3A_489 = arith.index_cast %add3A_486 : i32 to index
      %swap3A_490 = tpu.vector_load %arg13[%swap3A_489] {strides = array<i32>} : memref<4096xf32, #tpu.memory_space<vmem>>, vector<16xf32>,
      tpu.vector_store %arg13[%swap3A_489], %broadcast_in_dim3A_5 {strides = array<i32>} : memref<4096xf32, #tpu.memory_space<vmem>>, vector<16xf32>,
      %add3A_491 = arith.addi %mul3A_0, %add3A_486 : i32
      %add3A_492 = vector.broadcast %add3A_491 : i32 to vector<16xi32>
      %add3A_493 = arith.addi %add3A_492, %iota3A : vector<16xi32>
      %mul3A_494 = arith.constant 205 : i32
      %mul3A_495 = vector.broadcast %mul3A_494 : i32 to vector<16xi32>
      %mul3A_496 = arith.muli %get3A_488, %mul3A_495 : vector<16xi32>
      %shift_right_arithmetic3A_497 = arith.constant 11 : i32
      %shift_right_arithmetic3A_498 = vector.broadcast %shift_right_arithmetic3A_497 : i32 to vector<16xi32>
      %shift_right_arithmetic3A_499 = arith.shrsi %mul3A_496, %shift_right_arithmetic3A_498 : vector<16xi32>
      %mul3A_500 = arith.constant 10 : i32
      %mul3A_501 = vector.broadcast %mul3A_500 : i32 to vector<16xi32>
      %mul3A_502 = arith.muli %shift_right_arithmetic3A_499, %mul3A_501 : vector<16xi32>
      %sub3A_503 = arith.subi %get3A_488, %mul3A_502 : vector<16xi32>
      %eq3A_504 = arith.constant 9 : i32
      %eq3A_505 = vector.broadcast %eq3A_504 : i32 to vector<16xi32>
      %eq3A_506 = arith.cmpi eq, %sub3A_503, %eq3A_505 : vector<16xi32>
      tpu.vector_store_idx %arg15[%shift_right_arithmetic3A_499], %broadcast_in_dim3A_3 masked %eq3A_506 {add = true} : memref<32xi32, #tpu.memory_space<vmem>>[vector<16xi32>], vector<16xi32>, vector<16xi1>
      %eq3A_507 = arith.constant 179 : i32
      %eq3A_508 = vector.broadcast %eq3A_507 : i32 to vector<16xi32>
      %eq3A_509 = arith.cmpi eq, %get3A_488, %eq3A_508 : vector<16xi32>
      %convert_element_type3A_510 = arith.extui %eq3A_509 : vector<16xi1> to vector<16xi32>
      %broadcast_in_dim3A_511 = arith.constant true
      %broadcast_in_dim3A_512 = vector.broadcast %broadcast_in_dim3A_511 : i1 to vector<16xi1>
      %masked_cumsum3A_513 = tpu.scan <sum>, %convert_element_type3A_510 masked %broadcast_in_dim3A_512 : vector<16xi32>, vector<16xi1> -> vector<16xi32>
      %eq3A_514 = arith.constant 189 : i32
      %eq3A_515 = vector.broadcast %eq3A_514 : i32 to vector<16xi32>
      %eq3A_516 = arith.cmpi eq, %get3A_488, %eq3A_515 : vector<16xi32>
      %convert_element_type3A_517 = arith.extui %eq3A_516 : vector<16xi1> to vector<16xi32>
      %broadcast_in_dim3A_518 = arith.constant true
      %broadcast_in_dim3A_519 = vector.broadcast %broadcast_in_dim3A_518 : i1 to vector<16xi1>
      %masked_cumsum3A_520 = tpu.scan <sum>, %convert_element_type3A_517 masked %broadcast_in_dim3A_519 : vector<16xi32>, vector<16xi1> -> vector<16xi32>
      %eq3A_521 = arith.constant 189 : i32
      %eq3A_522 = vector.broadcast %eq3A_521 : i32 to vector<16xi32>
      %eq3A_523 = arith.cmpi eq, %get3A_488, %eq3A_522 : vector<16xi32>
      %add3A_524 = arith.addi %add3A_464, %masked_cumsum3A_513 : vector<16xi32>
      %add3A_525 = arith.addi %add3A_470, %masked_cumsum3A_520 : vector<16xi32>
      %select_n3A_526 = arith.select %eq3A_523, %add3A_524, %add3A_525 : vector<16xi1>, vector<16xi32>
      %sub3A_527 = arith.subi %add3A_493, %select_n3A_526 : vector<16xi32>
      %swap3A_528 = arith.index_cast %add3A_486 : i32 to index
      %swap3A_529 = tpu.vector_load %arg8[%swap3A_528] {strides = array<i32>} : memref<4096xi32, #tpu.memory_space<vmem>>, vector<16xi32>,
      tpu.vector_store %arg8[%swap3A_528], %sub3A_527 {strides = array<i32>} : memref<4096xi32, #tpu.memory_space<vmem>>, vector<16xi32>,
      %broadcast_in_dim3A_530 = arith.constant 15 : i32
      %broadcast_in_dim3A_531 = vector.broadcast %broadcast_in_dim3A_530 : i32 to vector<16xi32>
      %broadcast_in_dim3A_532 = vector.shape_cast %broadcast_in_dim3A_531 : vector<16xi32> to vector<16x1xi32>
      %gather3A_533 = vector.shape_cast %broadcast_in_dim3A_532 : vector<16x1xi32> to vector<16xi32>
      %gather3A_534 = tpu.dynamic_gather %masked_cumsum3A_513[%gather3A_533] in [0] : vector<16xi32>, vector<16xi32> -> vector<16xi32>
      %add3A_535 = arith.addi %add3A_464, %gather3A_534 : vector<16xi32>
      %broadcast_in_dim3A_536 = arith.constant 15 : i32
      %broadcast_in_dim3A_537 = vector.broadcast %broadcast_in_dim3A_536 : i32 to vector<16xi32>
      %broadcast_in_dim3A_538 = vector.shape_cast %broadcast_in_dim3A_537 : vector<16xi32> to vector<16x1xi32>
      %gather3A_539 = vector.shape_cast %broadcast_in_dim3A_538 : vector<16x1xi32> to vector<16xi32>
      %gather3A_540 = tpu.dynamic_gather %masked_cumsum3A_520[%gather3A_539] in [0] : vector<16xi32>, vector<16xi32> -> vector<16xi32>
      %add3A_541 = arith.addi %add3A_470, %gather3A_540 : vector<16xi32>
      %add3A_542 = vector.broadcast %add3A_486 : i32 to vector<16xi32>
      %add3A_543 = arith.addi %add3A_542, %iota3A : vector<16xi32>
      %swap3A_544 = arith.index_cast %add3A_482 : i32 to index
      %swap3A_545 = tpu.vector_load %arg9[%swap3A_544] masked %eq3A_506 {strides = array<i32>} : memref<4112xi32, #tpu.memory_space<vmem>>, vector<16xi32>, vector<16xi1>
      tpu.vector_store %arg9[%swap3A_544], %add3A_543 masked %eq3A_506 {strides = array<i32>} : memref<4112xi32, #tpu.memory_space<vmem>>, vector<16xi32>, vector<16xi1>
      %swap3A_546 = arith.index_cast %add3A_482 : i32 to index
      %swap3A_547 = tpu.vector_load %arg10[%swap3A_546] masked %eq3A_506 {strides = array<i32>} : memref<4112xi32, #tpu.memory_space<vmem>>, vector<16xi32>, vector<16xi1>
      tpu.vector_store %arg10[%swap3A_546], %shift_right_arithmetic3A_499 masked %eq3A_506 {strides = array<i32>} : memref<4112xi32, #tpu.memory_space<vmem>>, vector<16xi32>, vector<16xi1>
      %convert_element_type3A_548 = arith.extui %eq3A_506 : vector<16xi1> to vector<16xi32>
      %reduce_sum3A_549 = arith.constant true
      %reduce_sum3A_550 = vector.broadcast %reduce_sum3A_549 : i1 to vector<16xi1>
      %reduce_sum3A_551 = tpu.scan <sum>, %convert_element_type3A_548 masked %reduce_sum3A_550 : vector<16xi32>, vector<16xi1> -> vector<16xi32>
      %reduce_sum3A_552 = vector.extract %reduce_sum3A_551[15] : i32 from vector<16xi32>
      %add3A_553 = arith.addi %add3A_482, %reduce_sum3A_552 : i32
      %mul3A_554 = arith.constant 128 : i32
      %mul3A_555 = arith.muli %scan3A_270, %mul3A_554 : i32
      %add3A_556 = arith.constant 64 : i32
      %add3A_557 = arith.addi %mul3A_555, %add3A_556 : i32
      %get3A_558 = arith.index_cast %add3A_557 : i32 to index
      %get3A_559 = tpu.vector_load %arg7[%get3A_558] {strides = array<i32>} : memref<4096xi32, #tpu.memory_space<vmem>>, vector<16xi32>,
      %swap3A_560 = arith.index_cast %add3A_557 : i32 to index
      %swap3A_561 = tpu.vector_load %arg13[%swap3A_560] {strides = array<i32>} : memref<4096xf32, #tpu.memory_space<vmem>>, vector<16xf32>,
      tpu.vector_store %arg13[%swap3A_560], %broadcast_in_dim3A_5 {strides = array<i32>} : memref<4096xf32, #tpu.memory_space<vmem>>, vector<16xf32>,
      %add3A_562 = arith.addi %mul3A_0, %add3A_557 : i32
      %add3A_563 = vector.broadcast %add3A_562 : i32 to vector<16xi32>
      %add3A_564 = arith.addi %add3A_563, %iota3A : vector<16xi32>
      %mul3A_565 = arith.constant 205 : i32
      %mul3A_566 = vector.broadcast %mul3A_565 : i32 to vector<16xi32>
      %mul3A_567 = arith.muli %get3A_559, %mul3A_566 : vector<16xi32>
      %shift_right_arithmetic3A_568 = arith.constant 11 : i32
      %shift_right_arithmetic3A_569 = vector.broadcast %shift_right_arithmetic3A_568 : i32 to vector<16xi32>
      %shift_right_arithmetic3A_570 = arith.shrsi %mul3A_567, %shift_right_arithmetic3A_569 : vector<16xi32>
      %mul3A_571 = arith.constant 10 : i32
      %mul3A_572 = vector.broadcast %mul3A_571 : i32 to vector<16xi32>
      %mul3A_573 = arith.muli %shift_right_arithmetic3A_570, %mul3A_572 : vector<16xi32>
      %sub3A_574 = arith.subi %get3A_559, %mul3A_573 : vector<16xi32>
      %eq3A_575 = arith.constant 9 : i32
      %eq3A_576 = vector.broadcast %eq3A_575 : i32 to vector<16xi32>
      %eq3A_577 = arith.cmpi eq, %sub3A_574, %eq3A_576 : vector<16xi32>
      tpu.vector_store_idx %arg15[%shift_right_arithmetic3A_570], %broadcast_in_dim3A_3 masked %eq3A_577 {add = true} : memref<32xi32, #tpu.memory_space<vmem>>[vector<16xi32>], vector<16xi32>, vector<16xi1>
      %eq3A_578 = arith.constant 179 : i32
      %eq3A_579 = vector.broadcast %eq3A_578 : i32 to vector<16xi32>
      %eq3A_580 = arith.cmpi eq, %get3A_559, %eq3A_579 : vector<16xi32>
      %convert_element_type3A_581 = arith.extui %eq3A_580 : vector<16xi1> to vector<16xi32>
      %broadcast_in_dim3A_582 = arith.constant true
      %broadcast_in_dim3A_583 = vector.broadcast %broadcast_in_dim3A_582 : i1 to vector<16xi1>
      %masked_cumsum3A_584 = tpu.scan <sum>, %convert_element_type3A_581 masked %broadcast_in_dim3A_583 : vector<16xi32>, vector<16xi1> -> vector<16xi32>
      %eq3A_585 = arith.constant 189 : i32
      %eq3A_586 = vector.broadcast %eq3A_585 : i32 to vector<16xi32>
      %eq3A_587 = arith.cmpi eq, %get3A_559, %eq3A_586 : vector<16xi32>
      %convert_element_type3A_588 = arith.extui %eq3A_587 : vector<16xi1> to vector<16xi32>
      %broadcast_in_dim3A_589 = arith.constant true
      %broadcast_in_dim3A_590 = vector.broadcast %broadcast_in_dim3A_589 : i1 to vector<16xi1>
      %masked_cumsum3A_591 = tpu.scan <sum>, %convert_element_type3A_588 masked %broadcast_in_dim3A_590 : vector<16xi32>, vector<16xi1> -> vector<16xi32>
      %eq3A_592 = arith.constant 189 : i32
      %eq3A_593 = vector.broadcast %eq3A_592 : i32 to vector<16xi32>
      %eq3A_594 = arith.cmpi eq, %get3A_559, %eq3A_593 : vector<16xi32>
      %add3A_595 = arith.addi %add3A_535, %masked_cumsum3A_584 : vector<16xi32>
      %add3A_596 = arith.addi %add3A_541, %masked_cumsum3A_591 : vector<16xi32>
      %select_n3A_597 = arith.select %eq3A_594, %add3A_595, %add3A_596 : vector<16xi1>, vector<16xi32>
      %sub3A_598 = arith.subi %add3A_564, %select_n3A_597 : vector<16xi32>
      %swap3A_599 = arith.index_cast %add3A_557 : i32 to index
      %swap3A_600 = tpu.vector_load %arg8[%swap3A_599] {strides = array<i32>} : memref<4096xi32, #tpu.memory_space<vmem>>, vector<16xi32>,
      tpu.vector_store %arg8[%swap3A_599], %sub3A_598 {strides = array<i32>} : memref<4096xi32, #tpu.memory_space<vmem>>, vector<16xi32>,
      %broadcast_in_dim3A_601 = arith.constant 15 : i32
      %broadcast_in_dim3A_602 = vector.broadcast %broadcast_in_dim3A_601 : i32 to vector<16xi32>
      %broadcast_in_dim3A_603 = vector.shape_cast %broadcast_in_dim3A_602 : vector<16xi32> to vector<16x1xi32>
      %gather3A_604 = vector.shape_cast %broadcast_in_dim3A_603 : vector<16x1xi32> to vector<16xi32>
      %gather3A_605 = tpu.dynamic_gather %masked_cumsum3A_584[%gather3A_604] in [0] : vector<16xi32>, vector<16xi32> -> vector<16xi32>
      %add3A_606 = arith.addi %add3A_535, %gather3A_605 : vector<16xi32>
      %broadcast_in_dim3A_607 = arith.constant 15 : i32
      %broadcast_in_dim3A_608 = vector.broadcast %broadcast_in_dim3A_607 : i32 to vector<16xi32>
      %broadcast_in_dim3A_609 = vector.shape_cast %broadcast_in_dim3A_608 : vector<16xi32> to vector<16x1xi32>
      %gather3A_610 = vector.shape_cast %broadcast_in_dim3A_609 : vector<16x1xi32> to vector<16xi32>
      %gather3A_611 = tpu.dynamic_gather %masked_cumsum3A_591[%gather3A_610] in [0] : vector<16xi32>, vector<16xi32> -> vector<16xi32>
      %add3A_612 = arith.addi %add3A_541, %gather3A_611 : vector<16xi32>
      %add3A_613 = vector.broadcast %add3A_557 : i32 to vector<16xi32>
      %add3A_614 = arith.addi %add3A_613, %iota3A : vector<16xi32>
      %swap3A_615 = arith.index_cast %add3A_553 : i32 to index
      %swap3A_616 = tpu.vector_load %arg9[%swap3A_615] masked %eq3A_577 {strides = array<i32>} : memref<4112xi32, #tpu.memory_space<vmem>>, vector<16xi32>, vector<16xi1>
      tpu.vector_store %arg9[%swap3A_615], %add3A_614 masked %eq3A_577 {strides = array<i32>} : memref<4112xi32, #tpu.memory_space<vmem>>, vector<16xi32>, vector<16xi1>
      %swap3A_617 = arith.index_cast %add3A_553 : i32 to index
      %swap3A_618 = tpu.vector_load %arg10[%swap3A_617] masked %eq3A_577 {strides = array<i32>} : memref<4112xi32, #tpu.memory_space<vmem>>, vector<16xi32>, vector<16xi1>
      tpu.vector_store %arg10[%swap3A_617], %shift_right_arithmetic3A_570 masked %eq3A_577 {strides = array<i32>} : memref<4112xi32, #tpu.memory_space<vmem>>, vector<16xi32>, vector<16xi1>
      %convert_element_type3A_619 = arith.extui %eq3A_577 : vector<16xi1> to vector<16xi32>
      %reduce_sum3A_620 = arith.constant true
      %reduce_sum3A_621 = vector.broadcast %reduce_sum3A_620 : i1 to vector<16xi1>
      %reduce_sum3A_622 = tpu.scan <sum>, %convert_element_type3A_619 masked %reduce_sum3A_621 : vector<16xi32>, vector<16xi1> -> vector<16xi32>
      %reduce_sum3A_623 = vector.extract %reduce_sum3A_622[15] : i32 from vector<16xi32>
      %add3A_624 = arith.addi %add3A_553, %reduce_sum3A_623 : i32
      %mul3A_625 = arith.constant 128 : i32
      %mul3A_626 = arith.muli %scan3A_270, %mul3A_625 : i32
      %add3A_627 = arith.constant 80 : i32
      %add3A_628 = arith.addi %mul3A_626, %add3A_627 : i32
      %get3A_629 = arith.index_cast %add3A_628 : i32 to index
      %get3A_630 = tpu.vector_load %arg7[%get3A_629] {strides = array<i32>} : memref<4096xi32, #tpu.memory_space<vmem>>, vector<16xi32>,
      %swap3A_631 = arith.index_cast %add3A_628 : i32 to index
      %swap3A_632 = tpu.vector_load %arg13[%swap3A_631] {strides = array<i32>} : memref<4096xf32, #tpu.memory_space<vmem>>, vector<16xf32>,
      tpu.vector_store %arg13[%swap3A_631], %broadcast_in_dim3A_5 {strides = array<i32>} : memref<4096xf32, #tpu.memory_space<vmem>>, vector<16xf32>,
      %add3A_633 = arith.addi %mul3A_0, %add3A_628 : i32
      %add3A_634 = vector.broadcast %add3A_633 : i32 to vector<16xi32>
      %add3A_635 = arith.addi %add3A_634, %iota3A : vector<16xi32>
      %mul3A_636 = arith.constant 205 : i32
      %mul3A_637 = vector.broadcast %mul3A_636 : i32 to vector<16xi32>
      %mul3A_638 = arith.muli %get3A_630, %mul3A_637 : vector<16xi32>
      %shift_right_arithmetic3A_639 = arith.constant 11 : i32
      %shift_right_arithmetic3A_640 = vector.broadcast %shift_right_arithmetic3A_639 : i32 to vector<16xi32>
      %shift_right_arithmetic3A_641 = arith.shrsi %mul3A_638, %shift_right_arithmetic3A_640 : vector<16xi32>
      %mul3A_642 = arith.constant 10 : i32
      %mul3A_643 = vector.broadcast %mul3A_642 : i32 to vector<16xi32>
      %mul3A_644 = arith.muli %shift_right_arithmetic3A_641, %mul3A_643 : vector<16xi32>
      %sub3A_645 = arith.subi %get3A_630, %mul3A_644 : vector<16xi32>
      %eq3A_646 = arith.constant 9 : i32
      %eq3A_647 = vector.broadcast %eq3A_646 : i32 to vector<16xi32>
      %eq3A_648 = arith.cmpi eq, %sub3A_645, %eq3A_647 : vector<16xi32>
      tpu.vector_store_idx %arg15[%shift_right_arithmetic3A_641], %broadcast_in_dim3A_3 masked %eq3A_648 {add = true} : memref<32xi32, #tpu.memory_space<vmem>>[vector<16xi32>], vector<16xi32>, vector<16xi1>
      %eq3A_649 = arith.constant 179 : i32
      %eq3A_650 = vector.broadcast %eq3A_649 : i32 to vector<16xi32>
      %eq3A_651 = arith.cmpi eq, %get3A_630, %eq3A_650 : vector<16xi32>
      %convert_element_type3A_652 = arith.extui %eq3A_651 : vector<16xi1> to vector<16xi32>
      %broadcast_in_dim3A_653 = arith.constant true
      %broadcast_in_dim3A_654 = vector.broadcast %broadcast_in_dim3A_653 : i1 to vector<16xi1>
      %masked_cumsum3A_655 = tpu.scan <sum>, %convert_element_type3A_652 masked %broadcast_in_dim3A_654 : vector<16xi32>, vector<16xi1> -> vector<16xi32>
      %eq3A_656 = arith.constant 189 : i32
      %eq3A_657 = vector.broadcast %eq3A_656 : i32 to vector<16xi32>
      %eq3A_658 = arith.cmpi eq, %get3A_630, %eq3A_657 : vector<16xi32>
      %convert_element_type3A_659 = arith.extui %eq3A_658 : vector<16xi1> to vector<16xi32>
      %broadcast_in_dim3A_660 = arith.constant true
      %broadcast_in_dim3A_661 = vector.broadcast %broadcast_in_dim3A_660 : i1 to vector<16xi1>
      %masked_cumsum3A_662 = tpu.scan <sum>, %convert_element_type3A_659 masked %broadcast_in_dim3A_661 : vector<16xi32>, vector<16xi1> -> vector<16xi32>
      %eq3A_663 = arith.constant 189 : i32
      %eq3A_664 = vector.broadcast %eq3A_663 : i32 to vector<16xi32>
      %eq3A_665 = arith.cmpi eq, %get3A_630, %eq3A_664 : vector<16xi32>
      %add3A_666 = arith.addi %add3A_606, %masked_cumsum3A_655 : vector<16xi32>
      %add3A_667 = arith.addi %add3A_612, %masked_cumsum3A_662 : vector<16xi32>
      %select_n3A_668 = arith.select %eq3A_665, %add3A_666, %add3A_667 : vector<16xi1>, vector<16xi32>
      %sub3A_669 = arith.subi %add3A_635, %select_n3A_668 : vector<16xi32>
      %swap3A_670 = arith.index_cast %add3A_628 : i32 to index
      %swap3A_671 = tpu.vector_load %arg8[%swap3A_670] {strides = array<i32>} : memref<4096xi32, #tpu.memory_space<vmem>>, vector<16xi32>,
      tpu.vector_store %arg8[%swap3A_670], %sub3A_669 {strides = array<i32>} : memref<4096xi32, #tpu.memory_space<vmem>>, vector<16xi32>,
      %broadcast_in_dim3A_672 = arith.constant 15 : i32
      %broadcast_in_dim3A_673 = vector.broadcast %broadcast_in_dim3A_672 : i32 to vector<16xi32>
      %broadcast_in_dim3A_674 = vector.shape_cast %broadcast_in_dim3A_673 : vector<16xi32> to vector<16x1xi32>
      %gather3A_675 = vector.shape_cast %broadcast_in_dim3A_674 : vector<16x1xi32> to vector<16xi32>
      %gather3A_676 = tpu.dynamic_gather %masked_cumsum3A_655[%gather3A_675] in [0] : vector<16xi32>, vector<16xi32> -> vector<16xi32>
      %add3A_677 = arith.addi %add3A_606, %gather3A_676 : vector<16xi32>
      %broadcast_in_dim3A_678 = arith.constant 15 : i32
      %broadcast_in_dim3A_679 = vector.broadcast %broadcast_in_dim3A_678 : i32 to vector<16xi32>
      %broadcast_in_dim3A_680 = vector.shape_cast %broadcast_in_dim3A_679 : vector<16xi32> to vector<16x1xi32>
      %gather3A_681 = vector.shape_cast %broadcast_in_dim3A_680 : vector<16x1xi32> to vector<16xi32>
      %gather3A_682 = tpu.dynamic_gather %masked_cumsum3A_662[%gather3A_681] in [0] : vector<16xi32>, vector<16xi32> -> vector<16xi32>
      %add3A_683 = arith.addi %add3A_612, %gather3A_682 : vector<16xi32>
      %add3A_684 = vector.broadcast %add3A_628 : i32 to vector<16xi32>
      %add3A_685 = arith.addi %add3A_684, %iota3A : vector<16xi32>
      %swap3A_686 = arith.index_cast %add3A_624 : i32 to index
      %swap3A_687 = tpu.vector_load %arg9[%swap3A_686] masked %eq3A_648 {strides = array<i32>} : memref<4112xi32, #tpu.memory_space<vmem>>, vector<16xi32>, vector<16xi1>
      tpu.vector_store %arg9[%swap3A_686], %add3A_685 masked %eq3A_648 {strides = array<i32>} : memref<4112xi32, #tpu.memory_space<vmem>>, vector<16xi32>, vector<16xi1>
      %swap3A_688 = arith.index_cast %add3A_624 : i32 to index
      %swap3A_689 = tpu.vector_load %arg10[%swap3A_688] masked %eq3A_648 {strides = array<i32>} : memref<4112xi32, #tpu.memory_space<vmem>>, vector<16xi32>, vector<16xi1>
      tpu.vector_store %arg10[%swap3A_688], %shift_right_arithmetic3A_641 masked %eq3A_648 {strides = array<i32>} : memref<4112xi32, #tpu.memory_space<vmem>>, vector<16xi32>, vector<16xi1>
      %convert_element_type3A_690 = arith.extui %eq3A_648 : vector<16xi1> to vector<16xi32>
      %reduce_sum3A_691 = arith.constant true
      %reduce_sum3A_692 = vector.broadcast %reduce_sum3A_691 : i1 to vector<16xi1>
      %reduce_sum3A_693 = tpu.scan <sum>, %convert_element_type3A_690 masked %reduce_sum3A_692 : vector<16xi32>, vector<16xi1> -> vector<16xi32>
      %reduce_sum3A_694 = vector.extract %reduce_sum3A_693[15] : i32 from vector<16xi32>
      %add3A_695 = arith.addi %add3A_624, %reduce_sum3A_694 : i32
      %mul3A_696 = arith.constant 128 : i32
      %mul3A_697 = arith.muli %scan3A_270, %mul3A_696 : i32
      %add3A_698 = arith.constant 96 : i32
      %add3A_699 = arith.addi %mul3A_697, %add3A_698 : i32
      %get3A_700 = arith.index_cast %add3A_699 : i32 to index
      %get3A_701 = tpu.vector_load %arg7[%get3A_700] {strides = array<i32>} : memref<4096xi32, #tpu.memory_space<vmem>>, vector<16xi32>,
      %swap3A_702 = arith.index_cast %add3A_699 : i32 to index
      %swap3A_703 = tpu.vector_load %arg13[%swap3A_702] {strides = array<i32>} : memref<4096xf32, #tpu.memory_space<vmem>>, vector<16xf32>,
      tpu.vector_store %arg13[%swap3A_702], %broadcast_in_dim3A_5 {strides = array<i32>} : memref<4096xf32, #tpu.memory_space<vmem>>, vector<16xf32>,
      %add3A_704 = arith.addi %mul3A_0, %add3A_699 : i32
      %add3A_705 = vector.broadcast %add3A_704 : i32 to vector<16xi32>
      %add3A_706 = arith.addi %add3A_705, %iota3A : vector<16xi32>
      %mul3A_707 = arith.constant 205 : i32
      %mul3A_708 = vector.broadcast %mul3A_707 : i32 to vector<16xi32>
      %mul3A_709 = arith.muli %get3A_701, %mul3A_708 : vector<16xi32>
      %shift_right_arithmetic3A_710 = arith.constant 11 : i32
      %shift_right_arithmetic3A_711 = vector.broadcast %shift_right_arithmetic3A_710 : i32 to vector<16xi32>
      %shift_right_arithmetic3A_712 = arith.shrsi %mul3A_709, %shift_right_arithmetic3A_711 : vector<16xi32>
      %mul3A_713 = arith.constant 10 : i32
      %mul3A_714 = vector.broadcast %mul3A_713 : i32 to vector<16xi32>
      %mul3A_715 = arith.muli %shift_right_arithmetic3A_712, %mul3A_714 : vector<16xi32>
      %sub3A_716 = arith.subi %get3A_701, %mul3A_715 : vector<16xi32>
      %eq3A_717 = arith.constant 9 : i32
      %eq3A_718 = vector.broadcast %eq3A_717 : i32 to vector<16xi32>
      %eq3A_719 = arith.cmpi eq, %sub3A_716, %eq3A_718 : vector<16xi32>
      tpu.vector_store_idx %arg15[%shift_right_arithmetic3A_712], %broadcast_in_dim3A_3 masked %eq3A_719 {add = true} : memref<32xi32, #tpu.memory_space<vmem>>[vector<16xi32>], vector<16xi32>, vector<16xi1>
      %eq3A_720 = arith.constant 179 : i32
      %eq3A_721 = vector.broadcast %eq3A_720 : i32 to vector<16xi32>
      %eq3A_722 = arith.cmpi eq, %get3A_701, %eq3A_721 : vector<16xi32>
      %convert_element_type3A_723 = arith.extui %eq3A_722 : vector<16xi1> to vector<16xi32>
      %broadcast_in_dim3A_724 = arith.constant true
      %broadcast_in_dim3A_725 = vector.broadcast %broadcast_in_dim3A_724 : i1 to vector<16xi1>
      %masked_cumsum3A_726 = tpu.scan <sum>, %convert_element_type3A_723 masked %broadcast_in_dim3A_725 : vector<16xi32>, vector<16xi1> -> vector<16xi32>
      %eq3A_727 = arith.constant 189 : i32
      %eq3A_728 = vector.broadcast %eq3A_727 : i32 to vector<16xi32>
      %eq3A_729 = arith.cmpi eq, %get3A_701, %eq3A_728 : vector<16xi32>
      %convert_element_type3A_730 = arith.extui %eq3A_729 : vector<16xi1> to vector<16xi32>
      %broadcast_in_dim3A_731 = arith.constant true
      %broadcast_in_dim3A_732 = vector.broadcast %broadcast_in_dim3A_731 : i1 to vector<16xi1>
      %masked_cumsum3A_733 = tpu.scan <sum>, %convert_element_type3A_730 masked %broadcast_in_dim3A_732 : vector<16xi32>, vector<16xi1> -> vector<16xi32>
      %eq3A_734 = arith.constant 189 : i32
      %eq3A_735 = vector.broadcast %eq3A_734 : i32 to vector<16xi32>
      %eq3A_736 = arith.cmpi eq, %get3A_701, %eq3A_735 : vector<16xi32>
      %add3A_737 = arith.addi %add3A_677, %masked_cumsum3A_726 : vector<16xi32>
      %add3A_738 = arith.addi %add3A_683, %masked_cumsum3A_733 : vector<16xi32>
      %select_n3A_739 = arith.select %eq3A_736, %add3A_737, %add3A_738 : vector<16xi1>, vector<16xi32>
      %sub3A_740 = arith.subi %add3A_706, %select_n3A_739 : vector<16xi32>
      %swap3A_741 = arith.index_cast %add3A_699 : i32 to index
      %swap3A_742 = tpu.vector_load %arg8[%swap3A_741] {strides = array<i32>} : memref<4096xi32, #tpu.memory_space<vmem>>, vector<16xi32>,
      tpu.vector_store %arg8[%swap3A_741], %sub3A_740 {strides = array<i32>} : memref<4096xi32, #tpu.memory_space<vmem>>, vector<16xi32>,
      %broadcast_in_dim3A_743 = arith.constant 15 : i32
      %broadcast_in_dim3A_744 = vector.broadcast %broadcast_in_dim3A_743 : i32 to vector<16xi32>
      %broadcast_in_dim3A_745 = vector.shape_cast %broadcast_in_dim3A_744 : vector<16xi32> to vector<16x1xi32>
      %gather3A_746 = vector.shape_cast %broadcast_in_dim3A_745 : vector<16x1xi32> to vector<16xi32>
      %gather3A_747 = tpu.dynamic_gather %masked_cumsum3A_726[%gather3A_746] in [0] : vector<16xi32>, vector<16xi32> -> vector<16xi32>
      %add3A_748 = arith.addi %add3A_677, %gather3A_747 : vector<16xi32>
      %broadcast_in_dim3A_749 = arith.constant 15 : i32
      %broadcast_in_dim3A_750 = vector.broadcast %broadcast_in_dim3A_749 : i32 to vector<16xi32>
      %broadcast_in_dim3A_751 = vector.shape_cast %broadcast_in_dim3A_750 : vector<16xi32> to vector<16x1xi32>
      %gather3A_752 = vector.shape_cast %broadcast_in_dim3A_751 : vector<16x1xi32> to vector<16xi32>
      %gather3A_753 = tpu.dynamic_gather %masked_cumsum3A_733[%gather3A_752] in [0] : vector<16xi32>, vector<16xi32> -> vector<16xi32>
      %add3A_754 = arith.addi %add3A_683, %gather3A_753 : vector<16xi32>
      %add3A_755 = vector.broadcast %add3A_699 : i32 to vector<16xi32>
      %add3A_756 = arith.addi %add3A_755, %iota3A : vector<16xi32>
      %swap3A_757 = arith.index_cast %add3A_695 : i32 to index
      %swap3A_758 = tpu.vector_load %arg9[%swap3A_757] masked %eq3A_719 {strides = array<i32>} : memref<4112xi32, #tpu.memory_space<vmem>>, vector<16xi32>, vector<16xi1>
      tpu.vector_store %arg9[%swap3A_757], %add3A_756 masked %eq3A_719 {strides = array<i32>} : memref<4112xi32, #tpu.memory_space<vmem>>, vector<16xi32>, vector<16xi1>
      %swap3A_759 = arith.index_cast %add3A_695 : i32 to index
      %swap3A_760 = tpu.vector_load %arg10[%swap3A_759] masked %eq3A_719 {strides = array<i32>} : memref<4112xi32, #tpu.memory_space<vmem>>, vector<16xi32>, vector<16xi1>
      tpu.vector_store %arg10[%swap3A_759], %shift_right_arithmetic3A_712 masked %eq3A_719 {strides = array<i32>} : memref<4112xi32, #tpu.memory_space<vmem>>, vector<16xi32>, vector<16xi1>
      %convert_element_type3A_761 = arith.extui %eq3A_719 : vector<16xi1> to vector<16xi32>
      %reduce_sum3A_762 = arith.constant true
      %reduce_sum3A_763 = vector.broadcast %reduce_sum3A_762 : i1 to vector<16xi1>
      %reduce_sum3A_764 = tpu.scan <sum>, %convert_element_type3A_761 masked %reduce_sum3A_763 : vector<16xi32>, vector<16xi1> -> vector<16xi32>
      %reduce_sum3A_765 = vector.extract %reduce_sum3A_764[15] : i32 from vector<16xi32>
      %add3A_766 = arith.addi %add3A_695, %reduce_sum3A_765 : i32
      %mul3A_767 = arith.constant 128 : i32
      %mul3A_768 = arith.muli %scan3A_270, %mul3A_767 : i32
      %add3A_769 = arith.constant 112 : i32
      %add3A_770 = arith.addi %mul3A_768, %add3A_769 : i32
      %get3A_771 = arith.index_cast %add3A_770 : i32 to index
      %get3A_772 = tpu.vector_load %arg7[%get3A_771] {strides = array<i32>} : memref<4096xi32, #tpu.memory_space<vmem>>, vector<16xi32>,
      %swap3A_773 = arith.index_cast %add3A_770 : i32 to index
      %swap3A_774 = tpu.vector_load %arg13[%swap3A_773] {strides = array<i32>} : memref<4096xf32, #tpu.memory_space<vmem>>, vector<16xf32>,
      tpu.vector_store %arg13[%swap3A_773], %broadcast_in_dim3A_5 {strides = array<i32>} : memref<4096xf32, #tpu.memory_space<vmem>>, vector<16xf32>,
      %add3A_775 = arith.addi %mul3A_0, %add3A_770 : i32
      %add3A_776 = vector.broadcast %add3A_775 : i32 to vector<16xi32>
      %add3A_777 = arith.addi %add3A_776, %iota3A : vector<16xi32>
      %mul3A_778 = arith.constant 205 : i32
      %mul3A_779 = vector.broadcast %mul3A_778 : i32 to vector<16xi32>
      %mul3A_780 = arith.muli %get3A_772, %mul3A_779 : vector<16xi32>
      %shift_right_arithmetic3A_781 = arith.constant 11 : i32
      %shift_right_arithmetic3A_782 = vector.broadcast %shift_right_arithmetic3A_781 : i32 to vector<16xi32>
      %shift_right_arithmetic3A_783 = arith.shrsi %mul3A_780, %shift_right_arithmetic3A_782 : vector<16xi32>
      %mul3A_784 = arith.constant 10 : i32
      %mul3A_785 = vector.broadcast %mul3A_784 : i32 to vector<16xi32>
      %mul3A_786 = arith.muli %shift_right_arithmetic3A_783, %mul3A_785 : vector<16xi32>
      %sub3A_787 = arith.subi %get3A_772, %mul3A_786 : vector<16xi32>
      %eq3A_788 = arith.constant 9 : i32
      %eq3A_789 = vector.broadcast %eq3A_788 : i32 to vector<16xi32>
      %eq3A_790 = arith.cmpi eq, %sub3A_787, %eq3A_789 : vector<16xi32>
      tpu.vector_store_idx %arg15[%shift_right_arithmetic3A_783], %broadcast_in_dim3A_3 masked %eq3A_790 {add = true} : memref<32xi32, #tpu.memory_space<vmem>>[vector<16xi32>], vector<16xi32>, vector<16xi1>
      %eq3A_791 = arith.constant 179 : i32
      %eq3A_792 = vector.broadcast %eq3A_791 : i32 to vector<16xi32>
      %eq3A_793 = arith.cmpi eq, %get3A_772, %eq3A_792 : vector<16xi32>
      %convert_element_type3A_794 = arith.extui %eq3A_793 : vector<16xi1> to vector<16xi32>
      %broadcast_in_dim3A_795 = arith.constant true
      %broadcast_in_dim3A_796 = vector.broadcast %broadcast_in_dim3A_795 : i1 to vector<16xi1>
      %masked_cumsum3A_797 = tpu.scan <sum>, %convert_element_type3A_794 masked %broadcast_in_dim3A_796 : vector<16xi32>, vector<16xi1> -> vector<16xi32>
      %eq3A_798 = arith.constant 189 : i32
      %eq3A_799 = vector.broadcast %eq3A_798 : i32 to vector<16xi32>
      %eq3A_800 = arith.cmpi eq, %get3A_772, %eq3A_799 : vector<16xi32>
      %convert_element_type3A_801 = arith.extui %eq3A_800 : vector<16xi1> to vector<16xi32>
      %broadcast_in_dim3A_802 = arith.constant true
      %broadcast_in_dim3A_803 = vector.broadcast %broadcast_in_dim3A_802 : i1 to vector<16xi1>
      %masked_cumsum3A_804 = tpu.scan <sum>, %convert_element_type3A_801 masked %broadcast_in_dim3A_803 : vector<16xi32>, vector<16xi1> -> vector<16xi32>
      %eq3A_805 = arith.constant 189 : i32
      %eq3A_806 = vector.broadcast %eq3A_805 : i32 to vector<16xi32>
      %eq3A_807 = arith.cmpi eq, %get3A_772, %eq3A_806 : vector<16xi32>
      %add3A_808 = arith.addi %add3A_748, %masked_cumsum3A_797 : vector<16xi32>
      %add3A_809 = arith.addi %add3A_754, %masked_cumsum3A_804 : vector<16xi32>
      %select_n3A_810 = arith.select %eq3A_807, %add3A_808, %add3A_809 : vector<16xi1>, vector<16xi32>
      %sub3A_811 = arith.subi %add3A_777, %select_n3A_810 : vector<16xi32>
      %swap3A_812 = arith.index_cast %add3A_770 : i32 to index
      %swap3A_813 = tpu.vector_load %arg8[%swap3A_812] {strides = array<i32>} : memref<4096xi32, #tpu.memory_space<vmem>>, vector<16xi32>,
      tpu.vector_store %arg8[%swap3A_812], %sub3A_811 {strides = array<i32>} : memref<4096xi32, #tpu.memory_space<vmem>>, vector<16xi32>,
      %broadcast_in_dim3A_814 = arith.constant 15 : i32
      %broadcast_in_dim3A_815 = vector.broadcast %broadcast_in_dim3A_814 : i32 to vector<16xi32>
      %broadcast_in_dim3A_816 = vector.shape_cast %broadcast_in_dim3A_815 : vector<16xi32> to vector<16x1xi32>
      %gather3A_817 = vector.shape_cast %broadcast_in_dim3A_816 : vector<16x1xi32> to vector<16xi32>
      %gather3A_818 = tpu.dynamic_gather %masked_cumsum3A_797[%gather3A_817] in [0] : vector<16xi32>, vector<16xi32> -> vector<16xi32>
      %add3A_819 = arith.addi %add3A_748, %gather3A_818 : vector<16xi32>
      %broadcast_in_dim3A_820 = arith.constant 15 : i32
      %broadcast_in_dim3A_821 = vector.broadcast %broadcast_in_dim3A_820 : i32 to vector<16xi32>
      %broadcast_in_dim3A_822 = vector.shape_cast %broadcast_in_dim3A_821 : vector<16xi32> to vector<16x1xi32>
      %gather3A_823 = vector.shape_cast %broadcast_in_dim3A_822 : vector<16x1xi32> to vector<16xi32>
      %gather3A_824 = tpu.dynamic_gather %masked_cumsum3A_804[%gather3A_823] in [0] : vector<16xi32>, vector<16xi32> -> vector<16xi32>
      %add3A_825 = arith.addi %add3A_754, %gather3A_824 : vector<16xi32>
      %add3A_826 = vector.broadcast %add3A_770 : i32 to vector<16xi32>
      %add3A_827 = arith.addi %add3A_826, %iota3A : vector<16xi32>
      %swap3A_828 = arith.index_cast %add3A_766 : i32 to index
      %swap3A_829 = tpu.vector_load %arg9[%swap3A_828] masked %eq3A_790 {strides = array<i32>} : memref<4112xi32, #tpu.memory_space<vmem>>, vector<16xi32>, vector<16xi1>
      tpu.vector_store %arg9[%swap3A_828], %add3A_827 masked %eq3A_790 {strides = array<i32>} : memref<4112xi32, #tpu.memory_space<vmem>>, vector<16xi32>, vector<16xi1>
      %swap3A_830 = arith.index_cast %add3A_766 : i32 to index
      %swap3A_831 = tpu.vector_load %arg10[%swap3A_830] masked %eq3A_790 {strides = array<i32>} : memref<4112xi32, #tpu.memory_space<vmem>>, vector<16xi32>, vector<16xi1>
      tpu.vector_store %arg10[%swap3A_830], %shift_right_arithmetic3A_783 masked %eq3A_790 {strides = array<i32>} : memref<4112xi32, #tpu.memory_space<vmem>>, vector<16xi32>, vector<16xi1>
      %convert_element_type3A_832 = arith.extui %eq3A_790 : vector<16xi1> to vector<16xi32>
      %reduce_sum3A_833 = arith.constant true
      %reduce_sum3A_834 = vector.broadcast %reduce_sum3A_833 : i1 to vector<16xi1>
      %reduce_sum3A_835 = tpu.scan <sum>, %convert_element_type3A_832 masked %reduce_sum3A_834 : vector<16xi32>, vector<16xi1> -> vector<16xi32>
      %reduce_sum3A_836 = vector.extract %reduce_sum3A_835[15] : i32 from vector<16xi32>
      %add3A_837 = arith.addi %add3A_766, %reduce_sum3A_836 : i32
      scf.yield %add3A_837, %add3A_819, %add3A_825 : i32, vector<16xi32>, vector<16xi32>
    }
    %scan3A_14 = arith.constant 32 : i32
    "tpu.region"() ({
      %run_scoped3A = tpu.sem_alloc : memref<!tpu.dma_semaphore, #tpu.memory_space<semaphore_mem>>
      %dma_start3A = arith.constant 0 : i32
      %dma_start3A_270 = tpu.memref_slice %arg6[%arg1, %dma_start3A] : memref<16x32xi32, #tpu.memory_space<hbm>> -> memref<1x32xi32, #tpu.memory_space<hbm>>
      %dma_start3A_271 = tpu.memref_squeeze %dma_start3A_270 : memref<1x32xi32, #tpu.memory_space<hbm>> -> memref<32xi32, #tpu.memory_space<hbm>>
      %dma_start3A_272 = arith.constant 0 : i32
      %dma_start3A_273 = tpu.memref_slice %arg6[%arg1, %dma_start3A_272] : memref<16x32xi32, #tpu.memory_space<hbm>> -> memref<1x32xi32, #tpu.memory_space<hbm>>
      %dma_start3A_274 = tpu.memref_squeeze %dma_start3A_273 : memref<1x32xi32, #tpu.memory_space<hbm>> -> memref<32xi32, #tpu.memory_space<hbm>>
      tpu.enqueue_dma source(%arg15 : memref<32xi32, #tpu.memory_space<vmem>>) target(%dma_start3A_274 : memref<32xi32, #tpu.memory_space<hbm>>) target_semaphore(%run_scoped3A : memref<!tpu.dma_semaphore, #tpu.memory_space<semaphore_mem>>)
      %dma_wait3A = arith.constant 0 : i32
      %dma_wait3A_275 = tpu.memref_slice %arg6[%arg1, %dma_wait3A] : memref<16x32xi32, #tpu.memory_space<hbm>> -> memref<1x32xi32, #tpu.memory_space<hbm>>
      %dma_wait3A_276 = tpu.memref_squeeze %dma_wait3A_275 : memref<1x32xi32, #tpu.memory_space<hbm>> -> memref<32xi32, #tpu.memory_space<hbm>>
      %dma_wait3A_277 = arith.constant 0 : i32
      %dma_wait3A_278 = tpu.memref_slice %arg6[%arg1, %dma_wait3A_277] : memref<16x32xi32, #tpu.memory_space<hbm>> -> memref<1x32xi32, #tpu.memory_space<hbm>>
      %dma_wait3A_279 = tpu.memref_squeeze %dma_wait3A_278 : memref<1x32xi32, #tpu.memory_space<hbm>> -> memref<32xi32, #tpu.memory_space<hbm>>
      tpu.wait_dma2 semaphore(%run_scoped3A : memref<!tpu.dma_semaphore, #tpu.memory_space<semaphore_mem>>) src(%arg15 : memref<32xi32, #tpu.memory_space<vmem>>) dst(%dma_wait3A_279 : memref<32xi32, #tpu.memory_space<hbm>>)
      tpu.yield
    }) : () -> ()
    tpu.wait_dma2 semaphore(%arg16 : memref<!tpu.dma_semaphore, #tpu.memory_space<semaphore_mem>>) src(%arg3 : memref<65536xf32, #tpu.memory_space<hbm>>) dst(%arg12 : memref<65536xf32, #tpu.memory_space<vmem>>)
    %barrier3A = arith.constant 0 : index
    tpu.barrier barrier_id(%barrier3A)
    "tpu.region"() ({
      %run_scoped3A = tpu.sem_alloc : memref<!tpu.dma_semaphore, #tpu.memory_space<semaphore_mem>>
      tpu.enqueue_dma source(%arg6 : memref<16x32xi32, #tpu.memory_space<hbm>>) target(%arg11 : memref<16x32xi32, #tpu.memory_space<vmem>>) target_semaphore(%run_scoped3A : memref<!tpu.dma_semaphore, #tpu.memory_space<semaphore_mem>>)
      tpu.wait_dma2 semaphore(%run_scoped3A : memref<!tpu.dma_semaphore, #tpu.memory_space<semaphore_mem>>) src(%arg6 : memref<16x32xi32, #tpu.memory_space<hbm>>) dst(%arg11 : memref<16x32xi32, #tpu.memory_space<vmem>>)
      tpu.yield
    }) : () -> ()
    %gt3A = arith.constant 0 : i32
    %gt3A_15 = arith.cmpi sgt, %arg1, %gt3A : i32
    %get3A = arith.constant 0 : i32
    %get3A_16 = arith.index_cast %get3A : i32 to index
    %get3A_17 = arith.constant 0 : index
    %get3A_18 = tpu.vector_load %arg11[%get3A_16, %get3A_17] {strides = array<i32>} : memref<16x32xi32, #tpu.memory_space<vmem>>, vector<16xi32>,
    %select_n3A = arith.select %gt3A_15, %get3A_18, %broadcast_in_dim3A_1 : vector<16xi32>
    %add3A = arith.addi %broadcast_in_dim3A_1, %select_n3A : vector<16xi32>
    %get3A_19 = arith.constant 0 : i32
    %get3A_20 = arith.index_cast %get3A_19 : i32 to index
    %get3A_21 = arith.constant 16 : index
    %get3A_22 = tpu.vector_load %arg11[%get3A_20, %get3A_21] {strides = array<i32>} : memref<16x32xi32, #tpu.memory_space<vmem>>, vector<16xi32>,
    %select_n3A_23 = arith.select %gt3A_15, %get3A_22, %broadcast_in_dim3A_1 : vector<16xi32>
    %add3A_24 = arith.addi %broadcast_in_dim3A_1, %select_n3A_23 : vector<16xi32>
    %gt3A_25 = arith.constant 1 : i32
    %gt3A_26 = arith.cmpi sgt, %arg1, %gt3A_25 : i32
    %get3A_27 = arith.constant 1 : i32
    %get3A_28 = arith.index_cast %get3A_27 : i32 to index
    %get3A_29 = arith.constant 0 : index
    %get3A_30 = tpu.vector_load %arg11[%get3A_28, %get3A_29] {strides = array<i32>} : memref<16x32xi32, #tpu.memory_space<vmem>>, vector<16xi32>,
    %select_n3A_31 = arith.select %gt3A_26, %get3A_30, %broadcast_in_dim3A_1 : vector<16xi32>
    %add3A_32 = arith.addi %add3A, %select_n3A_31 : vector<16xi32>
    %get3A_33 = arith.constant 1 : i32
    %get3A_34 = arith.index_cast %get3A_33 : i32 to index
    %get3A_35 = arith.constant 16 : index
    %get3A_36 = tpu.vector_load %arg11[%get3A_34, %get3A_35] {strides = array<i32>} : memref<16x32xi32, #tpu.memory_space<vmem>>, vector<16xi32>,
    %select_n3A_37 = arith.select %gt3A_26, %get3A_36, %broadcast_in_dim3A_1 : vector<16xi32>
    %add3A_38 = arith.addi %add3A_24, %select_n3A_37 : vector<16xi32>
    %gt3A_39 = arith.constant 2 : i32
    %gt3A_40 = arith.cmpi sgt, %arg1, %gt3A_39 : i32
    %get3A_41 = arith.constant 2 : i32
    %get3A_42 = arith.index_cast %get3A_41 : i32 to index
    %get3A_43 = arith.constant 0 : index
    %get3A_44 = tpu.vector_load %arg11[%get3A_42, %get3A_43] {strides = array<i32>} : memref<16x32xi32, #tpu.memory_space<vmem>>, vector<16xi32>,
    %select_n3A_45 = arith.select %gt3A_40, %get3A_44, %broadcast_in_dim3A_1 : vector<16xi32>
    %add3A_46 = arith.addi %add3A_32, %select_n3A_45 : vector<16xi32>
    %get3A_47 = arith.constant 2 : i32
    %get3A_48 = arith.index_cast %get3A_47 : i32 to index
    %get3A_49 = arith.constant 16 : index
    %get3A_50 = tpu.vector_load %arg11[%get3A_48, %get3A_49] {strides = array<i32>} : memref<16x32xi32, #tpu.memory_space<vmem>>, vector<16xi32>,
    %select_n3A_51 = arith.select %gt3A_40, %get3A_50, %broadcast_in_dim3A_1 : vector<16xi32>
    %add3A_52 = arith.addi %add3A_38, %select_n3A_51 : vector<16xi32>
    %gt3A_53 = arith.constant 3 : i32
    %gt3A_54 = arith.cmpi sgt, %arg1, %gt3A_53 : i32
    %get3A_55 = arith.constant 3 : i32
    %get3A_56 = arith.index_cast %get3A_55 : i32 to index
    %get3A_57 = arith.constant 0 : index
    %get3A_58 = tpu.vector_load %arg11[%get3A_56, %get3A_57] {strides = array<i32>} : memref<16x32xi32, #tpu.memory_space<vmem>>, vector<16xi32>,
    %select_n3A_59 = arith.select %gt3A_54, %get3A_58, %broadcast_in_dim3A_1 : vector<16xi32>
    %add3A_60 = arith.addi %add3A_46, %select_n3A_59 : vector<16xi32>
    %get3A_61 = arith.constant 3 : i32
    %get3A_62 = arith.index_cast %get3A_61 : i32 to index
    %get3A_63 = arith.constant 16 : index
    %get3A_64 = tpu.vector_load %arg11[%get3A_62, %get3A_63] {strides = array<i32>} : memref<16x32xi32, #tpu.memory_space<vmem>>, vector<16xi32>,
    %select_n3A_65 = arith.select %gt3A_54, %get3A_64, %broadcast_in_dim3A_1 : vector<16xi32>
    %add3A_66 = arith.addi %add3A_52, %select_n3A_65 : vector<16xi32>
    %gt3A_67 = arith.constant 4 : i32
    %gt3A_68 = arith.cmpi sgt, %arg1, %gt3A_67 : i32
    %get3A_69 = arith.constant 4 : i32
    %get3A_70 = arith.index_cast %get3A_69 : i32 to index
    %get3A_71 = arith.constant 0 : index
    %get3A_72 = tpu.vector_load %arg11[%get3A_70, %get3A_71] {strides = array<i32>} : memref<16x32xi32, #tpu.memory_space<vmem>>, vector<16xi32>,
    %select_n3A_73 = arith.select %gt3A_68, %get3A_72, %broadcast_in_dim3A_1 : vector<16xi32>
    %add3A_74 = arith.addi %add3A_60, %select_n3A_73 : vector<16xi32>
    %get3A_75 = arith.constant 4 : i32
    %get3A_76 = arith.index_cast %get3A_75 : i32 to index
    %get3A_77 = arith.constant 16 : index
    %get3A_78 = tpu.vector_load %arg11[%get3A_76, %get3A_77] {strides = array<i32>} : memref<16x32xi32, #tpu.memory_space<vmem>>, vector<16xi32>,
    %select_n3A_79 = arith.select %gt3A_68, %get3A_78, %broadcast_in_dim3A_1 : vector<16xi32>
    %add3A_80 = arith.addi %add3A_66, %select_n3A_79 : vector<16xi32>
    %gt3A_81 = arith.constant 5 : i32
    %gt3A_82 = arith.cmpi sgt, %arg1, %gt3A_81 : i32
    %get3A_83 = arith.constant 5 : i32
    %get3A_84 = arith.index_cast %get3A_83 : i32 to index
    %get3A_85 = arith.constant 0 : index
    %get3A_86 = tpu.vector_load %arg11[%get3A_84, %get3A_85] {strides = array<i32>} : memref<16x32xi32, #tpu.memory_space<vmem>>, vector<16xi32>,
    %select_n3A_87 = arith.select %gt3A_82, %get3A_86, %broadcast_in_dim3A_1 : vector<16xi32>
    %add3A_88 = arith.addi %add3A_74, %select_n3A_87 : vector<16xi32>
    %get3A_89 = arith.constant 5 : i32
    %get3A_90 = arith.index_cast %get3A_89 : i32 to index
    %get3A_91 = arith.constant 16 : index
    %get3A_92 = tpu.vector_load %arg11[%get3A_90, %get3A_91] {strides = array<i32>} : memref<16x32xi32, #tpu.memory_space<vmem>>, vector<16xi32>,
    %select_n3A_93 = arith.select %gt3A_82, %get3A_92, %broadcast_in_dim3A_1 : vector<16xi32>
    %add3A_94 = arith.addi %add3A_80, %select_n3A_93 : vector<16xi32>
    %gt3A_95 = arith.constant 6 : i32
    %gt3A_96 = arith.cmpi sgt, %arg1, %gt3A_95 : i32
    %get3A_97 = arith.constant 6 : i32
    %get3A_98 = arith.index_cast %get3A_97 : i32 to index
    %get3A_99 = arith.constant 0 : index
    %get3A_100 = tpu.vector_load %arg11[%get3A_98, %get3A_99] {strides = array<i32>} : memref<16x32xi32, #tpu.memory_space<vmem>>, vector<16xi32>,
    %select_n3A_101 = arith.select %gt3A_96, %get3A_100, %broadcast_in_dim3A_1 : vector<16xi32>
    %add3A_102 = arith.addi %add3A_88, %select_n3A_101 : vector<16xi32>
    %get3A_103 = arith.constant 6 : i32
    %get3A_104 = arith.index_cast %get3A_103 : i32 to index
    %get3A_105 = arith.constant 16 : index
    %get3A_106 = tpu.vector_load %arg11[%get3A_104, %get3A_105] {strides = array<i32>} : memref<16x32xi32, #tpu.memory_space<vmem>>, vector<16xi32>,
    %select_n3A_107 = arith.select %gt3A_96, %get3A_106, %broadcast_in_dim3A_1 : vector<16xi32>
    %add3A_108 = arith.addi %add3A_94, %select_n3A_107 : vector<16xi32>
    %gt3A_109 = arith.constant 7 : i32
    %gt3A_110 = arith.cmpi sgt, %arg1, %gt3A_109 : i32
    %get3A_111 = arith.constant 7 : i32
    %get3A_112 = arith.index_cast %get3A_111 : i32 to index
    %get3A_113 = arith.constant 0 : index
    %get3A_114 = tpu.vector_load %arg11[%get3A_112, %get3A_113] {strides = array<i32>} : memref<16x32xi32, #tpu.memory_space<vmem>>, vector<16xi32>,
    %select_n3A_115 = arith.select %gt3A_110, %get3A_114, %broadcast_in_dim3A_1 : vector<16xi32>
    %add3A_116 = arith.addi %add3A_102, %select_n3A_115 : vector<16xi32>
    %get3A_117 = arith.constant 7 : i32
    %get3A_118 = arith.index_cast %get3A_117 : i32 to index
    %get3A_119 = arith.constant 16 : index
    %get3A_120 = tpu.vector_load %arg11[%get3A_118, %get3A_119] {strides = array<i32>} : memref<16x32xi32, #tpu.memory_space<vmem>>, vector<16xi32>,
    %select_n3A_121 = arith.select %gt3A_110, %get3A_120, %broadcast_in_dim3A_1 : vector<16xi32>
    %add3A_122 = arith.addi %add3A_108, %select_n3A_121 : vector<16xi32>
    %gt3A_123 = arith.constant 8 : i32
    %gt3A_124 = arith.cmpi sgt, %arg1, %gt3A_123 : i32
    %get3A_125 = arith.constant 8 : i32
    %get3A_126 = arith.index_cast %get3A_125 : i32 to index
    %get3A_127 = arith.constant 0 : index
    %get3A_128 = tpu.vector_load %arg11[%get3A_126, %get3A_127] {strides = array<i32>} : memref<16x32xi32, #tpu.memory_space<vmem>>, vector<16xi32>,
    %select_n3A_129 = arith.select %gt3A_124, %get3A_128, %broadcast_in_dim3A_1 : vector<16xi32>
    %add3A_130 = arith.addi %add3A_116, %select_n3A_129 : vector<16xi32>
    %get3A_131 = arith.constant 8 : i32
    %get3A_132 = arith.index_cast %get3A_131 : i32 to index
    %get3A_133 = arith.constant 16 : index
    %get3A_134 = tpu.vector_load %arg11[%get3A_132, %get3A_133] {strides = array<i32>} : memref<16x32xi32, #tpu.memory_space<vmem>>, vector<16xi32>,
    %select_n3A_135 = arith.select %gt3A_124, %get3A_134, %broadcast_in_dim3A_1 : vector<16xi32>
    %add3A_136 = arith.addi %add3A_122, %select_n3A_135 : vector<16xi32>
    %gt3A_137 = arith.constant 9 : i32
    %gt3A_138 = arith.cmpi sgt, %arg1, %gt3A_137 : i32
    %get3A_139 = arith.constant 9 : i32
    %get3A_140 = arith.index_cast %get3A_139 : i32 to index
    %get3A_141 = arith.constant 0 : index
    %get3A_142 = tpu.vector_load %arg11[%get3A_140, %get3A_141] {strides = array<i32>} : memref<16x32xi32, #tpu.memory_space<vmem>>, vector<16xi32>,
    %select_n3A_143 = arith.select %gt3A_138, %get3A_142, %broadcast_in_dim3A_1 : vector<16xi32>
    %add3A_144 = arith.addi %add3A_130, %select_n3A_143 : vector<16xi32>
    %get3A_145 = arith.constant 9 : i32
    %get3A_146 = arith.index_cast %get3A_145 : i32 to index
    %get3A_147 = arith.constant 16 : index
    %get3A_148 = tpu.vector_load %arg11[%get3A_146, %get3A_147] {strides = array<i32>} : memref<16x32xi32, #tpu.memory_space<vmem>>, vector<16xi32>,
    %select_n3A_149 = arith.select %gt3A_138, %get3A_148, %broadcast_in_dim3A_1 : vector<16xi32>
    %add3A_150 = arith.addi %add3A_136, %select_n3A_149 : vector<16xi32>
    %gt3A_151 = arith.constant 10 : i32
    %gt3A_152 = arith.cmpi sgt, %arg1, %gt3A_151 : i32
    %get3A_153 = arith.constant 10 : i32
    %get3A_154 = arith.index_cast %get3A_153 : i32 to index
    %get3A_155 = arith.constant 0 : index
    %get3A_156 = tpu.vector_load %arg11[%get3A_154, %get3A_155] {strides = array<i32>} : memref<16x32xi32, #tpu.memory_space<vmem>>, vector<16xi32>,
    %select_n3A_157 = arith.select %gt3A_152, %get3A_156, %broadcast_in_dim3A_1 : vector<16xi32>
    %add3A_158 = arith.addi %add3A_144, %select_n3A_157 : vector<16xi32>
    %get3A_159 = arith.constant 10 : i32
    %get3A_160 = arith.index_cast %get3A_159 : i32 to index
    %get3A_161 = arith.constant 16 : index
    %get3A_162 = tpu.vector_load %arg11[%get3A_160, %get3A_161] {strides = array<i32>} : memref<16x32xi32, #tpu.memory_space<vmem>>, vector<16xi32>,
    %select_n3A_163 = arith.select %gt3A_152, %get3A_162, %broadcast_in_dim3A_1 : vector<16xi32>
    %add3A_164 = arith.addi %add3A_150, %select_n3A_163 : vector<16xi32>
    %gt3A_165 = arith.constant 11 : i32
    %gt3A_166 = arith.cmpi sgt, %arg1, %gt3A_165 : i32
    %get3A_167 = arith.constant 11 : i32
    %get3A_168 = arith.index_cast %get3A_167 : i32 to index
    %get3A_169 = arith.constant 0 : index
    %get3A_170 = tpu.vector_load %arg11[%get3A_168, %get3A_169] {strides = array<i32>} : memref<16x32xi32, #tpu.memory_space<vmem>>, vector<16xi32>,
    %select_n3A_171 = arith.select %gt3A_166, %get3A_170, %broadcast_in_dim3A_1 : vector<16xi32>
    %add3A_172 = arith.addi %add3A_158, %select_n3A_171 : vector<16xi32>
    %get3A_173 = arith.constant 11 : i32
    %get3A_174 = arith.index_cast %get3A_173 : i32 to index
    %get3A_175 = arith.constant 16 : index
    %get3A_176 = tpu.vector_load %arg11[%get3A_174, %get3A_175] {strides = array<i32>} : memref<16x32xi32, #tpu.memory_space<vmem>>, vector<16xi32>,
    %select_n3A_177 = arith.select %gt3A_166, %get3A_176, %broadcast_in_dim3A_1 : vector<16xi32>
    %add3A_178 = arith.addi %add3A_164, %select_n3A_177 : vector<16xi32>
    %gt3A_179 = arith.constant 12 : i32
    %gt3A_180 = arith.cmpi sgt, %arg1, %gt3A_179 : i32
    %get3A_181 = arith.constant 12 : i32
    %get3A_182 = arith.index_cast %get3A_181 : i32 to index
    %get3A_183 = arith.constant 0 : index
    %get3A_184 = tpu.vector_load %arg11[%get3A_182, %get3A_183] {strides = array<i32>} : memref<16x32xi32, #tpu.memory_space<vmem>>, vector<16xi32>,
    %select_n3A_185 = arith.select %gt3A_180, %get3A_184, %broadcast_in_dim3A_1 : vector<16xi32>
    %add3A_186 = arith.addi %add3A_172, %select_n3A_185 : vector<16xi32>
    %get3A_187 = arith.constant 12 : i32
    %get3A_188 = arith.index_cast %get3A_187 : i32 to index
    %get3A_189 = arith.constant 16 : index
    %get3A_190 = tpu.vector_load %arg11[%get3A_188, %get3A_189] {strides = array<i32>} : memref<16x32xi32, #tpu.memory_space<vmem>>, vector<16xi32>,
    %select_n3A_191 = arith.select %gt3A_180, %get3A_190, %broadcast_in_dim3A_1 : vector<16xi32>
    %add3A_192 = arith.addi %add3A_178, %select_n3A_191 : vector<16xi32>
    %gt3A_193 = arith.constant 13 : i32
    %gt3A_194 = arith.cmpi sgt, %arg1, %gt3A_193 : i32
    %get3A_195 = arith.constant 13 : i32
    %get3A_196 = arith.index_cast %get3A_195 : i32 to index
    %get3A_197 = arith.constant 0 : index
    %get3A_198 = tpu.vector_load %arg11[%get3A_196, %get3A_197] {strides = array<i32>} : memref<16x32xi32, #tpu.memory_space<vmem>>, vector<16xi32>,
    %select_n3A_199 = arith.select %gt3A_194, %get3A_198, %broadcast_in_dim3A_1 : vector<16xi32>
    %add3A_200 = arith.addi %add3A_186, %select_n3A_199 : vector<16xi32>
    %get3A_201 = arith.constant 13 : i32
    %get3A_202 = arith.index_cast %get3A_201 : i32 to index
    %get3A_203 = arith.constant 16 : index
    %get3A_204 = tpu.vector_load %arg11[%get3A_202, %get3A_203] {strides = array<i32>} : memref<16x32xi32, #tpu.memory_space<vmem>>, vector<16xi32>,
    %select_n3A_205 = arith.select %gt3A_194, %get3A_204, %broadcast_in_dim3A_1 : vector<16xi32>
    %add3A_206 = arith.addi %add3A_192, %select_n3A_205 : vector<16xi32>
    %gt3A_207 = arith.constant 14 : i32
    %gt3A_208 = arith.cmpi sgt, %arg1, %gt3A_207 : i32
    %get3A_209 = arith.constant 14 : i32
    %get3A_210 = arith.index_cast %get3A_209 : i32 to index
    %get3A_211 = arith.constant 0 : index
    %get3A_212 = tpu.vector_load %arg11[%get3A_210, %get3A_211] {strides = array<i32>} : memref<16x32xi32, #tpu.memory_space<vmem>>, vector<16xi32>,
    %select_n3A_213 = arith.select %gt3A_208, %get3A_212, %broadcast_in_dim3A_1 : vector<16xi32>
    %add3A_214 = arith.addi %add3A_200, %select_n3A_213 : vector<16xi32>
    %get3A_215 = arith.constant 14 : i32
    %get3A_216 = arith.index_cast %get3A_215 : i32 to index
    %get3A_217 = arith.constant 16 : index
    %get3A_218 = tpu.vector_load %arg11[%get3A_216, %get3A_217] {strides = array<i32>} : memref<16x32xi32, #tpu.memory_space<vmem>>, vector<16xi32>,
    %select_n3A_219 = arith.select %gt3A_208, %get3A_218, %broadcast_in_dim3A_1 : vector<16xi32>
    %add3A_220 = arith.addi %add3A_206, %select_n3A_219 : vector<16xi32>
    %gt3A_221 = arith.constant 15 : i32
    %gt3A_222 = arith.cmpi sgt, %arg1, %gt3A_221 : i32
    %get3A_223 = arith.constant 15 : i32
    %get3A_224 = arith.index_cast %get3A_223 : i32 to index
    %get3A_225 = arith.constant 0 : index
    %get3A_226 = tpu.vector_load %arg11[%get3A_224, %get3A_225] {strides = array<i32>} : memref<16x32xi32, #tpu.memory_space<vmem>>, vector<16xi32>,
    %select_n3A_227 = arith.select %gt3A_222, %get3A_226, %broadcast_in_dim3A_1 : vector<16xi32>
    %add3A_228 = arith.addi %add3A_214, %select_n3A_227 : vector<16xi32>
    %get3A_229 = arith.constant 15 : i32
    %get3A_230 = arith.index_cast %get3A_229 : i32 to index
    %get3A_231 = arith.constant 16 : index
    %get3A_232 = tpu.vector_load %arg11[%get3A_230, %get3A_231] {strides = array<i32>} : memref<16x32xi32, #tpu.memory_space<vmem>>, vector<16xi32>,
    %select_n3A_233 = arith.select %gt3A_222, %get3A_232, %broadcast_in_dim3A_1 : vector<16xi32>
    %add3A_234 = arith.addi %add3A_220, %select_n3A_233 : vector<16xi32>
    %swap3A_235 = arith.constant 0 : index
    %swap3A_236 = tpu.vector_load %arg15[%swap3A_235] {strides = array<i32>} : memref<32xi32, #tpu.memory_space<vmem>>, vector<16xi32>,
    tpu.vector_store %arg15[%swap3A_235], %add3A_228 {strides = array<i32>} : memref<32xi32, #tpu.memory_space<vmem>>, vector<16xi32>,
    %swap3A_237 = arith.constant 16 : index
    %swap3A_238 = tpu.vector_load %arg15[%swap3A_237] {strides = array<i32>} : memref<32xi32, #tpu.memory_space<vmem>>, vector<16xi32>,
    tpu.vector_store %arg15[%swap3A_237], %add3A_234 {strides = array<i32>} : memref<32xi32, #tpu.memory_space<vmem>>, vector<16xi32>,
    %broadcast_in_dim3A_239 = arith.constant 1 : i32
    %broadcast_in_dim3A_240 = vector.broadcast %broadcast_in_dim3A_239 : i32 to vector<16xi32>
    %broadcast_in_dim3A_241 = vector.shape_cast %broadcast_in_dim3A_240 : vector<16xi32> to vector<16x1xi32>
    %gather3A = vector.shape_cast %broadcast_in_dim3A_241 : vector<16x1xi32> to vector<16xi32>
    %gather3A_242 = tpu.dynamic_gather %add3A_234[%gather3A] in [0] : vector<16xi32>, vector<16xi32> -> vector<16xi32>
    %broadcast_in_dim3A_243 = arith.constant 2 : i32
    %broadcast_in_dim3A_244 = vector.broadcast %broadcast_in_dim3A_243 : i32 to vector<16xi32>
    %broadcast_in_dim3A_245 = vector.shape_cast %broadcast_in_dim3A_244 : vector<16xi32> to vector<16x1xi32>
    %gather3A_246 = vector.shape_cast %broadcast_in_dim3A_245 : vector<16x1xi32> to vector<16xi32>
    %gather3A_247 = tpu.dynamic_gather %add3A_234[%gather3A_246] in [0] : vector<16xi32>, vector<16xi32> -> vector<16xi32>
    %scan3A_248 = arith.constant 0 : i32
    %scan3A_249 = arith.constant 0 : i32
    %scan3A_250 = arith.constant 256 : i32
    %scan3A_251 = arith.addi %scan3A_249, %scan3A_250 : i32
    %scan3A_252 = arith.constant 1 : i32
    %scan3A_253 = scf.for %scan3A_270 = %scan3A_249 to %scan3A_251 step %scan3A_252 iter_args(%scan3A_271 = %scan3A_248) -> (i32)  : i32 {
      %mul3A_272 = arith.constant 16 : i32
      %mul3A_273 = arith.muli %scan3A_270, %mul3A_272 : i32
      %get3A_274 = arith.index_cast %mul3A_273 : i32 to index
      %get3A_275 = tpu.vector_load %arg7[%get3A_274] {strides = array<i32>} : memref<4096xi32, #tpu.memory_space<vmem>>, vector<16xi32>,
      %get3A_276 = arith.index_cast %mul3A_273 : i32 to index
      %get3A_277 = tpu.vector_load %arg8[%get3A_276] {strides = array<i32>} : memref<4096xi32, #tpu.memory_space<vmem>>, vector<16xi32>,
      %eq3A = arith.constant 189 : i32
      %eq3A_278 = vector.broadcast %eq3A : i32 to vector<16xi32>
      %eq3A_279 = arith.cmpi eq, %get3A_275, %eq3A_278 : vector<16xi32>
      %select_n3A_280 = arith.select %eq3A_279, %gather3A_242, %gather3A_247 : vector<16xi1>, vector<16xi32>
      %sub3A_281 = arith.subi %get3A_277, %select_n3A_280 : vector<16xi32>
      %gather3A_282 = tpu.vector_load_idx %arg12[%sub3A_281] : memref<65536xf32, #tpu.memory_space<vmem>>[vector<16xi32>], vector<16xf32>,
      %swap3A_283 = arith.index_cast %mul3A_273 : i32 to index
      %swap3A_284 = tpu.vector_load %arg14[%swap3A_283] {strides = array<i32>} : memref<4096xf32, #tpu.memory_space<vmem>>, vector<16xf32>,
      tpu.vector_store %arg14[%swap3A_283], %gather3A_282 {strides = array<i32>} : memref<4096xf32, #tpu.memory_space<vmem>>, vector<16xf32>,
      %scan3A_285 = arith.constant 0 : i32
      scf.yield %scan3A_285 : i32
    }
    %scan3A_254 = arith.constant 256 : i32
    %add3A_255 = arith.constant 16 : i32
    %add3A_256 = arith.addi %scan3A_13#0, %add3A_255 : i32
    %sub3A = arith.constant 1 : i32
    %sub3A_257 = arith.subi %add3A_256, %sub3A : i32
    %shift_right_arithmetic3A = arith.constant 4 : i32
    %shift_right_arithmetic3A_258 = arith.shrsi %sub3A_257, %shift_right_arithmetic3A : i32
    %while3A = arith.constant 0 : i32
    %while3A_259 = arith.constant 0 : i32
    %while3A_260 = arith.subi %shift_right_arithmetic3A_258, %while3A : i32
    %while3A_261 = arith.addi %while3A, %while3A_260 : i32
    %while3A_262 = arith.constant 1 : i32
    %while3A_263 = arith.divsi %while3A_260, %while3A_262 : i32
    %while3A_264 = arith.muli %while3A_263, %while3A_262 : i32
    %while3A_265 = arith.addi %while3A, %while3A_264 : i32
    %while3A_266 = arith.constant 1 : i32
    %while3A_267 = scf.for %while3A_270 = %while3A to %while3A_265 step %while3A_266 iter_args(%while3A_271 = %while3A_259) -> (i32)  : i32 {
      %mul3A_272 = arith.constant 16 : i32
      %mul3A_273 = arith.muli %while3A_270, %mul3A_272 : i32
      %add3A_274 = vector.broadcast %mul3A_273 : i32 to vector<16xi32>
      %add3A_275 = arith.addi %add3A_274, %iota3A : vector<16xi32>
      %lt3A = vector.broadcast %scan3A_13#0 : i32 to vector<16xi32>
      %lt3A_276 = arith.cmpi slt, %add3A_275, %lt3A : vector<16xi32>
      %mul3A_277 = arith.constant 16 : i32
      %mul3A_278 = arith.muli %while3A_270, %mul3A_277 : i32
      %get3A_279 = arith.index_cast %mul3A_278 : i32 to index
      %get3A_280 = tpu.vector_load %arg10[%get3A_279] {strides = array<i32>} : memref<4112xi32, #tpu.memory_space<vmem>>, vector<16xi32>,
      %sub3A_281 = arith.constant 1 : i32
      %sub3A_282 = vector.broadcast %sub3A_281 : i32 to vector<16xi32>
      %sub3A_283 = arith.subi %iota3A, %sub3A_282 : vector<16xi32>
      %max3A = arith.constant 0 : i32
      %max3A_284 = vector.broadcast %max3A : i32 to vector<16xi32>
      %max3A_285 = arith.maxsi %sub3A_283, %max3A_284 : vector<16xi32>
      %broadcast_in_dim3A_286 = vector.shape_cast %max3A_285 : vector<16xi32> to vector<16x1xi32>
      %gather3A_287 = vector.shape_cast %broadcast_in_dim3A_286 : vector<16x1xi32> to vector<16xi32>
      %gather3A_288 = tpu.dynamic_gather %get3A_280[%gather3A_287] in [0] : vector<16xi32>, vector<16xi32> -> vector<16xi32>
      %eq3A = arith.cmpi eq, %gather3A_288, %get3A_280 : vector<16xi32>
      %ge3A = arith.constant 1 : i32
      %ge3A_289 = vector.broadcast %ge3A : i32 to vector<16xi32>
      %ge3A_290 = arith.cmpi sge, %iota3A, %ge3A_289 : vector<16xi32>
      %and3A = arith.andi %eq3A, %ge3A_290 : vector<16xi1>
      %convert_element_type3A = arith.extui %and3A : vector<16xi1> to vector<16xi32>
      %add3A_291 = arith.addi %broadcast_in_dim3A_1, %convert_element_type3A : vector<16xi32>
      %sub3A_292 = arith.constant 2 : i32
      %sub3A_293 = vector.broadcast %sub3A_292 : i32 to vector<16xi32>
      %sub3A_294 = arith.subi %iota3A, %sub3A_293 : vector<16xi32>
      %max3A_295 = arith.constant 0 : i32
      %max3A_296 = vector.broadcast %max3A_295 : i32 to vector<16xi32>
      %max3A_297 = arith.maxsi %sub3A_294, %max3A_296 : vector<16xi32>
      %broadcast_in_dim3A_298 = vector.shape_cast %max3A_297 : vector<16xi32> to vector<16x1xi32>
      %gather3A_299 = vector.shape_cast %broadcast_in_dim3A_298 : vector<16x1xi32> to vector<16xi32>
      %gather3A_300 = tpu.dynamic_gather %get3A_280[%gather3A_299] in [0] : vector<16xi32>, vector<16xi32> -> vector<16xi32>
      %eq3A_301 = arith.cmpi eq, %gather3A_300, %get3A_280 : vector<16xi32>
      %ge3A_302 = arith.constant 2 : i32
      %ge3A_303 = vector.broadcast %ge3A_302 : i32 to vector<16xi32>
      %ge3A_304 = arith.cmpi sge, %iota3A, %ge3A_303 : vector<16xi32>
      %and3A_305 = arith.andi %eq3A_301, %ge3A_304 : vector<16xi1>
      %convert_element_type3A_306 = arith.extui %and3A_305 : vector<16xi1> to vector<16xi32>
      %add3A_307 = arith.addi %add3A_291, %convert_element_type3A_306 : vector<16xi32>
      %sub3A_308 = arith.constant 3 : i32
      %sub3A_309 = vector.broadcast %sub3A_308 : i32 to vector<16xi32>
      %sub3A_310 = arith.subi %iota3A, %sub3A_309 : vector<16xi32>
      %max3A_311 = arith.constant 0 : i32
      %max3A_312 = vector.broadcast %max3A_311 : i32 to vector<16xi32>
      %max3A_313 = arith.maxsi %sub3A_310, %max3A_312 : vector<16xi32>
      %broadcast_in_dim3A_314 = vector.shape_cast %max3A_313 : vector<16xi32> to vector<16x1xi32>
      %gather3A_315 = vector.shape_cast %broadcast_in_dim3A_314 : vector<16x1xi32> to vector<16xi32>
      %gather3A_316 = tpu.dynamic_gather %get3A_280[%gather3A_315] in [0] : vector<16xi32>, vector<16xi32> -> vector<16xi32>
      %eq3A_317 = arith.cmpi eq, %gather3A_316, %get3A_280 : vector<16xi32>
      %ge3A_318 = arith.constant 3 : i32
      %ge3A_319 = vector.broadcast %ge3A_318 : i32 to vector<16xi32>
      %ge3A_320 = arith.cmpi sge, %iota3A, %ge3A_319 : vector<16xi32>
      %and3A_321 = arith.andi %eq3A_317, %ge3A_320 : vector<16xi1>
      %convert_element_type3A_322 = arith.extui %and3A_321 : vector<16xi1> to vector<16xi32>
      %add3A_323 = arith.addi %add3A_307, %convert_element_type3A_322 : vector<16xi32>
      %sub3A_324 = arith.constant 4 : i32
      %sub3A_325 = vector.broadcast %sub3A_324 : i32 to vector<16xi32>
      %sub3A_326 = arith.subi %iota3A, %sub3A_325 : vector<16xi32>
      %max3A_327 = arith.constant 0 : i32
      %max3A_328 = vector.broadcast %max3A_327 : i32 to vector<16xi32>
      %max3A_329 = arith.maxsi %sub3A_326, %max3A_328 : vector<16xi32>
      %broadcast_in_dim3A_330 = vector.shape_cast %max3A_329 : vector<16xi32> to vector<16x1xi32>
      %gather3A_331 = vector.shape_cast %broadcast_in_dim3A_330 : vector<16x1xi32> to vector<16xi32>
      %gather3A_332 = tpu.dynamic_gather %get3A_280[%gather3A_331] in [0] : vector<16xi32>, vector<16xi32> -> vector<16xi32>
      %eq3A_333 = arith.cmpi eq, %gather3A_332, %get3A_280 : vector<16xi32>
      %ge3A_334 = arith.constant 4 : i32
      %ge3A_335 = vector.broadcast %ge3A_334 : i32 to vector<16xi32>
      %ge3A_336 = arith.cmpi sge, %iota3A, %ge3A_335 : vector<16xi32>
      %and3A_337 = arith.andi %eq3A_333, %ge3A_336 : vector<16xi1>
      %convert_element_type3A_338 = arith.extui %and3A_337 : vector<16xi1> to vector<16xi32>
      %add3A_339 = arith.addi %add3A_323, %convert_element_type3A_338 : vector<16xi32>
      %sub3A_340 = arith.constant 5 : i32
      %sub3A_341 = vector.broadcast %sub3A_340 : i32 to vector<16xi32>
      %sub3A_342 = arith.subi %iota3A, %sub3A_341 : vector<16xi32>
      %max3A_343 = arith.constant 0 : i32
      %max3A_344 = vector.broadcast %max3A_343 : i32 to vector<16xi32>
      %max3A_345 = arith.maxsi %sub3A_342, %max3A_344 : vector<16xi32>
      %broadcast_in_dim3A_346 = vector.shape_cast %max3A_345 : vector<16xi32> to vector<16x1xi32>
      %gather3A_347 = vector.shape_cast %broadcast_in_dim3A_346 : vector<16x1xi32> to vector<16xi32>
      %gather3A_348 = tpu.dynamic_gather %get3A_280[%gather3A_347] in [0] : vector<16xi32>, vector<16xi32> -> vector<16xi32>
      %eq3A_349 = arith.cmpi eq, %gather3A_348, %get3A_280 : vector<16xi32>
      %ge3A_350 = arith.constant 5 : i32
      %ge3A_351 = vector.broadcast %ge3A_350 : i32 to vector<16xi32>
      %ge3A_352 = arith.cmpi sge, %iota3A, %ge3A_351 : vector<16xi32>
      %and3A_353 = arith.andi %eq3A_349, %ge3A_352 : vector<16xi1>
      %convert_element_type3A_354 = arith.extui %and3A_353 : vector<16xi1> to vector<16xi32>
      %add3A_355 = arith.addi %add3A_339, %convert_element_type3A_354 : vector<16xi32>
      %sub3A_356 = arith.constant 6 : i32
      %sub3A_357 = vector.broadcast %sub3A_356 : i32 to vector<16xi32>
      %sub3A_358 = arith.subi %iota3A, %sub3A_357 : vector<16xi32>
      %max3A_359 = arith.constant 0 : i32
      %max3A_360 = vector.broadcast %max3A_359 : i32 to vector<16xi32>
      %max3A_361 = arith.maxsi %sub3A_358, %max3A_360 : vector<16xi32>
      %broadcast_in_dim3A_362 = vector.shape_cast %max3A_361 : vector<16xi32> to vector<16x1xi32>
      %gather3A_363 = vector.shape_cast %broadcast_in_dim3A_362 : vector<16x1xi32> to vector<16xi32>
      %gather3A_364 = tpu.dynamic_gather %get3A_280[%gather3A_363] in [0] : vector<16xi32>, vector<16xi32> -> vector<16xi32>
      %eq3A_365 = arith.cmpi eq, %gather3A_364, %get3A_280 : vector<16xi32>
      %ge3A_366 = arith.constant 6 : i32
      %ge3A_367 = vector.broadcast %ge3A_366 : i32 to vector<16xi32>
      %ge3A_368 = arith.cmpi sge, %iota3A, %ge3A_367 : vector<16xi32>
      %and3A_369 = arith.andi %eq3A_365, %ge3A_368 : vector<16xi1>
      %convert_element_type3A_370 = arith.extui %and3A_369 : vector<16xi1> to vector<16xi32>
      %add3A_371 = arith.addi %add3A_355, %convert_element_type3A_370 : vector<16xi32>
      %sub3A_372 = arith.constant 7 : i32
      %sub3A_373 = vector.broadcast %sub3A_372 : i32 to vector<16xi32>
      %sub3A_374 = arith.subi %iota3A, %sub3A_373 : vector<16xi32>
      %max3A_375 = arith.constant 0 : i32
      %max3A_376 = vector.broadcast %max3A_375 : i32 to vector<16xi32>
      %max3A_377 = arith.maxsi %sub3A_374, %max3A_376 : vector<16xi32>
      %broadcast_in_dim3A_378 = vector.shape_cast %max3A_377 : vector<16xi32> to vector<16x1xi32>
      %gather3A_379 = vector.shape_cast %broadcast_in_dim3A_378 : vector<16x1xi32> to vector<16xi32>
      %gather3A_380 = tpu.dynamic_gather %get3A_280[%gather3A_379] in [0] : vector<16xi32>, vector<16xi32> -> vector<16xi32>
      %eq3A_381 = arith.cmpi eq, %gather3A_380, %get3A_280 : vector<16xi32>
      %ge3A_382 = arith.constant 7 : i32
      %ge3A_383 = vector.broadcast %ge3A_382 : i32 to vector<16xi32>
      %ge3A_384 = arith.cmpi sge, %iota3A, %ge3A_383 : vector<16xi32>
      %and3A_385 = arith.andi %eq3A_381, %ge3A_384 : vector<16xi1>
      %convert_element_type3A_386 = arith.extui %and3A_385 : vector<16xi1> to vector<16xi32>
      %add3A_387 = arith.addi %add3A_371, %convert_element_type3A_386 : vector<16xi32>
      %sub3A_388 = arith.constant 8 : i32
      %sub3A_389 = vector.broadcast %sub3A_388 : i32 to vector<16xi32>
      %sub3A_390 = arith.subi %iota3A, %sub3A_389 : vector<16xi32>
      %max3A_391 = arith.constant 0 : i32
      %max3A_392 = vector.broadcast %max3A_391 : i32 to vector<16xi32>
      %max3A_393 = arith.maxsi %sub3A_390, %max3A_392 : vector<16xi32>
      %broadcast_in_dim3A_394 = vector.shape_cast %max3A_393 : vector<16xi32> to vector<16x1xi32>
      %gather3A_395 = vector.shape_cast %broadcast_in_dim3A_394 : vector<16x1xi32> to vector<16xi32>
      %gather3A_396 = tpu.dynamic_gather %get3A_280[%gather3A_395] in [0] : vector<16xi32>, vector<16xi32> -> vector<16xi32>
      %eq3A_397 = arith.cmpi eq, %gather3A_396, %get3A_280 : vector<16xi32>
      %ge3A_398 = arith.constant 8 : i32
      %ge3A_399 = vector.broadcast %ge3A_398 : i32 to vector<16xi32>
      %ge3A_400 = arith.cmpi sge, %iota3A, %ge3A_399 : vector<16xi32>
      %and3A_401 = arith.andi %eq3A_397, %ge3A_400 : vector<16xi1>
      %convert_element_type3A_402 = arith.extui %and3A_401 : vector<16xi1> to vector<16xi32>
      %add3A_403 = arith.addi %add3A_387, %convert_element_type3A_402 : vector<16xi32>
      %sub3A_404 = arith.constant 9 : i32
      %sub3A_405 = vector.broadcast %sub3A_404 : i32 to vector<16xi32>
      %sub3A_406 = arith.subi %iota3A, %sub3A_405 : vector<16xi32>
      %max3A_407 = arith.constant 0 : i32
      %max3A_408 = vector.broadcast %max3A_407 : i32 to vector<16xi32>
      %max3A_409 = arith.maxsi %sub3A_406, %max3A_408 : vector<16xi32>
      %broadcast_in_dim3A_410 = vector.shape_cast %max3A_409 : vector<16xi32> to vector<16x1xi32>
      %gather3A_411 = vector.shape_cast %broadcast_in_dim3A_410 : vector<16x1xi32> to vector<16xi32>
      %gather3A_412 = tpu.dynamic_gather %get3A_280[%gather3A_411] in [0] : vector<16xi32>, vector<16xi32> -> vector<16xi32>
      %eq3A_413 = arith.cmpi eq, %gather3A_412, %get3A_280 : vector<16xi32>
      %ge3A_414 = arith.constant 9 : i32
      %ge3A_415 = vector.broadcast %ge3A_414 : i32 to vector<16xi32>
      %ge3A_416 = arith.cmpi sge, %iota3A, %ge3A_415 : vector<16xi32>
      %and3A_417 = arith.andi %eq3A_413, %ge3A_416 : vector<16xi1>
      %convert_element_type3A_418 = arith.extui %and3A_417 : vector<16xi1> to vector<16xi32>
      %add3A_419 = arith.addi %add3A_403, %convert_element_type3A_418 : vector<16xi32>
      %sub3A_420 = arith.constant 10 : i32
      %sub3A_421 = vector.broadcast %sub3A_420 : i32 to vector<16xi32>
      %sub3A_422 = arith.subi %iota3A, %sub3A_421 : vector<16xi32>
      %max3A_423 = arith.constant 0 : i32
      %max3A_424 = vector.broadcast %max3A_423 : i32 to vector<16xi32>
      %max3A_425 = arith.maxsi %sub3A_422, %max3A_424 : vector<16xi32>
      %broadcast_in_dim3A_426 = vector.shape_cast %max3A_425 : vector<16xi32> to vector<16x1xi32>
      %gather3A_427 = vector.shape_cast %broadcast_in_dim3A_426 : vector<16x1xi32> to vector<16xi32>
      %gather3A_428 = tpu.dynamic_gather %get3A_280[%gather3A_427] in [0] : vector<16xi32>, vector<16xi32> -> vector<16xi32>
      %eq3A_429 = arith.cmpi eq, %gather3A_428, %get3A_280 : vector<16xi32>
      %ge3A_430 = arith.constant 10 : i32
      %ge3A_431 = vector.broadcast %ge3A_430 : i32 to vector<16xi32>
      %ge3A_432 = arith.cmpi sge, %iota3A, %ge3A_431 : vector<16xi32>
      %and3A_433 = arith.andi %eq3A_429, %ge3A_432 : vector<16xi1>
      %convert_element_type3A_434 = arith.extui %and3A_433 : vector<16xi1> to vector<16xi32>
      %add3A_435 = arith.addi %add3A_419, %convert_element_type3A_434 : vector<16xi32>
      %sub3A_436 = arith.constant 11 : i32
      %sub3A_437 = vector.broadcast %sub3A_436 : i32 to vector<16xi32>
      %sub3A_438 = arith.subi %iota3A, %sub3A_437 : vector<16xi32>
      %max3A_439 = arith.constant 0 : i32
      %max3A_440 = vector.broadcast %max3A_439 : i32 to vector<16xi32>
      %max3A_441 = arith.maxsi %sub3A_438, %max3A_440 : vector<16xi32>
      %broadcast_in_dim3A_442 = vector.shape_cast %max3A_441 : vector<16xi32> to vector<16x1xi32>
      %gather3A_443 = vector.shape_cast %broadcast_in_dim3A_442 : vector<16x1xi32> to vector<16xi32>
      %gather3A_444 = tpu.dynamic_gather %get3A_280[%gather3A_443] in [0] : vector<16xi32>, vector<16xi32> -> vector<16xi32>
      %eq3A_445 = arith.cmpi eq, %gather3A_444, %get3A_280 : vector<16xi32>
      %ge3A_446 = arith.constant 11 : i32
      %ge3A_447 = vector.broadcast %ge3A_446 : i32 to vector<16xi32>
      %ge3A_448 = arith.cmpi sge, %iota3A, %ge3A_447 : vector<16xi32>
      %and3A_449 = arith.andi %eq3A_445, %ge3A_448 : vector<16xi1>
      %convert_element_type3A_450 = arith.extui %and3A_449 : vector<16xi1> to vector<16xi32>
      %add3A_451 = arith.addi %add3A_435, %convert_element_type3A_450 : vector<16xi32>
      %sub3A_452 = arith.constant 12 : i32
      %sub3A_453 = vector.broadcast %sub3A_452 : i32 to vector<16xi32>
      %sub3A_454 = arith.subi %iota3A, %sub3A_453 : vector<16xi32>
      %max3A_455 = arith.constant 0 : i32
      %max3A_456 = vector.broadcast %max3A_455 : i32 to vector<16xi32>
      %max3A_457 = arith.maxsi %sub3A_454, %max3A_456 : vector<16xi32>
      %broadcast_in_dim3A_458 = vector.shape_cast %max3A_457 : vector<16xi32> to vector<16x1xi32>
      %gather3A_459 = vector.shape_cast %broadcast_in_dim3A_458 : vector<16x1xi32> to vector<16xi32>
      %gather3A_460 = tpu.dynamic_gather %get3A_280[%gather3A_459] in [0] : vector<16xi32>, vector<16xi32> -> vector<16xi32>
      %eq3A_461 = arith.cmpi eq, %gather3A_460, %get3A_280 : vector<16xi32>
      %ge3A_462 = arith.constant 12 : i32
      %ge3A_463 = vector.broadcast %ge3A_462 : i32 to vector<16xi32>
      %ge3A_464 = arith.cmpi sge, %iota3A, %ge3A_463 : vector<16xi32>
      %and3A_465 = arith.andi %eq3A_461, %ge3A_464 : vector<16xi1>
      %convert_element_type3A_466 = arith.extui %and3A_465 : vector<16xi1> to vector<16xi32>
      %add3A_467 = arith.addi %add3A_451, %convert_element_type3A_466 : vector<16xi32>
      %sub3A_468 = arith.constant 13 : i32
      %sub3A_469 = vector.broadcast %sub3A_468 : i32 to vector<16xi32>
      %sub3A_470 = arith.subi %iota3A, %sub3A_469 : vector<16xi32>
      %max3A_471 = arith.constant 0 : i32
      %max3A_472 = vector.broadcast %max3A_471 : i32 to vector<16xi32>
      %max3A_473 = arith.maxsi %sub3A_470, %max3A_472 : vector<16xi32>
      %broadcast_in_dim3A_474 = vector.shape_cast %max3A_473 : vector<16xi32> to vector<16x1xi32>
      %gather3A_475 = vector.shape_cast %broadcast_in_dim3A_474 : vector<16x1xi32> to vector<16xi32>
      %gather3A_476 = tpu.dynamic_gather %get3A_280[%gather3A_475] in [0] : vector<16xi32>, vector<16xi32> -> vector<16xi32>
      %eq3A_477 = arith.cmpi eq, %gather3A_476, %get3A_280 : vector<16xi32>
      %ge3A_478 = arith.constant 13 : i32
      %ge3A_479 = vector.broadcast %ge3A_478 : i32 to vector<16xi32>
      %ge3A_480 = arith.cmpi sge, %iota3A, %ge3A_479 : vector<16xi32>
      %and3A_481 = arith.andi %eq3A_477, %ge3A_480 : vector<16xi1>
      %convert_element_type3A_482 = arith.extui %and3A_481 : vector<16xi1> to vector<16xi32>
      %add3A_483 = arith.addi %add3A_467, %convert_element_type3A_482 : vector<16xi32>
      %sub3A_484 = arith.constant 14 : i32
      %sub3A_485 = vector.broadcast %sub3A_484 : i32 to vector<16xi32>
      %sub3A_486 = arith.subi %iota3A, %sub3A_485 : vector<16xi32>
      %max3A_487 = arith.constant 0 : i32
      %max3A_488 = vector.broadcast %max3A_487 : i32 to vector<16xi32>
      %max3A_489 = arith.maxsi %sub3A_486, %max3A_488 : vector<16xi32>
      %broadcast_in_dim3A_490 = vector.shape_cast %max3A_489 : vector<16xi32> to vector<16x1xi32>
      %gather3A_491 = vector.shape_cast %broadcast_in_dim3A_490 : vector<16x1xi32> to vector<16xi32>
      %gather3A_492 = tpu.dynamic_gather %get3A_280[%gather3A_491] in [0] : vector<16xi32>, vector<16xi32> -> vector<16xi32>
      %eq3A_493 = arith.cmpi eq, %gather3A_492, %get3A_280 : vector<16xi32>
      %ge3A_494 = arith.constant 14 : i32
      %ge3A_495 = vector.broadcast %ge3A_494 : i32 to vector<16xi32>
      %ge3A_496 = arith.cmpi sge, %iota3A, %ge3A_495 : vector<16xi32>
      %and3A_497 = arith.andi %eq3A_493, %ge3A_496 : vector<16xi1>
      %convert_element_type3A_498 = arith.extui %and3A_497 : vector<16xi1> to vector<16xi32>
      %add3A_499 = arith.addi %add3A_483, %convert_element_type3A_498 : vector<16xi32>
      %sub3A_500 = arith.constant 15 : i32
      %sub3A_501 = vector.broadcast %sub3A_500 : i32 to vector<16xi32>
      %sub3A_502 = arith.subi %iota3A, %sub3A_501 : vector<16xi32>
      %max3A_503 = arith.constant 0 : i32
      %max3A_504 = vector.broadcast %max3A_503 : i32 to vector<16xi32>
      %max3A_505 = arith.maxsi %sub3A_502, %max3A_504 : vector<16xi32>
      %broadcast_in_dim3A_506 = vector.shape_cast %max3A_505 : vector<16xi32> to vector<16x1xi32>
      %gather3A_507 = vector.shape_cast %broadcast_in_dim3A_506 : vector<16x1xi32> to vector<16xi32>
      %gather3A_508 = tpu.dynamic_gather %get3A_280[%gather3A_507] in [0] : vector<16xi32>, vector<16xi32> -> vector<16xi32>
      %eq3A_509 = arith.cmpi eq, %gather3A_508, %get3A_280 : vector<16xi32>
      %ge3A_510 = arith.constant 15 : i32
      %ge3A_511 = vector.broadcast %ge3A_510 : i32 to vector<16xi32>
      %ge3A_512 = arith.cmpi sge, %iota3A, %ge3A_511 : vector<16xi32>
      %and3A_513 = arith.andi %eq3A_509, %ge3A_512 : vector<16xi1>
      %convert_element_type3A_514 = arith.extui %and3A_513 : vector<16xi1> to vector<16xi32>
      %add3A_515 = arith.addi %add3A_499, %convert_element_type3A_514 : vector<16xi32>
      %gather3A_516 = tpu.vector_load_idx %arg15[%get3A_280] masked %lt3A_276 : memref<32xi32, #tpu.memory_space<vmem>>[vector<16xi32>], vector<16xi32>, vector<16xi1>
      %add3A_517 = arith.addi %gather3A_516, %add3A_515 : vector<16xi32>
      tpu.vector_store_idx %arg15[%get3A_280], %broadcast_in_dim3A_3 masked %lt3A_276 {add = true} : memref<32xi32, #tpu.memory_space<vmem>>[vector<16xi32>], vector<16xi32>, vector<16xi1>
      %gather3A_518 = tpu.vector_load_idx %arg12[%add3A_517] masked %lt3A_276 : memref<65536xf32, #tpu.memory_space<vmem>>[vector<16xi32>], vector<16xf32>, vector<16xi1>
      %mul3A_519 = arith.constant 16 : i32
      %mul3A_520 = arith.muli %while3A_270, %mul3A_519 : i32
      %get3A_521 = arith.index_cast %mul3A_520 : i32 to index
      %get3A_522 = tpu.vector_load %arg9[%get3A_521] {strides = array<i32>} : memref<4112xi32, #tpu.memory_space<vmem>>, vector<16xi32>,
      tpu.vector_store_idx %arg13[%get3A_522], %gather3A_518 masked %lt3A_276 : memref<4096xf32, #tpu.memory_space<vmem>>[vector<16xi32>], vector<16xf32>, vector<16xi1>
      %while3A_523 = arith.constant 0 : i32
      scf.yield %while3A_523 : i32
    }
    %while3A_268 = arith.constant 1 : i32
    %while3A_269 = scf.for %while3A_270 = %while3A_265 to %while3A_261 step %while3A_268 iter_args(%while3A_271 = %while3A_267) -> (i32)  : i32 {
      %mul3A_272 = arith.constant 16 : i32
      %mul3A_273 = arith.muli %while3A_270, %mul3A_272 : i32
      %add3A_274 = vector.broadcast %mul3A_273 : i32 to vector<16xi32>
      %add3A_275 = arith.addi %add3A_274, %iota3A : vector<16xi32>
      %lt3A = vector.broadcast %scan3A_13#0 : i32 to vector<16xi32>
      %lt3A_276 = arith.cmpi slt, %add3A_275, %lt3A : vector<16xi32>
      %mul3A_277 = arith.constant 16 : i32
      %mul3A_278 = arith.muli %while3A_270, %mul3A_277 : i32
      %get3A_279 = arith.index_cast %mul3A_278 : i32 to index
      %get3A_280 = tpu.vector_load %arg10[%get3A_279] {strides = array<i32>} : memref<4112xi32, #tpu.memory_space<vmem>>, vector<16xi32>,
      %sub3A_281 = arith.constant 1 : i32
      %sub3A_282 = vector.broadcast %sub3A_281 : i32 to vector<16xi32>
      %sub3A_283 = arith.subi %iota3A, %sub3A_282 : vector<16xi32>
      %max3A = arith.constant 0 : i32
      %max3A_284 = vector.broadcast %max3A : i32 to vector<16xi32>
      %max3A_285 = arith.maxsi %sub3A_283, %max3A_284 : vector<16xi32>
      %broadcast_in_dim3A_286 = vector.shape_cast %max3A_285 : vector<16xi32> to vector<16x1xi32>
      %gather3A_287 = vector.shape_cast %broadcast_in_dim3A_286 : vector<16x1xi32> to vector<16xi32>
      %gather3A_288 = tpu.dynamic_gather %get3A_280[%gather3A_287] in [0] : vector<16xi32>, vector<16xi32> -> vector<16xi32>
      %eq3A = arith.cmpi eq, %gather3A_288, %get3A_280 : vector<16xi32>
      %ge3A = arith.constant 1 : i32
      %ge3A_289 = vector.broadcast %ge3A : i32 to vector<16xi32>
      %ge3A_290 = arith.cmpi sge, %iota3A, %ge3A_289 : vector<16xi32>
      %and3A = arith.andi %eq3A, %ge3A_290 : vector<16xi1>
      %convert_element_type3A = arith.extui %and3A : vector<16xi1> to vector<16xi32>
      %add3A_291 = arith.addi %broadcast_in_dim3A_1, %convert_element_type3A : vector<16xi32>
      %sub3A_292 = arith.constant 2 : i32
      %sub3A_293 = vector.broadcast %sub3A_292 : i32 to vector<16xi32>
      %sub3A_294 = arith.subi %iota3A, %sub3A_293 : vector<16xi32>
      %max3A_295 = arith.constant 0 : i32
      %max3A_296 = vector.broadcast %max3A_295 : i32 to vector<16xi32>
      %max3A_297 = arith.maxsi %sub3A_294, %max3A_296 : vector<16xi32>
      %broadcast_in_dim3A_298 = vector.shape_cast %max3A_297 : vector<16xi32> to vector<16x1xi32>
      %gather3A_299 = vector.shape_cast %broadcast_in_dim3A_298 : vector<16x1xi32> to vector<16xi32>
      %gather3A_300 = tpu.dynamic_gather %get3A_280[%gather3A_299] in [0] : vector<16xi32>, vector<16xi32> -> vector<16xi32>
      %eq3A_301 = arith.cmpi eq, %gather3A_300, %get3A_280 : vector<16xi32>
      %ge3A_302 = arith.constant 2 : i32
      %ge3A_303 = vector.broadcast %ge3A_302 : i32 to vector<16xi32>
      %ge3A_304 = arith.cmpi sge, %iota3A, %ge3A_303 : vector<16xi32>
      %and3A_305 = arith.andi %eq3A_301, %ge3A_304 : vector<16xi1>
      %convert_element_type3A_306 = arith.extui %and3A_305 : vector<16xi1> to vector<16xi32>
      %add3A_307 = arith.addi %add3A_291, %convert_element_type3A_306 : vector<16xi32>
      %sub3A_308 = arith.constant 3 : i32
      %sub3A_309 = vector.broadcast %sub3A_308 : i32 to vector<16xi32>
      %sub3A_310 = arith.subi %iota3A, %sub3A_309 : vector<16xi32>
      %max3A_311 = arith.constant 0 : i32
      %max3A_312 = vector.broadcast %max3A_311 : i32 to vector<16xi32>
      %max3A_313 = arith.maxsi %sub3A_310, %max3A_312 : vector<16xi32>
      %broadcast_in_dim3A_314 = vector.shape_cast %max3A_313 : vector<16xi32> to vector<16x1xi32>
      %gather3A_315 = vector.shape_cast %broadcast_in_dim3A_314 : vector<16x1xi32> to vector<16xi32>
      %gather3A_316 = tpu.dynamic_gather %get3A_280[%gather3A_315] in [0] : vector<16xi32>, vector<16xi32> -> vector<16xi32>
      %eq3A_317 = arith.cmpi eq, %gather3A_316, %get3A_280 : vector<16xi32>
      %ge3A_318 = arith.constant 3 : i32
      %ge3A_319 = vector.broadcast %ge3A_318 : i32 to vector<16xi32>
      %ge3A_320 = arith.cmpi sge, %iota3A, %ge3A_319 : vector<16xi32>
      %and3A_321 = arith.andi %eq3A_317, %ge3A_320 : vector<16xi1>
      %convert_element_type3A_322 = arith.extui %and3A_321 : vector<16xi1> to vector<16xi32>
      %add3A_323 = arith.addi %add3A_307, %convert_element_type3A_322 : vector<16xi32>
      %sub3A_324 = arith.constant 4 : i32
      %sub3A_325 = vector.broadcast %sub3A_324 : i32 to vector<16xi32>
      %sub3A_326 = arith.subi %iota3A, %sub3A_325 : vector<16xi32>
      %max3A_327 = arith.constant 0 : i32
      %max3A_328 = vector.broadcast %max3A_327 : i32 to vector<16xi32>
      %max3A_329 = arith.maxsi %sub3A_326, %max3A_328 : vector<16xi32>
      %broadcast_in_dim3A_330 = vector.shape_cast %max3A_329 : vector<16xi32> to vector<16x1xi32>
      %gather3A_331 = vector.shape_cast %broadcast_in_dim3A_330 : vector<16x1xi32> to vector<16xi32>
      %gather3A_332 = tpu.dynamic_gather %get3A_280[%gather3A_331] in [0] : vector<16xi32>, vector<16xi32> -> vector<16xi32>
      %eq3A_333 = arith.cmpi eq, %gather3A_332, %get3A_280 : vector<16xi32>
      %ge3A_334 = arith.constant 4 : i32
      %ge3A_335 = vector.broadcast %ge3A_334 : i32 to vector<16xi32>
      %ge3A_336 = arith.cmpi sge, %iota3A, %ge3A_335 : vector<16xi32>
      %and3A_337 = arith.andi %eq3A_333, %ge3A_336 : vector<16xi1>
      %convert_element_type3A_338 = arith.extui %and3A_337 : vector<16xi1> to vector<16xi32>
      %add3A_339 = arith.addi %add3A_323, %convert_element_type3A_338 : vector<16xi32>
      %sub3A_340 = arith.constant 5 : i32
      %sub3A_341 = vector.broadcast %sub3A_340 : i32 to vector<16xi32>
      %sub3A_342 = arith.subi %iota3A, %sub3A_341 : vector<16xi32>
      %max3A_343 = arith.constant 0 : i32
      %max3A_344 = vector.broadcast %max3A_343 : i32 to vector<16xi32>
      %max3A_345 = arith.maxsi %sub3A_342, %max3A_344 : vector<16xi32>
      %broadcast_in_dim3A_346 = vector.shape_cast %max3A_345 : vector<16xi32> to vector<16x1xi32>
      %gather3A_347 = vector.shape_cast %broadcast_in_dim3A_346 : vector<16x1xi32> to vector<16xi32>
      %gather3A_348 = tpu.dynamic_gather %get3A_280[%gather3A_347] in [0] : vector<16xi32>, vector<16xi32> -> vector<16xi32>
      %eq3A_349 = arith.cmpi eq, %gather3A_348, %get3A_280 : vector<16xi32>
      %ge3A_350 = arith.constant 5 : i32
      %ge3A_351 = vector.broadcast %ge3A_350 : i32 to vector<16xi32>
      %ge3A_352 = arith.cmpi sge, %iota3A, %ge3A_351 : vector<16xi32>
      %and3A_353 = arith.andi %eq3A_349, %ge3A_352 : vector<16xi1>
      %convert_element_type3A_354 = arith.extui %and3A_353 : vector<16xi1> to vector<16xi32>
      %add3A_355 = arith.addi %add3A_339, %convert_element_type3A_354 : vector<16xi32>
      %sub3A_356 = arith.constant 6 : i32
      %sub3A_357 = vector.broadcast %sub3A_356 : i32 to vector<16xi32>
      %sub3A_358 = arith.subi %iota3A, %sub3A_357 : vector<16xi32>
      %max3A_359 = arith.constant 0 : i32
      %max3A_360 = vector.broadcast %max3A_359 : i32 to vector<16xi32>
      %max3A_361 = arith.maxsi %sub3A_358, %max3A_360 : vector<16xi32>
      %broadcast_in_dim3A_362 = vector.shape_cast %max3A_361 : vector<16xi32> to vector<16x1xi32>
      %gather3A_363 = vector.shape_cast %broadcast_in_dim3A_362 : vector<16x1xi32> to vector<16xi32>
      %gather3A_364 = tpu.dynamic_gather %get3A_280[%gather3A_363] in [0] : vector<16xi32>, vector<16xi32> -> vector<16xi32>
      %eq3A_365 = arith.cmpi eq, %gather3A_364, %get3A_280 : vector<16xi32>
      %ge3A_366 = arith.constant 6 : i32
      %ge3A_367 = vector.broadcast %ge3A_366 : i32 to vector<16xi32>
      %ge3A_368 = arith.cmpi sge, %iota3A, %ge3A_367 : vector<16xi32>
      %and3A_369 = arith.andi %eq3A_365, %ge3A_368 : vector<16xi1>
      %convert_element_type3A_370 = arith.extui %and3A_369 : vector<16xi1> to vector<16xi32>
      %add3A_371 = arith.addi %add3A_355, %convert_element_type3A_370 : vector<16xi32>
      %sub3A_372 = arith.constant 7 : i32
      %sub3A_373 = vector.broadcast %sub3A_372 : i32 to vector<16xi32>
      %sub3A_374 = arith.subi %iota3A, %sub3A_373 : vector<16xi32>
      %max3A_375 = arith.constant 0 : i32
      %max3A_376 = vector.broadcast %max3A_375 : i32 to vector<16xi32>
      %max3A_377 = arith.maxsi %sub3A_374, %max3A_376 : vector<16xi32>
      %broadcast_in_dim3A_378 = vector.shape_cast %max3A_377 : vector<16xi32> to vector<16x1xi32>
      %gather3A_379 = vector.shape_cast %broadcast_in_dim3A_378 : vector<16x1xi32> to vector<16xi32>
      %gather3A_380 = tpu.dynamic_gather %get3A_280[%gather3A_379] in [0] : vector<16xi32>, vector<16xi32> -> vector<16xi32>
      %eq3A_381 = arith.cmpi eq, %gather3A_380, %get3A_280 : vector<16xi32>
      %ge3A_382 = arith.constant 7 : i32
      %ge3A_383 = vector.broadcast %ge3A_382 : i32 to vector<16xi32>
      %ge3A_384 = arith.cmpi sge, %iota3A, %ge3A_383 : vector<16xi32>
      %and3A_385 = arith.andi %eq3A_381, %ge3A_384 : vector<16xi1>
      %convert_element_type3A_386 = arith.extui %and3A_385 : vector<16xi1> to vector<16xi32>
      %add3A_387 = arith.addi %add3A_371, %convert_element_type3A_386 : vector<16xi32>
      %sub3A_388 = arith.constant 8 : i32
      %sub3A_389 = vector.broadcast %sub3A_388 : i32 to vector<16xi32>
      %sub3A_390 = arith.subi %iota3A, %sub3A_389 : vector<16xi32>
      %max3A_391 = arith.constant 0 : i32
      %max3A_392 = vector.broadcast %max3A_391 : i32 to vector<16xi32>
      %max3A_393 = arith.maxsi %sub3A_390, %max3A_392 : vector<16xi32>
      %broadcast_in_dim3A_394 = vector.shape_cast %max3A_393 : vector<16xi32> to vector<16x1xi32>
      %gather3A_395 = vector.shape_cast %broadcast_in_dim3A_394 : vector<16x1xi32> to vector<16xi32>
      %gather3A_396 = tpu.dynamic_gather %get3A_280[%gather3A_395] in [0] : vector<16xi32>, vector<16xi32> -> vector<16xi32>
      %eq3A_397 = arith.cmpi eq, %gather3A_396, %get3A_280 : vector<16xi32>
      %ge3A_398 = arith.constant 8 : i32
      %ge3A_399 = vector.broadcast %ge3A_398 : i32 to vector<16xi32>
      %ge3A_400 = arith.cmpi sge, %iota3A, %ge3A_399 : vector<16xi32>
      %and3A_401 = arith.andi %eq3A_397, %ge3A_400 : vector<16xi1>
      %convert_element_type3A_402 = arith.extui %and3A_401 : vector<16xi1> to vector<16xi32>
      %add3A_403 = arith.addi %add3A_387, %convert_element_type3A_402 : vector<16xi32>
      %sub3A_404 = arith.constant 9 : i32
      %sub3A_405 = vector.broadcast %sub3A_404 : i32 to vector<16xi32>
      %sub3A_406 = arith.subi %iota3A, %sub3A_405 : vector<16xi32>
      %max3A_407 = arith.constant 0 : i32
      %max3A_408 = vector.broadcast %max3A_407 : i32 to vector<16xi32>
      %max3A_409 = arith.maxsi %sub3A_406, %max3A_408 : vector<16xi32>
      %broadcast_in_dim3A_410 = vector.shape_cast %max3A_409 : vector<16xi32> to vector<16x1xi32>
      %gather3A_411 = vector.shape_cast %broadcast_in_dim3A_410 : vector<16x1xi32> to vector<16xi32>
      %gather3A_412 = tpu.dynamic_gather %get3A_280[%gather3A_411] in [0] : vector<16xi32>, vector<16xi32> -> vector<16xi32>
      %eq3A_413 = arith.cmpi eq, %gather3A_412, %get3A_280 : vector<16xi32>
      %ge3A_414 = arith.constant 9 : i32
      %ge3A_415 = vector.broadcast %ge3A_414 : i32 to vector<16xi32>
      %ge3A_416 = arith.cmpi sge, %iota3A, %ge3A_415 : vector<16xi32>
      %and3A_417 = arith.andi %eq3A_413, %ge3A_416 : vector<16xi1>
      %convert_element_type3A_418 = arith.extui %and3A_417 : vector<16xi1> to vector<16xi32>
      %add3A_419 = arith.addi %add3A_403, %convert_element_type3A_418 : vector<16xi32>
      %sub3A_420 = arith.constant 10 : i32
      %sub3A_421 = vector.broadcast %sub3A_420 : i32 to vector<16xi32>
      %sub3A_422 = arith.subi %iota3A, %sub3A_421 : vector<16xi32>
      %max3A_423 = arith.constant 0 : i32
      %max3A_424 = vector.broadcast %max3A_423 : i32 to vector<16xi32>
      %max3A_425 = arith.maxsi %sub3A_422, %max3A_424 : vector<16xi32>
      %broadcast_in_dim3A_426 = vector.shape_cast %max3A_425 : vector<16xi32> to vector<16x1xi32>
      %gather3A_427 = vector.shape_cast %broadcast_in_dim3A_426 : vector<16x1xi32> to vector<16xi32>
      %gather3A_428 = tpu.dynamic_gather %get3A_280[%gather3A_427] in [0] : vector<16xi32>, vector<16xi32> -> vector<16xi32>
      %eq3A_429 = arith.cmpi eq, %gather3A_428, %get3A_280 : vector<16xi32>
      %ge3A_430 = arith.constant 10 : i32
      %ge3A_431 = vector.broadcast %ge3A_430 : i32 to vector<16xi32>
      %ge3A_432 = arith.cmpi sge, %iota3A, %ge3A_431 : vector<16xi32>
      %and3A_433 = arith.andi %eq3A_429, %ge3A_432 : vector<16xi1>
      %convert_element_type3A_434 = arith.extui %and3A_433 : vector<16xi1> to vector<16xi32>
      %add3A_435 = arith.addi %add3A_419, %convert_element_type3A_434 : vector<16xi32>
      %sub3A_436 = arith.constant 11 : i32
      %sub3A_437 = vector.broadcast %sub3A_436 : i32 to vector<16xi32>
      %sub3A_438 = arith.subi %iota3A, %sub3A_437 : vector<16xi32>
      %max3A_439 = arith.constant 0 : i32
      %max3A_440 = vector.broadcast %max3A_439 : i32 to vector<16xi32>
      %max3A_441 = arith.maxsi %sub3A_438, %max3A_440 : vector<16xi32>
      %broadcast_in_dim3A_442 = vector.shape_cast %max3A_441 : vector<16xi32> to vector<16x1xi32>
      %gather3A_443 = vector.shape_cast %broadcast_in_dim3A_442 : vector<16x1xi32> to vector<16xi32>
      %gather3A_444 = tpu.dynamic_gather %get3A_280[%gather3A_443] in [0] : vector<16xi32>, vector<16xi32> -> vector<16xi32>
      %eq3A_445 = arith.cmpi eq, %gather3A_444, %get3A_280 : vector<16xi32>
      %ge3A_446 = arith.constant 11 : i32
      %ge3A_447 = vector.broadcast %ge3A_446 : i32 to vector<16xi32>
      %ge3A_448 = arith.cmpi sge, %iota3A, %ge3A_447 : vector<16xi32>
      %and3A_449 = arith.andi %eq3A_445, %ge3A_448 : vector<16xi1>
      %convert_element_type3A_450 = arith.extui %and3A_449 : vector<16xi1> to vector<16xi32>
      %add3A_451 = arith.addi %add3A_435, %convert_element_type3A_450 : vector<16xi32>
      %sub3A_452 = arith.constant 12 : i32
      %sub3A_453 = vector.broadcast %sub3A_452 : i32 to vector<16xi32>
      %sub3A_454 = arith.subi %iota3A, %sub3A_453 : vector<16xi32>
      %max3A_455 = arith.constant 0 : i32
      %max3A_456 = vector.broadcast %max3A_455 : i32 to vector<16xi32>
      %max3A_457 = arith.maxsi %sub3A_454, %max3A_456 : vector<16xi32>
      %broadcast_in_dim3A_458 = vector.shape_cast %max3A_457 : vector<16xi32> to vector<16x1xi32>
      %gather3A_459 = vector.shape_cast %broadcast_in_dim3A_458 : vector<16x1xi32> to vector<16xi32>
      %gather3A_460 = tpu.dynamic_gather %get3A_280[%gather3A_459] in [0] : vector<16xi32>, vector<16xi32> -> vector<16xi32>
      %eq3A_461 = arith.cmpi eq, %gather3A_460, %get3A_280 : vector<16xi32>
      %ge3A_462 = arith.constant 12 : i32
      %ge3A_463 = vector.broadcast %ge3A_462 : i32 to vector<16xi32>
      %ge3A_464 = arith.cmpi sge, %iota3A, %ge3A_463 : vector<16xi32>
      %and3A_465 = arith.andi %eq3A_461, %ge3A_464 : vector<16xi1>
      %convert_element_type3A_466 = arith.extui %and3A_465 : vector<16xi1> to vector<16xi32>
      %add3A_467 = arith.addi %add3A_451, %convert_element_type3A_466 : vector<16xi32>
      %sub3A_468 = arith.constant 13 : i32
      %sub3A_469 = vector.broadcast %sub3A_468 : i32 to vector<16xi32>
      %sub3A_470 = arith.subi %iota3A, %sub3A_469 : vector<16xi32>
      %max3A_471 = arith.constant 0 : i32
      %max3A_472 = vector.broadcast %max3A_471 : i32 to vector<16xi32>
      %max3A_473 = arith.maxsi %sub3A_470, %max3A_472 : vector<16xi32>
      %broadcast_in_dim3A_474 = vector.shape_cast %max3A_473 : vector<16xi32> to vector<16x1xi32>
      %gather3A_475 = vector.shape_cast %broadcast_in_dim3A_474 : vector<16x1xi32> to vector<16xi32>
      %gather3A_476 = tpu.dynamic_gather %get3A_280[%gather3A_475] in [0] : vector<16xi32>, vector<16xi32> -> vector<16xi32>
      %eq3A_477 = arith.cmpi eq, %gather3A_476, %get3A_280 : vector<16xi32>
      %ge3A_478 = arith.constant 13 : i32
      %ge3A_479 = vector.broadcast %ge3A_478 : i32 to vector<16xi32>
      %ge3A_480 = arith.cmpi sge, %iota3A, %ge3A_479 : vector<16xi32>
      %and3A_481 = arith.andi %eq3A_477, %ge3A_480 : vector<16xi1>
      %convert_element_type3A_482 = arith.extui %and3A_481 : vector<16xi1> to vector<16xi32>
      %add3A_483 = arith.addi %add3A_467, %convert_element_type3A_482 : vector<16xi32>
      %sub3A_484 = arith.constant 14 : i32
      %sub3A_485 = vector.broadcast %sub3A_484 : i32 to vector<16xi32>
      %sub3A_486 = arith.subi %iota3A, %sub3A_485 : vector<16xi32>
      %max3A_487 = arith.constant 0 : i32
      %max3A_488 = vector.broadcast %max3A_487 : i32 to vector<16xi32>
      %max3A_489 = arith.maxsi %sub3A_486, %max3A_488 : vector<16xi32>
      %broadcast_in_dim3A_490 = vector.shape_cast %max3A_489 : vector<16xi32> to vector<16x1xi32>
      %gather3A_491 = vector.shape_cast %broadcast_in_dim3A_490 : vector<16x1xi32> to vector<16xi32>
      %gather3A_492 = tpu.dynamic_gather %get3A_280[%gather3A_491] in [0] : vector<16xi32>, vector<16xi32> -> vector<16xi32>
      %eq3A_493 = arith.cmpi eq, %gather3A_492, %get3A_280 : vector<16xi32>
      %ge3A_494 = arith.constant 14 : i32
      %ge3A_495 = vector.broadcast %ge3A_494 : i32 to vector<16xi32>
      %ge3A_496 = arith.cmpi sge, %iota3A, %ge3A_495 : vector<16xi32>
      %and3A_497 = arith.andi %eq3A_493, %ge3A_496 : vector<16xi1>
      %convert_element_type3A_498 = arith.extui %and3A_497 : vector<16xi1> to vector<16xi32>
      %add3A_499 = arith.addi %add3A_483, %convert_element_type3A_498 : vector<16xi32>
      %sub3A_500 = arith.constant 15 : i32
      %sub3A_501 = vector.broadcast %sub3A_500 : i32 to vector<16xi32>
      %sub3A_502 = arith.subi %iota3A, %sub3A_501 : vector<16xi32>
      %max3A_503 = arith.constant 0 : i32
      %max3A_504 = vector.broadcast %max3A_503 : i32 to vector<16xi32>
      %max3A_505 = arith.maxsi %sub3A_502, %max3A_504 : vector<16xi32>
      %broadcast_in_dim3A_506 = vector.shape_cast %max3A_505 : vector<16xi32> to vector<16x1xi32>
      %gather3A_507 = vector.shape_cast %broadcast_in_dim3A_506 : vector<16x1xi32> to vector<16xi32>
      %gather3A_508 = tpu.dynamic_gather %get3A_280[%gather3A_507] in [0] : vector<16xi32>, vector<16xi32> -> vector<16xi32>
      %eq3A_509 = arith.cmpi eq, %gather3A_508, %get3A_280 : vector<16xi32>
      %ge3A_510 = arith.constant 15 : i32
      %ge3A_511 = vector.broadcast %ge3A_510 : i32 to vector<16xi32>
      %ge3A_512 = arith.cmpi sge, %iota3A, %ge3A_511 : vector<16xi32>
      %and3A_513 = arith.andi %eq3A_509, %ge3A_512 : vector<16xi1>
      %convert_element_type3A_514 = arith.extui %and3A_513 : vector<16xi1> to vector<16xi32>
      %add3A_515 = arith.addi %add3A_499, %convert_element_type3A_514 : vector<16xi32>
      %gather3A_516 = tpu.vector_load_idx %arg15[%get3A_280] masked %lt3A_276 : memref<32xi32, #tpu.memory_space<vmem>>[vector<16xi32>], vector<16xi32>, vector<16xi1>
      %add3A_517 = arith.addi %gather3A_516, %add3A_515 : vector<16xi32>
      tpu.vector_store_idx %arg15[%get3A_280], %broadcast_in_dim3A_3 masked %lt3A_276 {add = true} : memref<32xi32, #tpu.memory_space<vmem>>[vector<16xi32>], vector<16xi32>, vector<16xi1>
      %gather3A_518 = tpu.vector_load_idx %arg12[%add3A_517] masked %lt3A_276 : memref<65536xf32, #tpu.memory_space<vmem>>[vector<16xi32>], vector<16xf32>, vector<16xi1>
      %mul3A_519 = arith.constant 16 : i32
      %mul3A_520 = arith.muli %while3A_270, %mul3A_519 : i32
      %get3A_521 = arith.index_cast %mul3A_520 : i32 to index
      %get3A_522 = tpu.vector_load %arg9[%get3A_521] {strides = array<i32>} : memref<4112xi32, #tpu.memory_space<vmem>>, vector<16xi32>,
      tpu.vector_store_idx %arg13[%get3A_522], %gather3A_518 masked %lt3A_276 : memref<4096xf32, #tpu.memory_space<vmem>>[vector<16xi32>], vector<16xf32>, vector<16xi1>
      %while3A_523 = arith.constant 0 : i32
      scf.yield %while3A_523 : i32
    }
    "tpu.region"() ({
      %run_scoped3A = tpu.sem_alloc : memref<!tpu.dma_semaphore, #tpu.memory_space<semaphore_mem>>
      %dma_start3A = tpu.memref_slice %arg4[%mul3A_0] : memref<65536xf32, #tpu.memory_space<hbm>> -> memref<4096xf32, #tpu.memory_space<hbm>>
      %dma_start3A_270 = tpu.memref_slice %arg4[%mul3A_0] : memref<65536xf32, #tpu.memory_space<hbm>> -> memref<4096xf32, #tpu.memory_space<hbm>>
      tpu.enqueue_dma source(%arg13 : memref<4096xf32, #tpu.memory_space<vmem>>) target(%dma_start3A_270 : memref<4096xf32, #tpu.memory_space<hbm>>) target_semaphore(%run_scoped3A : memref<!tpu.dma_semaphore, #tpu.memory_space<semaphore_mem>>)
      %dma_wait3A = tpu.memref_slice %arg4[%mul3A_0] : memref<65536xf32, #tpu.memory_space<hbm>> -> memref<4096xf32, #tpu.memory_space<hbm>>
      %dma_wait3A_271 = tpu.memref_slice %arg4[%mul3A_0] : memref<65536xf32, #tpu.memory_space<hbm>> -> memref<4096xf32, #tpu.memory_space<hbm>>
      tpu.wait_dma2 semaphore(%run_scoped3A : memref<!tpu.dma_semaphore, #tpu.memory_space<semaphore_mem>>) src(%arg13 : memref<4096xf32, #tpu.memory_space<vmem>>) dst(%dma_wait3A_271 : memref<4096xf32, #tpu.memory_space<hbm>>)
      tpu.yield
    }) : () -> ()
    "tpu.region"() ({
      %run_scoped3A = tpu.sem_alloc : memref<!tpu.dma_semaphore, #tpu.memory_space<semaphore_mem>>
      %dma_start3A = tpu.memref_slice %arg5[%mul3A_0] : memref<65536xf32, #tpu.memory_space<hbm>> -> memref<4096xf32, #tpu.memory_space<hbm>>
      %dma_start3A_270 = tpu.memref_slice %arg5[%mul3A_0] : memref<65536xf32, #tpu.memory_space<hbm>> -> memref<4096xf32, #tpu.memory_space<hbm>>
      tpu.enqueue_dma source(%arg14 : memref<4096xf32, #tpu.memory_space<vmem>>) target(%dma_start3A_270 : memref<4096xf32, #tpu.memory_space<hbm>>) target_semaphore(%run_scoped3A : memref<!tpu.dma_semaphore, #tpu.memory_space<semaphore_mem>>)
      %dma_wait3A = tpu.memref_slice %arg5[%mul3A_0] : memref<65536xf32, #tpu.memory_space<hbm>> -> memref<4096xf32, #tpu.memory_space<hbm>>
      %dma_wait3A_271 = tpu.memref_slice %arg5[%mul3A_0] : memref<65536xf32, #tpu.memory_space<hbm>> -> memref<4096xf32, #tpu.memory_space<hbm>>
      tpu.wait_dma2 semaphore(%run_scoped3A : memref<!tpu.dma_semaphore, #tpu.memory_space<semaphore_mem>>) src(%arg14 : memref<4096xf32, #tpu.memory_space<vmem>>) dst(%dma_wait3A_271 : memref<4096xf32, #tpu.memory_space<hbm>>)
      tpu.yield
    }) : () -> ()
    return
  }
}

module attributes {stable_mosaic.version = 14 : i64} {
  func.func @_tc_body(%arg0: i32, %arg1: memref<1x1x8192xi32, #tpu.memory_space<vmem>>, %arg2: memref<1x1x8192xi32, #tpu.memory_space<vmem>>, %arg3: memref<8192x190xf32, #tpu.memory_space<vmem>>, %arg4: memref<1x1x8192xf32, #tpu.memory_space<vmem>>, %arg5: memref<1x1x8192xi32, #tpu.memory_space<vmem>>) attributes {dimension_semantics = [#tpu.dimension_semantics<arbitrary>], iteration_bounds = array<i64: 8>, scalar_prefetch = 0 : i64, scratch_operands = 0 : i64, tpu.core_type = #tpu.core_type<tc>, window_params = [{transform_indices = @transform_0, window_bounds = array<i64: 1, 1, 8192>}, {transform_indices = @transform_1, window_bounds = array<i64: 1, 1, 8192>}, {transform_indices = @transform_2, window_bounds = array<i64: 8192, 190>}, {transform_indices = @transform_3, window_bounds = array<i64: 1, 1, 8192>}, {transform_indices = @transform_4, window_bounds = array<i64: 1, 1, 8192>}]} {
    %get3A = arith.constant 0 : index
    %get3A_0 = arith.constant 0 : index
    %get3A_1 = arith.constant 0 : index
    %get3A_2 = vector.load %arg1[%get3A, %get3A_0, %get3A_1] : memref<1x1x8192xi32, #tpu.memory_space<vmem>>, vector<1x1x8192xi32>
    %get3A_3 = vector.shape_cast %get3A_2 : vector<1x1x8192xi32> to vector<8192xi32>
    %get3A_4 = arith.constant 0 : index
    %get3A_5 = arith.constant 0 : index
    %get3A_6 = arith.constant 0 : index
    %get3A_7 = vector.load %arg2[%get3A_4, %get3A_5, %get3A_6] : memref<1x1x8192xi32, #tpu.memory_space<vmem>>, vector<1x1x8192xi32>
    %get3A_8 = vector.shape_cast %get3A_7 : vector<1x1x8192xi32> to vector<8192xi32>
    %ne3A = arith.constant 0 : i32
    %ne3A_9 = vector.broadcast %ne3A : i32 to vector<8192xi32>
    %ne3A_10 = arith.cmpi ne, %get3A_8, %ne3A_9 : vector<8192xi32>
    %jit3A = arith.constant -1 : i32
    %broadcast_in_dim3A = vector.broadcast %jit3A : i32 to vector<8192xi32>
    %select_n3A = arith.select %ne3A_10, %broadcast_in_dim3A, %get3A_3 : vector<8192xi1>, vector<8192xi32>
    %swap3A = arith.constant 0 : index
    %swap3A_11 = arith.constant 0 : index
    %swap3A_12 = arith.constant 0 : index
    %swap3A_13 = vector.load %arg5[%swap3A, %swap3A_11, %swap3A_12] : memref<1x1x8192xi32, #tpu.memory_space<vmem>>, vector<1x1x8192xi32>
    %swap3A_14 = vector.shape_cast %swap3A_13 : vector<1x1x8192xi32> to vector<8192xi32>
    %swap3A_15 = vector.shape_cast %select_n3A : vector<8192xi32> to vector<1x1x8192xi32>
    tpu.vector_store %arg5[%swap3A, %swap3A_11, %swap3A_12], %swap3A_15 {strides = array<i32>} : memref<1x1x8192xi32, #tpu.memory_space<vmem>>, vector<1x1x8192xi32>,
    %iota3A = tpu.iota {dimensions = array<i32: 1>} : vector<8192x190xi32>
    %broadcast_in_dim3A_16 = vector.shape_cast %get3A_3 : vector<8192xi32> to vector<8192x1xi32>
    %eq3A = vector.broadcast %broadcast_in_dim3A_16 : vector<8192x1xi32> to vector<8192x190xi32>
    %eq3A_17 = arith.cmpi eq, %iota3A, %eq3A : vector<8192x190xi32>
    %get3A_18 = arith.constant 0 : index
    %get3A_19 = arith.constant 0 : index
    %get3A_20 = vector.load %arg3[%get3A_18, %get3A_19] : memref<8192x190xf32, #tpu.memory_space<vmem>>, vector<8192x190xf32>
    %jit3A_21 = arith.constant 0.000000e+00 : f32
    %broadcast_in_dim3A_22 = vector.broadcast %jit3A_21 : f32 to vector<8192x190xf32>
    %select_n3A_23 = arith.select %eq3A_17, %get3A_20, %broadcast_in_dim3A_22 : vector<8192x190xi1>, vector<8192x190xf32>
    %reduce_sum3A = arith.constant dense<0.000000e+00> : vector<8192xf32>
    %reduce_sum3A_24 = vector.multi_reduction <add>, %select_n3A_23, %reduce_sum3A [1] : vector<8192x190xf32> to vector<8192xf32>
    %swap3A_25 = arith.constant 0 : index
    %swap3A_26 = arith.constant 0 : index
    %swap3A_27 = arith.constant 0 : index
    %swap3A_28 = vector.load %arg4[%swap3A_25, %swap3A_26, %swap3A_27] : memref<1x1x8192xf32, #tpu.memory_space<vmem>>, vector<1x1x8192xf32>
    %swap3A_29 = vector.shape_cast %swap3A_28 : vector<1x1x8192xf32> to vector<8192xf32>
    %swap3A_30 = vector.shape_cast %reduce_sum3A_24 : vector<8192xf32> to vector<1x1x8192xf32>
    tpu.vector_store %arg4[%swap3A_25, %swap3A_26, %swap3A_27], %swap3A_30 {strides = array<i32>} : memref<1x1x8192xf32, #tpu.memory_space<vmem>>, vector<1x1x8192xf32>,
    return
  }
  func.func @transform_0(%arg0: i32) -> (i32, i32, i32) {
    %c0_i32 = arith.constant 0 : i32
    %c0_i32_0 = arith.constant 0 : i32
    %c0_i32_1 = arith.constant 0 : i32
    return %arg0, %c0_i32, %c0_i32_0 : i32, i32, i32
  }
  func.func @transform_1(%arg0: i32) -> (i32, i32, i32) {
    %c0_i32 = arith.constant 0 : i32
    %c0_i32_0 = arith.constant 0 : i32
    %c0_i32_1 = arith.constant 0 : i32
    return %arg0, %c0_i32, %c0_i32_0 : i32, i32, i32
  }
  func.func @transform_2(%arg0: i32) -> (i32, i32) {
    %c0_i32 = arith.constant 0 : i32
    %c0_i32_0 = arith.constant 0 : i32
    return %arg0, %c0_i32 : i32, i32
  }
  func.func @transform_3(%arg0: i32) -> (i32, i32, i32) {
    %c0_i32 = arith.constant 0 : i32
    %c0_i32_0 = arith.constant 0 : i32
    %c0_i32_1 = arith.constant 0 : i32
    return %arg0, %c0_i32, %c0_i32_0 : i32, i32, i32
  }
  func.func @transform_4(%arg0: i32) -> (i32, i32, i32) {
    %c0_i32 = arith.constant 0 : i32
    %c0_i32_0 = arith.constant 0 : i32
    %c0_i32_1 = arith.constant 0 : i32
    return %arg0, %c0_i32, %c0_i32_0 : i32, i32, i32
  }
}

</mosaic_0001>

<sc_bundles>
// kernel: kernel.4.cloned.1.call-start
scs
__scs_entry_jumppad:
0x0: {  	(pc) =	sbr.rel $0x88, $3  }
0x1: {  	(tag) =	ssettag $0x0;
	lr =	simm.s32 $0x1  }
0x2: {  	[smem:$0x3F9E] =	sst lr;
	_ =	strace $0xD0000000  }
0x3: {  	_ = 	snop  }
0x4: {  	_ = 	snop  }
0x5: {  	_ = 	snop  }
0x6: {  	_ = 	snop  }
0x7: {  	_ = 	snop  }
__scs_overlays_trampoline_lowered:
0x8: {  	[smem:$0x3FAD] =	sst s0  }
0x9: {  	[smem:$0x3FAE] =	sst s1  }
0xa: {  	[smem:$0x3FAF] =	sst s2  }
0xb: {  	[smem:$0x3FB0] =	sst s3  }
0xc: {  	[smem:$0x3FB1] =	sst s4  }
0xd: {  	[smem:$0x3FB2] =	sst s5  }
0xe: {  	[smem:$0x3FB3] =	sst s6  }
0xf: {  	[smem:$0x3FB4] =	sst s7  }
0x10: {  	[smem:$0x3FB5] =	sst s8  }
0x11: {  	[smem:$0x3FB6] =	sst s9;
	s0 =	simm.s32 @!p0 $0x0  }
0x12: {  	s1 =	sld [smem:$0x3F9C];
	s0 =	simm.s32 @p0 $0x1  }
0x13: {  	[smem:$0x3FB7] =	sst s0;
	s0 =	simm.s32 @!p1 $0x0  }
0x14: {  	s2 =	sld [smem:$0x3F9B];
	s0 =	simm.s32 @p1 $0x1  }
0x15: {  	[smem:$0x3FB8] =	sst s0;
	s0 =	simm.s32 @!p2 $0x0  }
0x16: {  	s3 =	sld [smem:$0x3FDB];
	s0 =	simm.s32 @p2 $0x1  }
0x17: {  	s4 =	simm.s32 $0x1BF5;
	[smem:$0x3FBA] =	sst s0  }
0x18: {  	s0 =	sld [smem:$0x3F9D];
	_ =	swait.ge [sflag:s4], $0x0  }
0x19: {  	s7 =	sld [smem:$0x3F9E]  }
0x1a: {  	s8 =	sadd.s32 $0xFFFFE003, lr  }
0x1b: {  	s9 =	sadd.s32 $0xFFFFFEF7, lr;
	s5 =	simm.s32 $0xFFFFFFFF;
	p2 =	slt.u32 s8, $0xFFFFF086  }
0x1c: {  	p1 =	slt.u32 s9, $0xF7A;
	s5 =	simm.s32 @!p2 $0x0  }
0x1d: {  	s5 =	simm.s32 @p1 $0x1;
	p0 =	seq.s32 s7, s2  }
0x1e: {  	s7 =	smul.u32 @!p0 $0xF7A, s2;
	p2 =	seq.s32 @!p0 s5, $0x0  }
0x1f: {  	s9 =	smul.u32 $0xF7A, s1;
	s8 =	simm.s32 @!p0 $0x1BF5;
	p2 =	por !p2, p0  }
0x20: {  	[sflag:s8] =	ssyncset.s32 @!p0 $0xFFFFF086;
	s6 =	sadd.s32 @!p0 s3, s7;
	s7 =	simm.s32 @!p0 $0x108  }
0x21: {  	s3 =	sadd.s32 s3, s9;
	s6 =	sadd.s32 @!p0 $0x88, s6;
	s7 =	simm.s32 @p2 $0x1082  }
0x22: {  	[simem:s7], [sflag:s8] =	dma.local @!p0 [hbm:s6], $0xF7A  }
0x23: {  	s9 =	sor.u32 $0xD0000000, s2;
	s6 =	simm.s32 $0x108;
	_ =	swait.ge @!p0 [sflag:s8], $0x0  }
0x24: {  	s3 =	sadd.s32 $0x88, s3;
	s6 =	simm.s32 @!p1 $0x1082;
	[sflag:s4] =	ssyncset.s32 $0xFFFFF086  }
0x25: {  	[simem:s6], [sflag:s4] =	dma.local [hbm:s3], $0xF7A  }
0x26: {  	[smem:$0x3F9E] =	sst s1;
	(tag) =	ssettag s2;
	_ =	strace s9  }
0x27: {  	s1 =	sld [smem:$0x3FAE]  }
0x28: {  	s2 =	sld [smem:$0x3FAF]  }
0x29: {  	s4 =	sld [smem:$0x3FB1]  }
0x2a: {  	p0 =	seq.s32 s5, $0x0;
	s5 =	sld [smem:$0x3FB2]  }
0x2b: {  	s6 =	sld [smem:$0x3FB3]  }
0x2c: {  	s7 =	sld [smem:$0x3FB4]  }
0x2d: {  	s3 =	simm.s32 $0x108;
	s8 =	sld [smem:$0x3FB5]  }
0x2e: {  	s3 =	simm.s32 @!p0 $0x1082;
	s9 =	sld [smem:$0x3FB6]  }
0x2f: {  	lr =	sadd.s32 s0, s3;
	s0 =	sld [smem:$0x3FAD]  }
0x30: {  	s3 =	sld [smem:$0x3FB0]  }
0x31: {  	[smem:$0x3FB9] =	sst s10  }
0x32: {  	s10 =	sld [smem:$0x3FB7];
	_ =	sdelay $0x3  }
0x33: {  	p0 =	seq.s32 s10, $0x1;
	s10 =	sld [smem:$0x3FB9];
	_ =	sdelay $0x3  }
0x34: {  	[smem:$0x3FB9] =	sst s10  }
0x35: {  	s10 =	sld [smem:$0x3FB8];
	_ =	sdelay $0x3  }
0x36: {  	p1 =	seq.s32 s10, $0x1;
	s10 =	sld [smem:$0x3FB9];
	_ =	sdelay $0x3  }
0x37: {  	[smem:$0x3FB9] =	sst s10  }
0x38: {  	s10 =	sld [smem:$0x3FBA]  }
0x39: {  	_ = 	snop;
	(pc) =	sbr.ind lr, $3  }
0x3a: {  	_ = 	snop  }
0x3b: {  	_ = 	snop  }
0x3c: {  	p2 =	seq.s32 s10, $0x1;
	s10 =	sld [smem:$0x3FB9]  }
0x3d: {  	_ =	shalt  }
0x3e: {  	_ =	shalt  }
0x3f: {  	_ =	shalt  }
0x40: {  	_ =	shalt  }
0x41: {  	_ =	shalt  }
0x42: {  	_ =	shalt  }
0x43: {  	_ =	shalt  }
0x44: {  	_ =	shalt  }
0x45: {  	_ =	shalt  }
0x46: {  	_ =	shalt  }
0x47: {  	_ =	shalt  }
0x48: {  	_ =	shalt  }
0x49: {  	_ =	shalt  }
0x4a: {  	_ =	shalt  }
0x4b: {  	_ =	shalt  }
0x4c: {  	_ =	shalt  }
0x4d: {  	_ =	shalt  }
0x4e: {  	_ =	shalt  }
0x4f: {  	_ =	shalt  }
0x50: {  	_ =	shalt  }
0x51: {  	_ =	shalt  }
0x52: {  	_ =	shalt  }
0x53: {  	_ =	shalt  }
0x54: {  	_ =	shalt  }
0x55: {  	_ =	shalt  }
0x56: {  	_ =	shalt  }
0x57: {  	_ =	shalt  }
0x58: {  	_ =	shalt  }
0x59: {  	_ =	shalt  }
0x5a: {  	_ =	shalt  }
0x5b: {  	_ =	shalt  }
0x5c: {  	_ =	shalt  }
0x5d: {  	_ =	shalt  }
0x5e: {  	_ =	shalt  }
0x5f: {  	_ =	shalt  }
0x60: {  	_ =	shalt  }
0x61: {  	_ =	shalt  }
0x62: {  	_ =	shalt  }
0x63: {  	_ =	shalt  }
0x64: {  	_ =	shalt  }
0x65: {  	_ =	shalt  }
0x66: {  	_ =	shalt  }
0x67: {  	_ =	shalt  }
0x68: {  	_ =	shalt  }
0x69: {  	_ =	shalt  }
0x6a: {  	_ =	shalt  }
0x6b: {  	_ =	shalt  }
0x6c: {  	_ =	shalt  }
0x6d: {  	_ =	shalt  }
0x6e: {  	_ =	shalt  }
0x6f: {  	_ =	shalt  }
0x70: {  	_ =	shalt  }
0x71: {  	_ =	shalt  }
0x72: {  	_ =	shalt  }
0x73: {  	_ =	shalt  }
0x74: {  	_ =	shalt  }
0x75: {  	_ =	shalt  }
0x76: {  	_ =	shalt  }
0x77: {  	_ =	shalt  }
0x78: {  	_ =	shalt  }
0x79: {  	_ =	shalt  }
0x7a: {  	_ =	shalt  }
0x7b: {  	_ =	shalt  }
0x7c: {  	_ =	shalt  }
0x7d: {  	_ =	shalt  }
0x7e: {  	_ =	shalt  }
0x7f: {  	_ =	shalt  }
0x80: {  	_ =	shalt  }
0x81: {  	_ =	shalt  }
0x82: {  	_ =	shalt  }
0x83: {  	_ =	shalt  }
0x84: {  	_ =	shalt  }
0x85: {  	_ =	shalt  }
0x86: {  	_ =	shalt  }
0x87: {  	_ =	shalt  }
.Lfunc_end0:
.L_simem_size_0:
called_computation_lowered:
.L_overlay_start_0:
0x88: {  	s0 =	sld [smem:$0x3FD9]  }
0x89: {  	s1 =	sld [smem:$0x3FFE];
	_ =	sdelay $0x3  }
0x8a: {  	s0 =	sadd.s32 s1, s0  }
0x8b: {  	[smem:$0x3FC5] =	sst s0  }
0x8c: {  	_ = 	snop  }
0x8d: {  	s0 =	sld [smem:$0x3FD0];
	_ =	sdelay $0x2  }
0x8e: {  	s2 =	simm.s32 $0xA;
	s3 =	simm.s32 $0x10;
	s13 =	sld [smem:$0x3FC8]  }
0x8f: {  	[smem:s3], [sflag:s2] =	dma.local [hbm:s0], $0x1  }
0x90: {  	_ =	swait.eq [sflag:s2], $0x1  }
0x91: {  	[sflag:s2] =	ssyncset.done $0x0  }
0x92: {  	s14 =	sld [smem:$0x10];
	[sflag:s2] =	ssyncadd.s32 $0xFFFFFFFF  }
0x93: {  	s15 =	sld [smem:$0x11];
	(tm) =	ssettm $0x1  }
0x94: {  	s16 =	sld [smem:$0x3FFB];
	_ =	sdelay $0x3  }
0x95: {  	_ =	strace s16  }
0x96: {  	s3 =	sld [smem:$0x3FFC];
	_ =	sdelay $0x3  }
0x97: {  	_ =	strace s3  }
0x98: {  	s3 =	sld [smem:$0x3FFD];
	_ =	sdelay $0x3  }
0x99: {  	_ =	strace s3  }
0x9a: {  	_ =	strace $0x8FFFFFFF  }
0x9b: {  	s17 =	sld [smem:$0x3FDB];
	_ =	sdelay $0x1  }
0x9c: {  	s4 =	simm.s32 $_scs_section_size  }
0x9d: {  	s5 =	simm.s32 $_size__tile_overlayer_lowered;
	s6 =	simm.s32 $_tile_overlayer_lowered  }
0x9e: {  	s20 =	simm.s32 $0x1BFF;
	s19 =	sshll.u32 s6, $0x1;
	s3 =	sadd.s32 s4, s17  }
0x9f: {  	s7 =	simm.s32 $0x0;
	s18 =	sshll.u32 s5, $0x1;
	s5 =	sadd.s32 s19, s3  }
0xa0: {  	[timem:s7], [sflag:s20] =	dma.local [hbm:s5], s18  }
0xa1: {  	_ =	swait.ge [sflag:s20], s18  }
0xa2: {  	s4 =	ssub.s32 $0x0, s18;
	[sflag:s20] =	ssyncset.done $0x0  }
0xa3: {  	[sflag:s20] =	ssyncadd.s32 s4;
	_ =	sdelay $0x1  }
0xa4: {  	s21 =	simm.s32 $0x1B8B  }
0xa5: {  	_ =	swait.ge [sflag:s21], $0x1  }
0xa6: {  	[sflag:s21] =	ssyncset.done $0x0  }
0xa7: {  	s23 =	simm.s32 $0x1B8E;
	s22 =	sld [smem:$0x3FFE];
	[sflag:s21] =	ssyncadd.s32 $0xFFFFFFFF  }
0xa8: {  	s24 =	simm.s32 $execute0_lowered;
	[smem:$0x3FD2] =	sst s23  }
0xa9: {  	s5 =	sshll.u32 s24, $0x1;
	_ =	strace $0x80000046;
	[dreg:$0x1] =	wrdreg $0xFFFFFFFF  }
0xaa: {  	s25 =	simm.s32 $_size_execute0_lowered;
	s3 =	sadd.s32 s3, s5;
	[dreg:$0x0] =	wrdreg $0x0  }
0xab: {  	s5 =	sshll.u32 s25, $0x1;
	[dreg:$0x2] =	wrdreg s3  }
0xac: {  	[dreg:$0x3] =	wrdreg s5  }
0xad: {  	[dreg:$0x4] =	wrdreg $0xC0  }
0xae: {  	_ =	task [dreg:s7], $0x5FFFF  }
0xaf: {  	[dreg:$0x1] =	wrdreg $0xFFFFFFFF  }
0xb0: {  	[dreg:$0x0] =	wrdreg $0x60  }
0xb1: {  	[dreg:$0x2] =	wrdreg s13  }
0xb2: {  	[dreg:$0x3] =	wrdreg s22  }
0xb3: {  	[dreg:$0x4] =	wrdreg s14  }
0xb4: {  	[dreg:$0x5] =	wrdreg s15  }
0xb5: {  	[dreg:$0x6] =	wrdreg $0x9  }
0xb6: {  	_ =	task.clear_ibuf [dreg:s7], $0x7FFFF;
	_ =	strace $0x90000046  }
0xb7: {  	s26 =	simm.s32 $0x9;
	_ =	strace $0x80000048  }
0xb8: {  	_ =	swait.ge [sflag:s26], $0x1  }
0xb9: {  	[sflag:s26] =	ssyncadd.s32 $0xFFFFFFFF  }
0xba: {  	_ =	strace $0x90000048  }
0xbb: {  	_ =	sfence  }
0xbc: {  	s28 =	sld [smem:$0x0];
	_ =	sdelay $0x1  }
0xbd: {  	s29 =	srdreg.scid  }
0xbe: {  	s30 =	sshll.u32 s29, $0xD;
	s31 =	sshrl.u32 s29, $0x2  }
0xbf: {  	s1 =	sand.u32 $0x1, s29;
	s2 =	sand.u32 $0x4000, s30;
	s0 =	sadd.s32 s31, s28  }
0xc0: {  	s1 =	sor.u32 s2, s1;
	s0 =	sshll.u32 s0, $0x11  }
0xc1: {  	s0 =	sor.u32 s0, s1  }
0xc2: {  	s0 =	sadd.s32 $0x8F2B, s0  }
0xc3: {  	[sflag:s0] =	ssyncadd.remote.s32 $0x1  }
0xc4: {  	_ =	sfence.sel $0xFFFF  }
0xc5: {  	[dreg:$0x0] =	wrdreg $0xFFFFFFFF;
	(pc) =	sbr.abs _section_cstart, $3  }
0xc6: {  	[dreg:$0x1] =	wrdreg $0xFFFFFFFF  }
0xc7: {  	_ =	task.clear_ibuf [dreg:s7], $0x2FFFF;
	_ =	strace $0x9FFFFFFF  }
0xc8: {  	(tm) =	ssettm $0x7FFFFFFF  }
0xc9: {  	_ =	shalt  }
tec
execute0_lowered:
.L_overlay_start_1:
0x0: {  	(tag) =	ssettag $0x1  }
0x1: {  	s5 =	rddreg [dreg:$0x0]  }
0x2: {  	s6 =	rddreg [dreg:$0x1]  }
0x3: {  	s2 =	rddreg [dreg:$0x2]  }
0x4: {  	s3 =	rddreg [dreg:$0x3]  }
0x5: {  	s0 =	rddreg [dreg:$0x4];
	s11 =	simm.s32 $0x0;
	s1 =	stileid.u32  }
0x6: {  	s8 =	simm.s32 $0x4900;
	[smem:$0x7FF] =	sst s11;
	s7 =	sadd.s32 $0xE00, s6  }
0x7: {  	s4 =	sshll.u32 s1, $0x9;
	s28 =	sshll.u32 s1, $0xC;
	_ =	strace $0x80000047  }
0x8: {  	[tilespmem:s8], [sflag:$0x1] =	stream.linear.gather [hbm4b:s7+s11], $0x10000, $0x38;
	[tilespmem:$0x16980] =	vst v63  }
0x9: {  	s29 =	simm.s32 $0x2;
	s5 =	sadd.s32 s5, s4;
	[dreg:$0x5] =	wrdreg s28  }
0xa: {  	[tilespmem:s11], [sflag:$0x2] =	stream.linear.gather [hbm4b:s5+s11], $0x1000, $0x38;
	[tilespmem:$0x16980] =	vst v63  }
0xb: {  	_ =	swait.ge [sflag:s29], $0x1000  }
0xc: {  	[sflag:s29] =	ssyncset.done $0x0  }
0xd: {  	v1 =	vimm.s32 $0x0;
	[sflag:s29] =	ssyncadd.s32 $0xFFFFF000  }
0xe: {  	[tilespmem:$0x16900] =	vst v1  }
0xf: {  	s9 =	simm.s32 $0x40;
	[tilespmem:$0x16910] =	vst v1  }
0x10: {  	v0 =	vld [tilespmem:s9+$0xFFFFFFC0];
	_ =	sdelay $0x4  }
0x11: {  	v2 =	vmul.u32 $0xCD, v0;
	vm0 =	veq.s32 v0, $0xB3  }
0x12: {  	vm1 =	veq.s32 v0, $0xBD;
	v3 =	vsel vm0, $0x1, v1  }
0x13: {  	v4 =	vsel vm1, $0x1, v1;
	v5 =	vshra.s32 v2, $0xB;
	(xrf0) =	vadd.scan.msk.s32 $0xffff, v3  }
0x14: {  	v2 =	vmul.u32 $0xFFFFFFF6, v5;
	(xrf0) =	vadd.scan.msk.s32 $0xffff, v4;
	_ =	sdelay $0x1  }
0x15: {  	v0 =	vadd.s32 v0, v2  }
0x16: {  	vm0 =	veq.s32 v0, $0x9;
	_ =	sdelay $0x1  }
0x17: {  	v6, _, _ =	vpop (xrf0)  }
0x18: {  	s31 =	simm.s32 $0x14940;
	s30 =	rddreg [dreg:$0x5];
	v3 =	vimm.f32 $0.0e+00;
	v0 =	vlaneseq.u32;
	v7, _, _ =	vpop (xrf0)  }
0x19: {  	s10 =	sadd.s32 $0x0, s30;
	[tilespmem:s31+$0xFFFFFFC0] =	vst v3;
	v4 =	vsel vm0, $0x1, v1;
	v8 =	vadd.s32 v1, v6;
	v9 =	vadd.s32 v1, v7  }
0x1a: {  	s5 =	simm.s32 $0x16900;
	v2 =	vimm.s32 $0x1;
	(xrf0) =	vadd.scan.msk.s32 $0xffff, v4;
	v4 =	vor.u32 s10, v0;
	v8 =	vsel vm1, v8, v9  }
0x1b: {  	s8 =	simm.s32 $0x1040;
	[tilespmem:v5+s5+$0x0] =	vst.idx.add.s32.msk vm0, v2;
	v4 =	vsub.s32 v4, v8  }
0x1c: {  	[tilespmem:s8+$0xFFFFFFC0] =	vst v4;
	v4 =	vor.u32 s11, v0  }
0x1d: {  	[tilespmem:s11+$0x2000] =	vst.msk vm0, v4  }
0x1e: {  	[tilespmem:s11+$0x3080] =	vst.msk vm0, v5  }
0x1f: {  	v4 =	vld [tilespmem:s9+$0xFFFFFFD0]  }
0x20: {  	v5, _, _ =	vpop (xrf0)  }
0x21: {  	(v2sf) =	vpush v5, $0xF;
	_ =	sdelay $0x2  }
0x22: {  	v5 =	vmul.u32 $0xCD, v4;
	vm0 =	veq.s32 v4, $0xB3  }
0x23: {  	vm1 =	veq.s32 v4, $0xBD;
	v8 =	vsel vm0, $0x1, v1  }
0x24: {  	v9 =	vsel vm1, $0x1, v1;
	v5 =	vshra.s32 v5, $0xB;
	(xrf0) =	vadd.scan.msk.s32 $0xffff, v8  }
0x25: {  	v8 =	vmul.u32 $0xFFFFFFF6, v5;
	(xrf0) =	vadd.scan.msk.s32 $0xffff, v9;
	_ =	sdelay $0x1  }
0x26: {  	v8 =	vadd.s32 v4, v8  }
0x27: {  	v4 =	vimm.s32 $0xF;
	vm0 =	veq.s32 v8, $0x9  }
0x28: {  	v6 =	vperm.xlane v6, v4;
	v7 =	vperm.xlane v7, v4  }
0x29: {  	v8, _, _ =	vpop (xrf0)  }
0x2a: {  	v6 =	vadd.s32 v1, v6;
	v7 =	vadd.s32 v1, v7;
	v9, _, _ =	vpop (xrf0)  }
0x2b: {  	s12 =	sadd.s32 $0x10, s10;
	v10 =	vsel vm0, $0x1, v1;
	v11 =	vadd.s32 v6, v8;
	v12 =	vadd.s32 v7, v9  }
0x2c: {  	[tilespmem:s31+$0xFFFFFFD0] =	vst v3;
	(xrf0) =	vadd.scan.msk.s32 $0xffff, v10;
	v10 =	vor.u32 s12, v0;
	v11 =	vsel vm1, v11, v12  }
0x2d: {  	s12 =	simm.s32 $0x10;
	s13 =	spop (v2sf);
	[tilespmem:v5+s5+$0x0] =	vst.idx.add.s32.msk vm0, v2;
	v10 =	vsub.s32 v10, v11  }
0x2e: {  	s11 =	sadd.s32 $0x0, s13;
	[tilespmem:s8+$0xFFFFFFD0] =	vst v10;
	v10 =	vor.u32 s12, v0  }
0x2f: {  	[tilespmem:s11+$0x2000] =	vst.msk vm0, v10  }
0x30: {  	[tilespmem:s11+$0x3080] =	vst.msk vm0, v5  }
0x31: {  	v5 =	vld [tilespmem:s9+$0xFFFFFFE0]  }
0x32: {  	v10, _, _ =	vpop (xrf0)  }
0x33: {  	(v2sf) =	vpush v10, $0xF;
	_ =	sdelay $0x2  }
0x34: {  	v10 =	vmul.u32 $0xCD, v5;
	vm0 =	veq.s32 v5, $0xB3  }
0x35: {  	vm1 =	veq.s32 v5, $0xBD;
	v11 =	vsel vm0, $0x1, v1  }
0x36: {  	v51 =	vsel vm1, $0x1, v1;
	v10 =	vshra.s32 v10, $0xB;
	(xrf0) =	vadd.scan.msk.s32 $0xffff, v11  }
0x37: {  	v11 =	vmul.u32 $0xFFFFFFF6, v10;
	(xrf0) =	vadd.scan.msk.s32 $0xffff, v51;
	_ =	sdelay $0x1  }
0x38: {  	v5 =	vadd.s32 v5, v11  }
0x39: {  	vm0 =	veq.s32 v5, $0x9  }
0x3a: {  	v5 =	vperm.xlane v8, v4;
	v8 =	vperm.xlane v9, v4  }
0x3b: {  	v9, _, _ =	vpop (xrf0)  }
0x3c: {  	v5 =	vadd.s32 v6, v5;
	v6 =	vadd.s32 v7, v8;
	v7, _, _ =	vpop (xrf0)  }
0x3d: {  	s14 =	sadd.s32 $0x20, s10;
	v8 =	vsel vm0, $0x1, v1;
	v11 =	vadd.s32 v5, v9;
	v52 =	vadd.s32 v6, v7  }
0x3e: {  	[tilespmem:s31+$0xFFFFFFE0] =	vst v3;
	(xrf0) =	vadd.scan.msk.s32 $0xffff, v8;
	v8 =	vor.u32 s14, v0;
	v11 =	vsel vm1, v11, v52  }
0x3f: {  	s13 =	simm.s32 $0x20;
	s15 =	spop (v2sf);
	[tilespmem:v10+s5+$0x0] =	vst.idx.add.s32.msk vm0, v2;
	v8 =	vsub.s32 v8, v11  }
0x40: {  	s11 =	sadd.s32 s11, s15;
	[tilespmem:s8+$0xFFFFFFE0] =	vst v8;
	v8 =	vor.u32 s13, v0  }
0x41: {  	[tilespmem:s11+$0x2000] =	vst.msk vm0, v8  }
0x42: {  	[tilespmem:s11+$0x3080] =	vst.msk vm0, v10  }
0x43: {  	v8 =	vld [tilespmem:s9+$0xFFFFFFF0]  }
0x44: {  	v10, _, _ =	vpop (xrf0)  }
0x45: {  	(v2sf) =	vpush v10, $0xF;
	_ =	sdelay $0x2  }
0x46: {  	v10 =	vmul.u32 $0xCD, v8;
	vm0 =	veq.s32 v8, $0xB3  }
0x47: {  	vm1 =	veq.s32 v8, $0xBD;
	v11 =	vsel vm0, $0x1, v1  }
0x48: {  	v53 =	vsel vm1, $0x1, v1;
	v10 =	vshra.s32 v10, $0xB;
	(xrf0) =	vadd.scan.msk.s32 $0xffff, v11  }
0x49: {  	v11 =	vmul.u32 $0xFFFFFFF6, v10;
	(xrf0) =	vadd.scan.msk.s32 $0xffff, v53;
	_ =	sdelay $0x1  }
0x4a: {  	v7 =	vperm.xlane v7, v4;
	v8 =	vadd.s32 v8, v11  }
0x4b: {  	vm0 =	veq.s32 v8, $0x9  }
0x4c: {  	v8 =	vperm.xlane v9, v4  }
0x4d: {  	v9, _, _ =	vpop (xrf0)  }
0x4e: {  	v6 =	vadd.s32 v6, v7;
	v5 =	vadd.s32 v5, v8;
	v7, _, _ =	vpop (xrf0)  }
0x4f: {  	s16 =	sadd.s32 $0x30, s10;
	v8 =	vsel vm0, $0x1, v1;
	v11 =	vadd.s32 v5, v9;
	v54 =	vadd.s32 v6, v7  }
0x50: {  	[tilespmem:s31+$0xFFFFFFF0] =	vst v3;
	(xrf0) =	vadd.scan.msk.s32 $0xffff, v8;
	v8 =	vor.u32 s16, v0;
	v11 =	vsel vm1, v11, v54  }
0x51: {  	s18 =	simm.s32 $0x30;
	s17 =	spop (v2sf);
	[tilespmem:v10+s5+$0x0] =	vst.idx.add.s32.msk vm0, v2;
	v8 =	vsub.s32 v8, v11  }
0x52: {  	s11 =	sadd.s32 s11, s17;
	[tilespmem:s8+$0xFFFFFFF0] =	vst v8;
	v8 =	vor.u32 s18, v0  }
0x53: {  	[tilespmem:s11+$0x2000] =	vst.msk vm0, v8  }
0x54: {  	[tilespmem:s11+$0x3080] =	vst.msk vm0, v10  }
0x55: {  	v8 =	vld [tilespmem:s9+$0x0]  }
0x56: {  	v10, _, _ =	vpop (xrf0)  }
0x57: {  	(v2sf) =	vpush v10, $0xF;
	_ =	sdelay $0x2  }
0x58: {  	v10 =	vmul.u32 $0xCD, v8;
	vm0 =	veq.s32 v8, $0xB3  }
0x59: {  	vm1 =	veq.s32 v8, $0xBD;
	v11 =	vsel vm0, $0x1, v1  }
0x5a: {  	v55 =	vsel vm1, $0x1, v1;
	v10 =	vshra.s32 v10, $0xB;
	(xrf0) =	vadd.scan.msk.s32 $0xffff, v11  }
0x5b: {  	v11 =	vmul.u32 $0xFFFFFFF6, v10;
	(xrf0) =	vadd.scan.msk.s32 $0xffff, v55;
	_ =	sdelay $0x1  }
0x5c: {  	v7 =	vperm.xlane v7, v4;
	v8 =	vadd.s32 v8, v11  }
0x5d: {  	vm0 =	veq.s32 v8, $0x9  }
0x5e: {  	v8 =	vperm.xlane v9, v4  }
0x5f: {  	v9, _, _ =	vpop (xrf0)  }
0x60: {  	v6 =	vadd.s32 v6, v7;
	v5 =	vadd.s32 v5, v8;
	v7, _, _ =	vpop (xrf0)  }
0x61: {  	s19 =	sadd.s32 $0x40, s10;
	v8 =	vsel vm0, $0x1, v1;
	v11 =	vadd.s32 v5, v9;
	v56 =	vadd.s32 v6, v7  }
0x62: {  	[tilespmem:s31+$0x0] =	vst v3;
	(xrf0) =	vadd.scan.msk.s32 $0xffff, v8;
	v8 =	vor.u32 s19, v0;
	v11 =	vsel vm1, v11, v56  }
0x63: {  	s21 =	simm.s32 $0x40;
	s20 =	spop (v2sf);
	[tilespmem:v10+s5+$0x0] =	vst.idx.add.s32.msk vm0, v2;
	v8 =	vsub.s32 v8, v11  }
0x64: {  	s11 =	sadd.s32 s11, s20;
	[tilespmem:s8+$0x0] =	vst v8;
	v8 =	vor.u32 s21, v0  }
0x65: {  	[tilespmem:s11+$0x2000] =	vst.msk vm0, v8  }
0x66: {  	[tilespmem:s11+$0x3080] =	vst.msk vm0, v10  }
0x67: {  	v8 =	vld [tilespmem:s9+$0x10]  }
0x68: {  	v10, _, _ =	vpop (xrf0)  }
0x69: {  	(v2sf) =	vpush v10, $0xF;
	_ =	sdelay $0x2  }
0x6a: {  	v10 =	vmul.u32 $0xCD, v8;
	vm0 =	veq.s32 v8, $0xB3  }
0x6b: {  	vm1 =	veq.s32 v8, $0xBD;
	v11 =	vsel vm0, $0x1, v1  }
0x6c: {  	v57 =	vsel vm1, $0x1, v1;
	v10 =	vshra.s32 v10, $0xB;
	(xrf0) =	vadd.scan.msk.s32 $0xffff, v11  }
0x6d: {  	v11 =	vmul.u32 $0xFFFFFFF6, v10;
	(xrf0) =	vadd.scan.msk.s32 $0xffff, v57;
	_ =	sdelay $0x1  }
0x6e: {  	v7 =	vperm.xlane v7, v4;
	v8 =	vadd.s32 v8, v11  }
0x6f: {  	vm0 =	veq.s32 v8, $0x9  }
0x70: {  	v8 =	vperm.xlane v9, v4  }
0x71: {  	v9, _, _ =	vpop (xrf0)  }
0x72: {  	v6 =	vadd.s32 v6, v7;
	v5 =	vadd.s32 v5, v8;
	v7, _, _ =	vpop (xrf0)  }
0x73: {  	s22 =	sadd.s32 $0x50, s10;
	v8 =	vsel vm0, $0x1, v1;
	v11 =	vadd.s32 v5, v9;
	v58 =	vadd.s32 v6, v7  }
0x74: {  	[tilespmem:s31+$0x10] =	vst v3;
	(xrf0) =	vadd.scan.msk.s32 $0xffff, v8;
	v8 =	vor.u32 s22, v0;
	v11 =	vsel vm1, v11, v58  }
0x75: {  	s24 =	simm.s32 $0x50;
	s23 =	spop (v2sf);
	[tilespmem:v10+s5+$0x0] =	vst.idx.add.s32.msk vm0, v2;
	v8 =	vsub.s32 v8, v11  }
0x76: {  	s11 =	sadd.s32 s11, s23;
	[tilespmem:s8+$0x10] =	vst v8;
	v8 =	vor.u32 s24, v0  }
0x77: {  	[tilespmem:s11+$0x2000] =	vst.msk vm0, v8  }
0x78: {  	[tilespmem:s11+$0x3080] =	vst.msk vm0, v10  }
0x79: {  	v8 =	vld [tilespmem:s9+$0x20]  }
0x7a: {  	v10, _, _ =	vpop (xrf0)  }
0x7b: {  	(v2sf) =	vpush v10, $0xF;
	_ =	sdelay $0x2  }
0x7c: {  	v10 =	vmul.u32 $0xCD, v8;
	vm0 =	veq.s32 v8, $0xB3  }
0x7d: {  	vm1 =	veq.s32 v8, $0xBD;
	v11 =	vsel vm0, $0x1, v1  }
0x7e: {  	v59 =	vsel vm1, $0x1, v1;
	v10 =	vshra.s32 v10, $0xB;
	(xrf0) =	vadd.scan.msk.s32 $0xffff, v11  }
0x7f: {  	v11 =	vmul.u32 $0xFFFFFFF6, v10;
	(xrf0) =	vadd.scan.msk.s32 $0xffff, v59;
	_ =	sdelay $0x1  }
0x80: {  	v7 =	vperm.xlane v7, v4;
	v8 =	vadd.s32 v8, v11  }
0x81: {  	vm0 =	veq.s32 v8, $0x9  }
0x82: {  	v8 =	vperm.xlane v9, v4  }
0x83: {  	v9, _, _ =	vpop (xrf0)  }
0x84: {  	v6 =	vadd.s32 v6, v7;
	v5 =	vadd.s32 v5, v8;
	v7, _, _ =	vpop (xrf0)  }
0x85: {  	s25 =	sadd.s32 $0x60, s10;
	v8 =	vsel vm0, $0x1, v1;
	v11 =	vadd.s32 v5, v9;
	v60 =	vadd.s32 v6, v7  }
0x86: {  	[tilespmem:s31+$0x20] =	vst v3;
	(xrf0) =	vadd.scan.msk.s32 $0xffff, v8;
	v8 =	vor.u32 s25, v0;
	v11 =	vsel vm1, v11, v60  }
0x87: {  	s28 =	simm.s32 $0x60;
	s26 =	spop (v2sf);
	[tilespmem:v10+s5+$0x0] =	vst.idx.add.s32.msk vm0, v2;
	v8 =	vsub.s32 v8, v11  }
0x88: {  	s11 =	sadd.s32 s11, s26;
	[tilespmem:s8+$0x20] =	vst v8;
	v8 =	vor.u32 s28, v0  }
0x89: {  	[tilespmem:s11+$0x2000] =	vst.msk vm0, v8  }
0x8a: {  	[tilespmem:s11+$0x3080] =	vst.msk vm0, v10  }
0x8b: {  	v8 =	vld [tilespmem:s9+$0x30];
	_ =	sdelay $0x1  }
0x8c: {  	v10, _, _ =	vpop (xrf0)  }
0x8d: {  	(v2sf) =	vpush v10, $0xF;
	_ =	sdelay $0x1  }
0x8e: {  	v10 =	vmul.u32 $0xCD, v8;
	vm0 =	veq.s32 v8, $0xB3  }
0x8f: {  	vm1 =	veq.s32 v8, $0xBD;
	v11 =	vsel vm0, $0x1, v1  }
0x90: {  	v61 =	vsel vm1, $0x1, v1;
	v10 =	vshra.s32 v10, $0xB;
	(xrf0) =	vadd.scan.msk.s32 $0xffff, v11  }
0x91: {  	v11 =	vmul.u32 $0xFFFFFFF6, v10;
	(xrf0) =	vadd.scan.msk.s32 $0xffff, v61;
	_ =	sdelay $0x1  }
0x92: {  	v7 =	vperm.xlane v7, v4;
	v8 =	vadd.s32 v8, v11  }
0x93: {  	vm0 =	veq.s32 v8, $0x9  }
0x94: {  	v8 =	vperm.xlane v9, v4  }
0x95: {  	v11, _, _ =	vpop (xrf0)  }
0x96: {  	v6 =	vadd.s32 v6, v7;
	v9 =	vsel vm0, $0x1, v1;
	v5 =	vadd.s32 v5, v8;
	v7, _, _ =	vpop (xrf0)  }
0x97: {  	s29 =	sadd.s32 $0x70, s10;
	(xrf0) =	vadd.scan.msk.s32 $0xffff, v9;
	v8 =	vadd.s32 v5, v11;
	v9 =	vadd.s32 v6, v7  }
0x98: {  	v62 =	vor.u32 s29, v0;
	[tilespmem:s31+$0x30] =	vst v3;
	v8 =	vsel vm1, v8, v9  }
0x99: {  	s31 =	simm.s32 $0x70;
	[tilespmem:v10+s5+$0x0] =	vst.idx.add.s32.msk vm0, v2;
	v8 =	vsub.s32 v62, v8  }
0x9a: {  	s30 =	spop (v2sf);
	[tilespmem:s8+$0x30] =	vst v8;
	v8 =	vor.u32 s31, v0  }
0x9b: {  	s12 =	sadd.s32 s11, s30  }
0x9c: {  	[tilespmem:s12+$0x2000] =	vst.msk vm0, v8  }
0x9d: {  	s10 =	simm.s32 $0xC0;
	[tilespmem:s12+$0x3080] =	vst.msk vm0, v10;
	v8, _, _ =	vpop (xrf0)  }
0x9e: {  	(v2sf) =	vpush v8, $0xF;
	v8 =	vld [tilespmem:s10+$0xFFFFFFC0];
	_ =	sdelay $0x4  }
0x9f: {  	v9 =	vmul.u32 $0xCD, v8  }
0xa0: {  	vm1 =	veq.s32 v8, $0xB3  }
0xa1: {  	vm0 =	veq.s32 v8, $0xBD;
	v10 =	vsel vm1, $0x1, v1;
	v9 =	vshra.s32 v9, $0xB  }
0xa2: {  	v63 =	vsel vm0, $0x1, v1;
	(xrf0) =	vadd.scan.msk.s32 $0xffff, v10;
	v10 =	vmul.u32 $0xFFFFFFF6, v9  }
0xa3: {  	(xrf0) =	vadd.scan.msk.s32 $0xffff, v63  }
0xa4: {  	v11 =	vperm.xlane v11, v4;
	v8 =	vadd.s32 v8, v10  }
0xa5: {  	vm1 =	veq.s32 v8, $0x9  }
0xa6: {  	v8 =	vsel vm1, $0x1, v1  }
0xa7: {  	s6 =	sadd.s32 $0x2E00, s6;
	v7 =	vperm.xlane v7, v4  }
0xa8: {  	s7 =	simm.s32 $0x80;
	s14 =	simm.s32 $0x100;
	s13 =	rddreg [dreg:$0x5];
	v5 =	vadd.s32 v5, v11;
	v11, _, _ =	vpop (xrf0)  }
0xa9: {  	s9 =	simm.s32 $0x149C0;
	v6 =	vadd.s32 v6, v7;
	s8 =	simm.s32 $0x10C0;
	(xrf0) =	vadd.scan.msk.s32 $0xffff, v8;
	v10 =	vadd.s32 v5, v11;
	v7 =	vperm.xlane v11, v4;
	v8, _, _ =	vpop (xrf0);
	s15 =	spop (v2sf)  }
.LBB2_1:
0xaa: {  	_ = 	snop  }
0xab: {  	s13 =	sadd.s32 s7, s13;
	v11 =	vadd.s32 v6, v8  }
0xac: {  	[tilespmem:s9+$0xFFFFFFC0] =	vst v3;
	v12 =	vor.u32 s13, v0;
	v10 =	vsel vm0, v10, v11  }
0xad: {  	[tilespmem:v9+s5+$0x0] =	vst.idx.add.s32.msk vm1, v2;
	v12 =	vsub.s32 v12, v10  }
0xae: {  	s17 =	sadd.s32 s12, s15;
	v11 =	vor.u32 s7, v0;
	[tilespmem:s8+$0xFFFFFFC0] =	vst v12  }
0xaf: {  	[tilespmem:s17+$0x2000] =	vst.msk vm1, v11  }
0xb0: {  	[tilespmem:s17+$0x3080] =	vst.msk vm1, v9  }
0xb1: {  	v9 =	vld [tilespmem:s10+$0xFFFFFFD0]  }
0xb2: {  	v10, _, _ =	vpop (xrf0)  }
0xb3: {  	(v2sf) =	vpush v10, $0xF;
	_ =	sdelay $0x2  }
0xb4: {  	v10 =	vmul.u32 $0xCD, v9;
	vm0 =	veq.s32 v9, $0xB3  }
0xb5: {  	vm1 =	veq.s32 v9, $0xBD;
	v11 =	vsel vm0, $0x1, v1  }
0xb6: {  	v56 =	vsel vm1, $0x1, v1;
	v10 =	vshra.s32 v10, $0xB;
	(xrf0) =	vadd.scan.msk.s32 $0xffff, v11  }
0xb7: {  	v11 =	vmul.u32 $0xFFFFFFF6, v10;
	(xrf0) =	vadd.scan.msk.s32 $0xffff, v56;
	_ =	sdelay $0x1  }
0xb8: {  	v9 =	vadd.s32 v9, v11  }
0xb9: {  	vm0 =	veq.s32 v9, $0x9  }
0xba: {  	v8 =	vperm.xlane v8, v4  }
0xbb: {  	v5 =	vadd.s32 v5, v7;
	v11 =	vsel vm0, $0x1, v1;
	v7, _, _ =	vpop (xrf0)  }
0xbc: {  	v6 =	vadd.s32 v6, v8;
	(xrf0) =	vadd.scan.msk.s32 $0xffff, v11;
	v9, _, _ =	vpop (xrf0)  }
0xbd: {  	s18 =	sadd.s32 $0x10, s13;
	v8 =	vadd.s32 v5, v7;
	v11 =	vadd.s32 v6, v9  }
0xbe: {  	v57 =	vor.u32 s18, v0;
	[tilespmem:s9+$0xFFFFFFD0] =	vst v3;
	v7 =	vperm.xlane v7, v4;
	v8 =	vsel vm1, v8, v11  }
0xbf: {  	s28 =	sadd.s32 $0x10, s7;
	s19 =	spop (v2sf);
	[tilespmem:v10+s5+$0x0] =	vst.idx.add.s32.msk vm0, v2;
	v11 =	vsub.s32 v57, v8  }
0xc0: {  	s17 =	sadd.s32 s17, s19;
	v8 =	vor.u32 s28, v0;
	[tilespmem:s8+$0xFFFFFFD0] =	vst v11  }
0xc1: {  	[tilespmem:s17+$0x2000] =	vst.msk vm0, v8  }
0xc2: {  	v5 =	vadd.s32 v5, v7;
	v7, _, _ =	vpop (xrf0);
	[tilespmem:s17+$0x3080] =	vst.msk vm0, v10  }
0xc3: {  	(v2sf) =	vpush v7, $0xF;
	v7 =	vld [tilespmem:s10+$0xFFFFFFE0];
	_ =	sdelay $0x3  }
0xc4: {  	v9 =	vperm.xlane v9, v4  }
0xc5: {  	v8 =	vmul.u32 $0xCD, v7;
	vm0 =	veq.s32 v7, $0xB3  }
0xc6: {  	v6 =	vadd.s32 v6, v9;
	vm1 =	veq.s32 v7, $0xBD;
	v9 =	vsel vm0, $0x1, v1  }
0xc7: {  	v10 =	vsel vm1, $0x1, v1;
	v8 =	vshra.s32 v8, $0xB;
	(xrf0) =	vadd.scan.msk.s32 $0xffff, v9  }
0xc8: {  	v9 =	vmul.u32 $0xFFFFFFF6, v8;
	(xrf0) =	vadd.scan.msk.s32 $0xffff, v10;
	_ =	sdelay $0x1  }
0xc9: {  	v7 =	vadd.s32 v7, v9  }
0xca: {  	vm0 =	veq.s32 v7, $0x9;
	_ =	sdelay $0x1  }
0xcb: {  	v7 =	vsel vm0, $0x1, v1;
	v9, _, _ =	vpop (xrf0)  }
0xcc: {  	(xrf0) =	vadd.scan.msk.s32 $0xffff, v7;
	v10, _, _ =	vpop (xrf0)  }
0xcd: {  	s30 =	sadd.s32 $0x20, s13;
	v7 =	vadd.s32 v5, v9;
	v11 =	vadd.s32 v6, v10  }
0xce: {  	v58 =	vor.u32 s30, v0;
	[tilespmem:s9+$0xFFFFFFE0] =	vst v3;
	v9 =	vperm.xlane v9, v4;
	v7 =	vsel vm1, v7, v11  }
0xcf: {  	s31 =	sadd.s32 $0x20, s7;
	s29 =	spop (v2sf);
	[tilespmem:v8+s5+$0x0] =	vst.idx.add.s32.msk vm0, v2;
	v11 =	vsub.s32 v58, v7  }
0xd0: {  	s17 =	sadd.s32 s17, s29;
	v5 =	vadd.s32 v5, v9;
	v9 =	vor.u32 s31, v0;
	[tilespmem:s8+$0xFFFFFFE0] =	vst v11  }
0xd1: {  	[tilespmem:s17+$0x2000] =	vst.msk vm0, v9  }
0xd2: {  	v7, _, _ =	vpop (xrf0);
	[tilespmem:s17+$0x3080] =	vst.msk vm0, v8  }
0xd3: {  	(v2sf) =	vpush v7, $0xF;
	v7 =	vld [tilespmem:s10+$0xFFFFFFF0];
	_ =	sdelay $0x4  }
0xd4: {  	v10 =	vperm.xlane v10, v4;
	v8 =	vmul.u32 $0xCD, v7;
	vm0 =	veq.s32 v7, $0xB3  }
0xd5: {  	vm1 =	veq.s32 v7, $0xBD;
	v9 =	vsel vm0, $0x1, v1  }
0xd6: {  	v6 =	vadd.s32 v6, v10;
	v10 =	vsel vm1, $0x1, v1;
	v8 =	vshra.s32 v8, $0xB;
	(xrf0) =	vadd.scan.msk.s32 $0xffff, v9  }
0xd7: {  	v9 =	vmul.u32 $0xFFFFFFF6, v8;
	(xrf0) =	vadd.scan.msk.s32 $0xffff, v10;
	_ =	sdelay $0x1  }
0xd8: {  	v7 =	vadd.s32 v7, v9  }
0xd9: {  	vm0 =	veq.s32 v7, $0x9;
	_ =	sdelay $0x1  }
0xda: {  	v7 =	vsel vm0, $0x1, v1;
	v9, _, _ =	vpop (xrf0)  }
0xdb: {  	(xrf0) =	vadd.scan.msk.s32 $0xffff, v7;
	v10, _, _ =	vpop (xrf0)  }
0xdc: {  	s16 =	sadd.s32 $0x30, s13;
	v7 =	vadd.s32 v5, v9;
	v11 =	vadd.s32 v6, v10  }
0xdd: {  	v59 =	vor.u32 s16, v0;
	[tilespmem:s9+$0xFFFFFFF0] =	vst v3;
	v9 =	vperm.xlane v9, v4;
	v7 =	vsel vm1, v7, v11  }
0xde: {  	s21 =	sadd.s32 $0x30, s7;
	s20 =	spop (v2sf);
	[tilespmem:v8+s5+$0x0] =	vst.idx.add.s32.msk vm0, v2;
	v11 =	vsub.s32 v59, v7  }
0xdf: {  	s17 =	sadd.s32 s17, s20;
	v5 =	vadd.s32 v5, v9;
	v9 =	vor.u32 s21, v0;
	[tilespmem:s8+$0xFFFFFFF0] =	vst v11  }
0xe0: {  	[tilespmem:s17+$0x2000] =	vst.msk vm0, v9  }
0xe1: {  	v7, _, _ =	vpop (xrf0);
	[tilespmem:s17+$0x3080] =	vst.msk vm0, v8  }
0xe2: {  	(v2sf) =	vpush v7, $0xF;
	v7 =	vld [tilespmem:s10+$0x0];
	_ =	sdelay $0x4  }
0xe3: {  	v10 =	vperm.xlane v10, v4;
	v8 =	vmul.u32 $0xCD, v7;
	vm0 =	veq.s32 v7, $0xB3  }
0xe4: {  	vm1 =	veq.s32 v7, $0xBD;
	v9 =	vsel vm0, $0x1, v1  }
0xe5: {  	v6 =	vadd.s32 v6, v10;
	v10 =	vsel vm1, $0x1, v1;
	v8 =	vshra.s32 v8, $0xB;
	(xrf0) =	vadd.scan.msk.s32 $0xffff, v9  }
0xe6: {  	v9 =	vmul.u32 $0xFFFFFFF6, v8;
	(xrf0) =	vadd.scan.msk.s32 $0xffff, v10;
	_ =	sdelay $0x1  }
0xe7: {  	v7 =	vadd.s32 v7, v9  }
0xe8: {  	vm0 =	veq.s32 v7, $0x9;
	_ =	sdelay $0x1  }
0xe9: {  	v7 =	vsel vm0, $0x1, v1;
	v9, _, _ =	vpop (xrf0)  }
0xea: {  	(xrf0) =	vadd.scan.msk.s32 $0xffff, v7;
	v10, _, _ =	vpop (xrf0)  }
0xeb: {  	s23 =	sadd.s32 $0x40, s13;
	v7 =	vadd.s32 v5, v9;
	v11 =	vadd.s32 v6, v10  }
0xec: {  	v60 =	vor.u32 s23, v0;
	[tilespmem:s9+$0x0] =	vst v3;
	v9 =	vperm.xlane v9, v4;
	v7 =	vsel vm1, v7, v11  }
0xed: {  	s24 =	sadd.s32 $0x40, s7;
	s22 =	spop (v2sf);
	[tilespmem:v8+s5+$0x0] =	vst.idx.add.s32.msk vm0, v2;
	v11 =	vsub.s32 v60, v7  }
0xee: {  	s16 =	sadd.s32 s17, s22;
	v5 =	vadd.s32 v5, v9;
	v9 =	vor.u32 s24, v0;
	[tilespmem:s8+$0x0] =	vst v11  }
0xef: {  	[tilespmem:s16+$0x2000] =	vst.msk vm0, v9  }
0xf0: {  	v7, _, _ =	vpop (xrf0);
	[tilespmem:s16+$0x3080] =	vst.msk vm0, v8  }
0xf1: {  	(v2sf) =	vpush v7, $0xF;
	v7 =	vld [tilespmem:s10+$0x10];
	_ =	sdelay $0x4  }
0xf2: {  	v10 =	vperm.xlane v10, v4;
	v8 =	vmul.u32 $0xCD, v7;
	vm0 =	veq.s32 v7, $0xB3  }
0xf3: {  	vm1 =	veq.s32 v7, $0xBD;
	v9 =	vsel vm0, $0x1, v1  }
0xf4: {  	v6 =	vadd.s32 v6, v10;
	v10 =	vsel vm1, $0x1, v1;
	v8 =	vshra.s32 v8, $0xB;
	(xrf0) =	vadd.scan.msk.s32 $0xffff, v9  }
0xf5: {  	v9 =	vmul.u32 $0xFFFFFFF6, v8;
	(xrf0) =	vadd.scan.msk.s32 $0xffff, v10;
	_ =	sdelay $0x1  }
0xf6: {  	v7 =	vadd.s32 v7, v9  }
0xf7: {  	vm0 =	veq.s32 v7, $0x9;
	_ =	sdelay $0x1  }
0xf8: {  	v7 =	vsel vm0, $0x1, v1;
	v9, _, _ =	vpop (xrf0)  }
0xf9: {  	(xrf0) =	vadd.scan.msk.s32 $0xffff, v7;
	v10, _, _ =	vpop (xrf0)  }
0xfa: {  	s26 =	sadd.s32 $0x50, s13;
	v7 =	vadd.s32 v5, v9;
	v11 =	vadd.s32 v6, v10  }
0xfb: {  	v61 =	vor.u32 s26, v0;
	[tilespmem:s9+$0x10] =	vst v3;
	v9 =	vperm.xlane v9, v4;
	v7 =	vsel vm1, v7, v11  }
0xfc: {  	s26 =	sadd.s32 $0x50, s7;
	s25 =	spop (v2sf);
	[tilespmem:v8+s5+$0x0] =	vst.idx.add.s32.msk vm0, v2;
	v11 =	vsub.s32 v61, v7  }
0xfd: {  	s16 =	sadd.s32 s16, s25;
	v5 =	vadd.s32 v5, v9;
	v9 =	vor.u32 s26, v0;
	[tilespmem:s8+$0x10] =	vst v11  }
0xfe: {  	[tilespmem:s16+$0x2000] =	vst.msk vm0, v9  }
0xff: {  	v7, _, _ =	vpop (xrf0);
	[tilespmem:s16+$0x3080] =	vst.msk vm0, v8  }
0x100: {  	(v2sf) =	vpush v7, $0xF;
	v7 =	vld [tilespmem:s10+$0x20];
	_ =	sdelay $0x4  }
0x101: {  	v10 =	vperm.xlane v10, v4;
	v8 =	vmul.u32 $0xCD, v7;
	vm0 =	veq.s32 v7, $0xB3  }
0x102: {  	vm1 =	veq.s32 v7, $0xBD;
	v9 =	vsel vm0, $0x1, v1  }
0x103: {  	v6 =	vadd.s32 v6, v10;
	v10 =	vsel vm1, $0x1, v1;
	v8 =	vshra.s32 v8, $0xB;
	(xrf0) =	vadd.scan.msk.s32 $0xffff, v9  }
0x104: {  	v9 =	vmul.u32 $0xFFFFFFF6, v8;
	(xrf0) =	vadd.scan.msk.s32 $0xffff, v10;
	_ =	sdelay $0x1  }
0x105: {  	v7 =	vadd.s32 v7, v9  }
0x106: {  	vm0 =	veq.s32 v7, $0x9;
	_ =	sdelay $0x1  }
0x107: {  	v9, _, _ =	vpop (xrf0)  }
0x108: {  	s12 =	smov.u32 s14;
	v7 =	vsel vm0, $0x1, v1;
	v10, _, _ =	vpop (xrf0)  }
0x109: {  	s11 =	sadd.s32 $0x80, s14;
	p0 =	sne.s32 s14, $0xF80;
	s14 =	sadd.s32 $0x60, s13;
	(xrf0) =	vadd.scan.msk.s32 $0xffff, v7;
	v7 =	vperm.xlane v9, v4;
	v9 =	vadd.s32 v5, v9;
	v11 =	vadd.s32 v6, v10  }
0x10a: {  	v62 =	vor.u32 s14, v0;
	[tilespmem:s9+$0x20] =	vst v3;
	v10 =	vperm.xlane v10, v4;
	v9 =	vsel vm1, v9, v11  }
0x10b: {  	s29 =	sadd.s32 $0x60, s7;
	s28 =	spop (v2sf);
	[tilespmem:v8+s5+$0x0] =	vst.idx.add.s32.msk vm0, v2;
	v11 =	vsub.s32 v62, v9  }
0x10c: {  	s15 =	sadd.s32 s16, s28;
	v6 =	vadd.s32 v6, v10;
	v10 =	vor.u32 s29, v0;
	[tilespmem:s8+$0x20] =	vst v11  }
0x10d: {  	[tilespmem:s15+$0x2000] =	vst.msk vm0, v10  }
0x10e: {  	[tilespmem:s15+$0x3080] =	vst.msk vm0, v8  }
0x10f: {  	v8 =	vld [tilespmem:s10+$0x30]  }
0x110: {  	v9, _, _ =	vpop (xrf0)  }
0x111: {  	(v2sf) =	vpush v9, $0xF;
	_ =	sdelay $0x2  }
0x112: {  	v9 =	vmul.u32 $0xCD, v8;
	vm0 =	veq.s32 v8, $0xB3  }
0x113: {  	vm1 =	veq.s32 v8, $0xBD;
	v10 =	vsel vm0, $0x1, v1  }
0x114: {  	v11 =	vsel vm1, $0x1, v1;
	v9 =	vshra.s32 v9, $0xB;
	(xrf0) =	vadd.scan.msk.s32 $0xffff, v10  }
0x115: {  	v10 =	vmul.u32 $0xFFFFFFF6, v9;
	(xrf0) =	vadd.scan.msk.s32 $0xffff, v11;
	_ =	sdelay $0x1  }
0x116: {  	v8 =	vadd.s32 v8, v10  }
0x117: {  	vm0 =	veq.s32 v8, $0x9  }
0x118: {  	v11 =	vsel vm0, $0x1, v1  }
0x119: {  	v10, _, _ =	vpop (xrf0);
	(xrf0) =	vadd.scan.msk.s32 $0xffff, v11  }
0x11a: {  	v5 =	vadd.s32 v5, v7;
	v8, _, _ =	vpop (xrf0)  }
0x11b: {  	s13 =	sadd.s32 $0x70, s13;
	v7 =	vperm.xlane v10, v4;
	v10 =	vadd.s32 v5, v10;
	v11 =	vadd.s32 v6, v8  }
0x11c: {  	v63 =	vor.u32 s13, v0;
	[tilespmem:s9+$0x30] =	vst v3;
	v8 =	vperm.xlane v8, v4;
	v10 =	vsel vm1, v10, v11  }
0x11d: {  	s31 =	sadd.s32 $0x70, s7;
	s30 =	spop (v2sf);
	[tilespmem:v9+s5+$0x0] =	vst.idx.add.s32.msk vm0, v2;
	v10 =	vsub.s32 v63, v10  }
0x11e: {  	s7 =	smov.u32 s12;
	s12 =	sadd.s32 s15, s30;
	v6 =	vadd.s32 v6, v8;
	v8 =	vor.u32 s31, v0;
	[tilespmem:s8+$0x30] =	vst v10  }
0x11f: {  	v5 =	vadd.s32 v5, v7;
	[tilespmem:s12+$0x2000] =	vst.msk vm0, v8;
	v7, _, _ =	vpop (xrf0)  }
0x120: {  	s10 =	sadd.s32 $0x80, s10;
	[tilespmem:s12+$0x3080] =	vst.msk vm0, v9;
	(v2sf) =	vpush v7, $0xF  }
0x121: {  	v7 =	vld [tilespmem:s10+$0xFFFFFFC0];
	_ =	sdelay $0x4  }
0x122: {  	vm1 =	veq.s32 v7, $0xB3  }
0x123: {  	v8 =	vmul.u32 $0xCD, v7;
	vm0 =	veq.s32 v7, $0xBD;
	v10 =	vsel vm1, $0x1, v1  }
0x124: {  	v11 =	vsel vm0, $0x1, v1;
	(xrf0) =	vadd.scan.msk.s32 $0xffff, v10  }
0x125: {  	v9 =	vshra.s32 v8, $0xB;
	(xrf0) =	vadd.scan.msk.s32 $0xffff, v11  }
0x126: {  	v8 =	vmul.u32 $0xFFFFFFF6, v9  }
.Ltmp0:
0x127: {  	_ = 	snop;
	(pc) =	sbr.rel @p0 .LBB2_1-.Ltmp0, $4  }
0x128: {  	v7 =	vadd.s32 v7, v8  }
0x129: {  	vm1 =	veq.s32 v7, $0x9  }
0x12a: {  	s13 =	rddreg [dreg:$0x5];
	s14 =	smov.u32 s11;
	v7 =	vsel vm1, $0x1, v1;
	v8, _, _ =	vpop (xrf0)  }
0x12b: {  	s9 =	sadd.s32 $0x80, s9;
	s8 =	sadd.s32 $0x80, s8;
	(xrf0) =	vadd.scan.msk.s32 $0xffff, v7;
	v10 =	vadd.s32 v5, v8;
	v7 =	vperm.xlane v8, v4;
	v8, _, _ =	vpop (xrf0);
	s15 =	spop (v2sf)  }
0x12c: {  	_ =	sdelay $0x2  }
0x12d: {  	s11 =	sadd.s32 s7, s13;
	v11 =	vadd.s32 v6, v8  }
0x12e: {  	[tilespmem:s9+$0xFFFFFFC0] =	vst v3;
	v12 =	vor.u32 s11, v0;
	v10 =	vsel vm0, v10, v11  }
0x12f: {  	[tilespmem:v9+s5+$0x0] =	vst.idx.add.s32.msk vm1, v2;
	v10 =	vsub.s32 v12, v10  }
0x130: {  	s12 =	sadd.s32 s12, s15;
	v17 =	vor.u32 s7, v0;
	[tilespmem:s8+$0xFFFFFFC0] =	vst v10  }
0x131: {  	[tilespmem:s12+$0x2000] =	vst.msk vm1, v17  }
0x132: {  	[tilespmem:s12+$0x3080] =	vst.msk vm1, v9  }
0x133: {  	v9 =	vld [tilespmem:s10+$0xFFFFFFD0]  }
0x134: {  	v18, _, _ =	vpop (xrf0)  }
0x135: {  	(v2sf) =	vpush v18, $0xF;
	_ =	sdelay $0x2  }
0x136: {  	v19 =	vmul.u32 $0xCD, v9;
	vm5 =	veq.s32 v9, $0xB3  }
0x137: {  	vm6 =	veq.s32 v9, $0xBD;
	v20 =	vsel vm5, $0x1, v1  }
0x138: {  	v21 =	vsel vm6, $0x1, v1;
	v10 =	vshra.s32 v19, $0xB;
	(xrf0) =	vadd.scan.msk.s32 $0xffff, v20  }
0x139: {  	v22 =	vmul.u32 $0xFFFFFFF6, v10;
	(xrf0) =	vadd.scan.msk.s32 $0xffff, v21;
	_ =	sdelay $0x1  }
0x13a: {  	v9 =	vadd.s32 v9, v22  }
0x13b: {  	vm7 =	veq.s32 v9, $0x9  }
0x13c: {  	v23 =	vperm.xlane v8, v4  }
0x13d: {  	v24, _, _ =	vpop (xrf0)  }
0x13e: {  	v5 =	vadd.s32 v5, v7;
	v6 =	vadd.s32 v6, v23;
	v7, _, _ =	vpop (xrf0)  }
0x13f: {  	s13 =	sadd.s32 $0x10, s11;
	v25 =	vsel vm7, $0x1, v1;
	v26 =	vadd.s32 v5, v24;
	v27 =	vadd.s32 v6, v7  }
0x140: {  	v28 =	vor.u32 s13, v0;
	[tilespmem:s9+$0xFFFFFFD0] =	vst v3;
	(xrf0) =	vadd.scan.msk.s32 $0xffff, v25;
	v11 =	vsel vm6, v26, v27  }
0x141: {  	s14 =	sadd.s32 $0x10, s7;
	s21 =	spop (v2sf);
	[tilespmem:v10+s5+$0x0] =	vst.idx.add.s32.msk vm7, v2;
	v8 =	vsub.s32 v28, v11  }
0x142: {  	v29 =	vor.u32 s14, v0;
	s12 =	sadd.s32 s12, s21;
	[tilespmem:s8+$0xFFFFFFD0] =	vst v8  }
0x143: {  	[tilespmem:s12+$0x2000] =	vst.msk vm7, v29  }
0x144: {  	[tilespmem:s12+$0x3080] =	vst.msk vm7, v10  }
0x145: {  	v8 =	vld [tilespmem:s10+$0xFFFFFFE0]  }
0x146: {  	v30, _, _ =	vpop (xrf0)  }
0x147: {  	(v2sf) =	vpush v30, $0xF;
	_ =	sdelay $0x2  }
0x148: {  	v31 =	vmul.u32 $0xCD, v8;
	vm8 =	veq.s32 v8, $0xB3  }
0x149: {  	vm9 =	veq.s32 v8, $0xBD;
	v32 =	vsel vm8, $0x1, v1  }
0x14a: {  	v33 =	vsel vm9, $0x1, v1;
	v10 =	vshra.s32 v31, $0xB;
	(xrf0) =	vadd.scan.msk.s32 $0xffff, v32  }
0x14b: {  	v34 =	vmul.u32 $0xFFFFFFF6, v10;
	(xrf0) =	vadd.scan.msk.s32 $0xffff, v33;
	_ =	sdelay $0x1  }
0x14c: {  	v7 =	vperm.xlane v7, v4;
	v8 =	vadd.s32 v8, v34  }
0x14d: {  	vm10 =	veq.s32 v8, $0x9  }
0x14e: {  	v35 =	vperm.xlane v24, v4  }
0x14f: {  	v36, _, _ =	vpop (xrf0)  }
0x150: {  	v5 =	vadd.s32 v5, v35;
	v6 =	vadd.s32 v6, v7;
	v7, _, _ =	vpop (xrf0)  }
0x151: {  	s22 =	sadd.s32 $0x20, s11;
	v37 =	vsel vm10, $0x1, v1;
	v38 =	vadd.s32 v5, v36;
	v39 =	vadd.s32 v6, v7  }
0x152: {  	v40 =	vor.u32 s22, v0;
	[tilespmem:s9+$0xFFFFFFE0] =	vst v3;
	(xrf0) =	vadd.scan.msk.s32 $0xffff, v37;
	v11 =	vsel vm9, v38, v39  }
0x153: {  	s24 =	sadd.s32 $0x20, s7;
	s23 =	spop (v2sf);
	[tilespmem:v10+s5+$0x0] =	vst.idx.add.s32.msk vm10, v2;
	v8 =	vsub.s32 v40, v11  }
0x154: {  	v41 =	vor.u32 s24, v0;
	s12 =	sadd.s32 s12, s23;
	[tilespmem:s8+$0xFFFFFFE0] =	vst v8  }
0x155: {  	[tilespmem:s12+$0x2000] =	vst.msk vm10, v41  }
0x156: {  	[tilespmem:s12+$0x3080] =	vst.msk vm10, v10  }
0x157: {  	v8 =	vld [tilespmem:s10+$0xFFFFFFF0]  }
0x158: {  	v42, _, _ =	vpop (xrf0)  }
0x159: {  	(v2sf) =	vpush v42, $0xF;
	_ =	sdelay $0x2  }
0x15a: {  	v43 =	vmul.u32 $0xCD, v8;
	vm11 =	veq.s32 v8, $0xB3  }
0x15b: {  	vm12 =	veq.s32 v8, $0xBD;
	v44 =	vsel vm11, $0x1, v1  }
0x15c: {  	v45 =	vsel vm12, $0x1, v1;
	v10 =	vshra.s32 v43, $0xB;
	(xrf0) =	vadd.scan.msk.s32 $0xffff, v44  }
0x15d: {  	v46 =	vmul.u32 $0xFFFFFFF6, v10;
	(xrf0) =	vadd.scan.msk.s32 $0xffff, v45;
	_ =	sdelay $0x1  }
0x15e: {  	v7 =	vperm.xlane v7, v4;
	v8 =	vadd.s32 v8, v46  }
0x15f: {  	vm13 =	veq.s32 v8, $0x9  }
0x160: {  	v47 =	vperm.xlane v36, v4  }
0x161: {  	v48, _, _ =	vpop (xrf0)  }
0x162: {  	v5 =	vadd.s32 v5, v47;
	v6 =	vadd.s32 v6, v7;
	v7, _, _ =	vpop (xrf0)  }
0x163: {  	s25 =	sadd.s32 $0x30, s11;
	v49 =	vsel vm13, $0x1, v1;
	v50 =	vadd.s32 v5, v48;
	v51 =	vadd.s32 v6, v7  }
0x164: {  	v52 =	vor.u32 s25, v0;
	[tilespmem:s9+$0xFFFFFFF0] =	vst v3;
	(xrf0) =	vadd.scan.msk.s32 $0xffff, v49;
	v11 =	vsel vm12, v50, v51  }
0x165: {  	s28 =	sadd.s32 $0x30, s7;
	s26 =	spop (v2sf);
	[tilespmem:v10+s5+$0x0] =	vst.idx.add.s32.msk vm13, v2;
	v8 =	vsub.s32 v52, v11  }
0x166: {  	v53 =	vor.u32 s28, v0;
	s12 =	sadd.s32 s12, s26;
	[tilespmem:s8+$0xFFFFFFF0] =	vst v8  }
0x167: {  	[tilespmem:s12+$0x2000] =	vst.msk vm13, v53  }
0x168: {  	[tilespmem:s12+$0x3080] =	vst.msk vm13, v10  }
0x169: {  	v8 =	vld [tilespmem:s10+$0x0]  }
0x16a: {  	v54, _, _ =	vpop (xrf0)  }
0x16b: {  	(v2sf) =	vpush v54, $0xF;
	_ =	sdelay $0x2  }
0x16c: {  	v55 =	vmul.u32 $0xCD, v8;
	vm14 =	veq.s32 v8, $0xB3  }
0x16d: {  	vm15 =	veq.s32 v8, $0xBD;
	v56 =	vsel vm14, $0x1, v1  }
0x16e: {  	v57 =	vsel vm15, $0x1, v1;
	v10 =	vshra.s32 v55, $0xB;
	(xrf0) =	vadd.scan.msk.s32 $0xffff, v56  }
0x16f: {  	v58 =	vmul.u32 $0xFFFFFFF6, v10;
	(xrf0) =	vadd.scan.msk.s32 $0xffff, v57;
	_ =	sdelay $0x1  }
0x170: {  	v7 =	vperm.xlane v7, v4;
	v8 =	vadd.s32 v8, v58  }
0x171: {  	vm4 =	veq.s32 v8, $0x9  }
0x172: {  	v59 =	vperm.xlane v48, v4  }
0x173: {  	v60, _, _ =	vpop (xrf0)  }
0x174: {  	v5 =	vadd.s32 v5, v59;
	v6 =	vadd.s32 v6, v7;
	v7, _, _ =	vpop (xrf0)  }
0x175: {  	s29 =	sadd.s32 $0x40, s11;
	v61 =	vsel vm4, $0x1, v1;
	v62 =	vadd.s32 v5, v60;
	v63 =	vadd.s32 v6, v7  }
0x176: {  	v14 =	vor.u32 s29, v0;
	[tilespmem:s9+$0x0] =	vst v3;
	(xrf0) =	vadd.scan.msk.s32 $0xffff, v61;
	v11 =	vsel vm15, v62, v63  }
0x177: {  	s31 =	sadd.s32 $0x40, s7;
	s30 =	spop (v2sf);
	[tilespmem:v10+s5+$0x0] =	vst.idx.add.s32.msk vm4, v2;
	v8 =	vsub.s32 v14, v11  }
0x178: {  	v15 =	vor.u32 s31, v0;
	s12 =	sadd.s32 s12, s30;
	[tilespmem:s8+$0x0] =	vst v8  }
0x179: {  	[tilespmem:s12+$0x2000] =	vst.msk vm4, v15  }
0x17a: {  	[tilespmem:s12+$0x3080] =	vst.msk vm4, v10  }
0x17b: {  	v8 =	vld [tilespmem:s10+$0x10]  }
0x17c: {  	v16, _, _ =	vpop (xrf0)  }
0x17d: {  	(v2sf) =	vpush v16, $0xF;
	_ =	sdelay $0x2  }
0x17e: {  	v17 =	vmul.u32 $0xCD, v8;
	vm5 =	veq.s32 v8, $0xB3  }
0x17f: {  	vm6 =	veq.s32 v8, $0xBD;
	v18 =	vsel vm5, $0x1, v1  }
0x180: {  	v19 =	vsel vm6, $0x1, v1;
	v10 =	vshra.s32 v17, $0xB;
	(xrf0) =	vadd.scan.msk.s32 $0xffff, v18  }
0x181: {  	v20 =	vmul.u32 $0xFFFFFFF6, v10;
	(xrf0) =	vadd.scan.msk.s32 $0xffff, v19;
	_ =	sdelay $0x1  }
0x182: {  	v7 =	vperm.xlane v7, v4;
	v8 =	vadd.s32 v8, v20  }
0x183: {  	vm7 =	veq.s32 v8, $0x9  }
0x184: {  	v21 =	vperm.xlane v60, v4  }
0x185: {  	v22, _, _ =	vpop (xrf0)  }
0x186: {  	v5 =	vadd.s32 v5, v21;
	v6 =	vadd.s32 v6, v7;
	v7, _, _ =	vpop (xrf0)  }
0x187: {  	s14 =	sadd.s32 $0x50, s11;
	v23 =	vsel vm7, $0x1, v1;
	v24 =	vadd.s32 v5, v22;
	v25 =	vadd.s32 v6, v7  }
0x188: {  	v26 =	vor.u32 s14, v0;
	[tilespmem:s9+$0x10] =	vst v3;
	(xrf0) =	vadd.scan.msk.s32 $0xffff, v23;
	v11 =	vsel vm6, v24, v25  }
0x189: {  	s16 =	sadd.s32 $0x50, s7;
	s15 =	spop (v2sf);
	[tilespmem:v10+s5+$0x0] =	vst.idx.add.s32.msk vm7, v2;
	v8 =	vsub.s32 v26, v11  }
0x18a: {  	v27 =	vor.u32 s16, v0;
	s12 =	sadd.s32 s12, s15;
	[tilespmem:s8+$0x10] =	vst v8  }
0x18b: {  	[tilespmem:s12+$0x2000] =	vst.msk vm7, v27  }
0x18c: {  	[tilespmem:s12+$0x3080] =	vst.msk vm7, v10  }
0x18d: {  	v8 =	vld [tilespmem:s10+$0x20]  }
0x18e: {  	v28, _, _ =	vpop (xrf0)  }
0x18f: {  	(v2sf) =	vpush v28, $0xF;
	_ =	sdelay $0x2  }
0x190: {  	v29 =	vmul.u32 $0xCD, v8;
	vm8 =	veq.s32 v8, $0xB3  }
0x191: {  	vm9 =	veq.s32 v8, $0xBD;
	v30 =	vsel vm8, $0x1, v1  }
0x192: {  	v31 =	vsel vm9, $0x1, v1;
	v10 =	vshra.s32 v29, $0xB;
	(xrf0) =	vadd.scan.msk.s32 $0xffff, v30  }
0x193: {  	v32 =	vmul.u32 $0xFFFFFFF6, v10;
	(xrf0) =	vadd.scan.msk.s32 $0xffff, v31;
	_ =	sdelay $0x1  }
0x194: {  	v7 =	vperm.xlane v7, v4;
	v8 =	vadd.s32 v8, v32  }
0x195: {  	vm10 =	veq.s32 v8, $0x9  }
0x196: {  	v33 =	vperm.xlane v22, v4  }
0x197: {  	v34, _, _ =	vpop (xrf0)  }
0x198: {  	v5 =	vadd.s32 v5, v33;
	v6 =	vadd.s32 v6, v7;
	v7, _, _ =	vpop (xrf0)  }
0x199: {  	s17 =	sadd.s32 $0x60, s11;
	v8 =	vadd.s32 v5, v34;
	v35 =	vadd.s32 v6, v7  }
0x19a: {  	v36 =	vor.u32 s17, v0;
	[tilespmem:s9+$0x20] =	vst v3;
	v8 =	vsel vm9, v8, v35  }
0x19b: {  	s19 =	sadd.s32 $0x60, s7;
	s18 =	spop (v2sf);
	[tilespmem:v10+s5+$0x0] =	vst.idx.add.s32.msk vm10, v2;
	v8 =	vsub.s32 v36, v8  }
0x19c: {  	v37 =	vor.u32 s19, v0;
	s12 =	sadd.s32 s12, s18;
	[tilespmem:s8+$0x20] =	vst v8  }
0x19d: {  	[tilespmem:s12+$0x2000] =	vst.msk vm10, v37  }
0x19e: {  	[tilespmem:s12+$0x3080] =	vst.msk vm10, v10  }
0x19f: {  	v8 =	vld [tilespmem:s10+$0x30];
	_ =	sdelay $0x4  }
0x1a0: {  	v38 =	vmul.u32 $0xCD, v8;
	_ =	sdelay $0x1  }
0x1a1: {  	v10 =	vshra.s32 v38, $0xB  }
0x1a2: {  	v39 =	vsel vm10, $0x1, v1;
	v40 =	vmul.u32 $0xFFFFFFF6, v10  }
0x1a3: {  	(xrf0) =	vadd.scan.msk.s32 $0xffff, v39  }
0x1a4: {  	vm11 =	veq.s32 v8, $0xB3;
	vm12 =	veq.s32 v8, $0xBD;
	v8 =	vadd.s32 v8, v40  }
0x1a5: {  	v41 =	vsel vm11, $0x1, v1;
	vm13 =	veq.s32 v8, $0x9  }
0x1a6: {  	v42 =	vsel vm12, $0x1, v1;
	(xrf0) =	vadd.scan.msk.s32 $0xffff, v41;
	v1 =	vsel vm13, $0x1, v1  }
0x1a7: {  	(xrf0) =	vadd.scan.msk.s32 $0xffff, v42  }
0x1a8: {  	(xrf0) =	vadd.scan.msk.s32 $0xffff, v1  }
0x1a9: {  	v1, _, _ =	vpop (xrf0)  }
0x1aa: {  	(v2sf) =	vpush v1, $0xF;
	_ =	sdelay $0x1  }
0x1ab: {  	v1, _, _ =	vpop (xrf0)  }
0x1ac: {  	v43, _, _ =	vpop (xrf0)  }
0x1ad: {  	v44, _, _ =	vpop (xrf0)  }
0x1ae: {  	(v2sf) =	vpush v44, $0xF;
	_ =	sdelay $0x4  }
0x1af: {  	v9 =	vperm.xlane v34, v4;
	v4 =	vperm.xlane v7, v4;
	_ =	sdelay $0x1  }
0x1b0: {  	v5 =	vadd.s32 v5, v9;
	v4 =	vadd.s32 v6, v4  }
0x1b1: {  	s20 =	sadd.s32 $0x70, s11;
	v1 =	vadd.s32 v5, v1;
	v4 =	vadd.s32 v4, v43  }
0x1b2: {  	[tilespmem:s9+$0x30] =	vst v3;
	v3 =	vor.u32 s20, v0;
	v1 =	vsel vm12, v1, v4  }
0x1b3: {  	s22 =	sadd.s32 $0x70, s7;
	[tilespmem:v10+s5+$0x0] =	vst.idx.add.s32.msk vm13, v2;
	v1 =	vsub.s32 v3, v1;
	s21 =	spop (v2sf)  }
0x1b4: {  	v0 =	vor.u32 s22, v0;
	[tilespmem:s8+$0x30] =	vst v1;
	s23 =	sadd.s32 s12, s21  }
0x1b5: {  	s24 =	sshll.u32 s1, $0x4;
	[tilespmem:s23+$0x2000] =	vst.msk vm13, v0  }
0x1b6: {  	s7 =	sadd.s32 s6, s24;
	s25 =	simm.s32 $0x0;
	s26 =	simm.s32 $0x16900;
	[tilespmem:s23+$0x3080] =	vst.msk vm13, v10  }
0x1b7: {  	[hbm4b:s7+s25] =	stream.linear.scatter [tilespmem:s26], [sflag:$0x2], $0x80, $0x38;
	[tilespmem:$0x16980] =	vst v63  }
0x1b8: {  	s29 =	simm.s32 $0x2;
	s28 =	spop (v2sf)  }
0x1b9: {  	_ =	swait.ge [sflag:s29], $0x80  }
0x1ba: {  	[sflag:s29] =	ssyncset.done $0x0  }
0x1bb: {  	s30 =	simm.s32 $0x1;
	[sflag:s29] =	ssyncadd.s32 $0xFFFFFF80  }
0x1bc: {  	_ =	swait.ge [sflag:s30], $0x10000  }
0x1bd: {  	[sflag:s30] =	ssyncset.done $0x0  }
0x1be: {  	[sflag:s30] =	ssyncadd.s32 $0xFFFF0000  }
0x1bf: {  	s31 =	simm.s32 $0x4100;
	[bflag:$0x0] =	sbarrier.arrive $0xFFFF  }
0x1c0: {  	[tilespmem:s31], [sflag:$0x2] =	stream.linear.gather [hbm4b:s6+s25], $0x800, $0x38;
	[tilespmem:$0x16980] =	vst v63  }
0x1c1: {  	_ =	swait.ge [sflag:s29], $0x800  }
0x1c2: {  	[sflag:s29] =	ssyncset.done $0x0  }
0x1c3: {  	[sflag:s29] =	ssyncadd.s32 $0xFFFFF800  }
0x1c4: {  	v0 =	vld [tilespmem:$0x4100]  }
0x1c5: {  	v1 =	vld [tilespmem:$0x4110]  }
0x1c6: {  	v2 =	vld [tilespmem:$0x4180]  }
0x1c7: {  	v3 =	vld [tilespmem:$0x4190]  }
0x1c8: {  	v4 =	vld [tilespmem:$0x4200]  }
0x1c9: {  	v5 =	vld [tilespmem:$0x4210]  }
0x1ca: {  	v6 =	vld [tilespmem:$0x4280]  }
0x1cb: {  	v7 =	vld [tilespmem:$0x4290]  }
0x1cc: {  	v45 =	vld [tilespmem:$0x4300]  }
0x1cd: {  	v46 =	vld [tilespmem:$0x4310]  }
0x1ce: {  	v48 =	vld [tilespmem:$0x4390]  }
0x1cf: {  	v49 =	vld [tilespmem:$0x4400]  }
0x1d0: {  	v13 =	vld [tilespmem:$0x4410]  }
0x1d1: {  	v14 =	vld [tilespmem:$0x4480]  }
0x1d2: {  	v15 =	vld [tilespmem:$0x4490]  }
0x1d3: {  	p0 =	seq.s32 s1, $0x0;
	p1 =	sgt.u32 s1, $0x1;
	v47 =	vld [tilespmem:$0x4380]  }
0x1d4: {  	p2 =	sgt.u32 s1, $0x4;
	p3 =	sgt.u32 s1, $0x5;
	v16 =	vld [tilespmem:$0x4500];
	v0 =	vpsel p0, $0x0, v0;
	v1 =	vpsel p0, $0x0, v1;
	v2 =	vpsel !p1, $0x0, v2  }
0x1d5: {  	p4 =	sgt.u32 s1, $0x6;
	p5 =	sgt.u32 s1, $0x7;
	v59 =	vld [tilespmem:$0x4710];
	v3 =	vpsel !p1, $0x0, v3;
	v50 =	vpsel !p2, $0x0, v46;
	v51 =	vpsel !p3, $0x0, v48  }
0x1d6: {  	p6 =	sgt.u32 s1, $0x2;
	v54 =	vld [tilespmem:$0x4690];
	v52 =	vpsel !p4, $0x0, v49;
	v53 =	vpsel !p4, $0x0, v13;
	v55 =	vpsel !p5, $0x0, v14  }
0x1d7: {  	v57 =	vld [tilespmem:$0x4700];
	p1 =	sgt.u32 s1, $0x3;
	v56 =	vpsel !p5, $0x0, v15;
	v0 =	vadd.s32 v0, v2;
	v2 =	vpsel !p6, $0x0, v4  }
0x1d8: {  	v4 =	vld [tilespmem:$0x4510];
	v1 =	vadd.s32 v1, v3;
	v3 =	vpsel !p6, $0x0, v5;
	v5 =	vpsel !p1, $0x0, v6  }
0x1d9: {  	p4 =	sgt.u32 s1, $0xC;
	v6 =	vpsel !p1, $0x0, v7;
	v7 =	vpsel !p2, $0x0, v45;
	v0 =	vadd.s32 v2, v0;
	v2 =	vld [tilespmem:$0x4580]  }
0x1da: {  	v63 =	vpsel !p4, $0x0, v59;
	v1 =	vadd.s32 v3, v1;
	v3 =	vld [tilespmem:$0x4590];
	v0 =	vadd.s32 v5, v0  }
0x1db: {  	p6 =	sgt.u32 s1, $0x8;
	v5 =	vld [tilespmem:$0x4600];
	v1 =	vadd.s32 v6, v1;
	v6 =	vpsel !p3, $0x0, v47;
	v0 =	vadd.s32 v7, v0  }
0x1dc: {  	v58 =	vpsel !p6, $0x0, v16;
	p3 =	sgt.u32 s1, $0xB;
	v7 =	vld [tilespmem:$0x4610];
	v1 =	vadd.s32 v50, v1;
	v0 =	vadd.s32 v6, v0  }
0x1dd: {  	p1 =	sgt.u32 s1, $0x9;
	v8 =	vpsel !p3, $0x0, v54;
	v6 =	vld [tilespmem:$0x4680];
	v1 =	vadd.s32 v51, v1;
	v0 =	vadd.s32 v52, v0  }
0x1de: {  	v60 =	vld [tilespmem:$0x4780];
	v4 =	vpsel !p6, $0x0, v4;
	v1 =	vadd.s32 v53, v1;
	v2 =	vpsel !p1, $0x0, v2  }
0x1df: {  	v61 =	vld [tilespmem:$0x4790];
	p2 =	sgt.u32 s1, $0xA;
	v3 =	vpsel !p1, $0x0, v3;
	v0 =	vadd.s32 v55, v0;
	v1 =	vadd.s32 v56, v1  }
0x1e0: {  	v62 =	vld [tilespmem:$0x4800];
	v5 =	vpsel !p2, $0x0, v5;
	v0 =	vadd.s32 v58, v0;
	v1 =	vadd.s32 v4, v1  }
0x1e1: {  	v4 =	vld [tilespmem:$0x4810];
	v7 =	vpsel !p2, $0x0, v7;
	v0 =	vadd.s32 v2, v0;
	v2 =	vpsel !p4, $0x0, v57  }
0x1e2: {  	p5 =	sgt.u32 s1, $0xD;
	v1 =	vadd.s32 v3, v1;
	v6 =	vpsel !p3, $0x0, v6;
	v0 =	vadd.s32 v5, v0  }
0x1e3: {  	v3 =	vpsel !p5, $0x0, v60;
	v1 =	vadd.s32 v7, v1;
	v0 =	vadd.s32 v6, v0  }
0x1e4: {  	p6 =	seq.s32 s1, $0xF;
	v5 =	vpsel !p5, $0x0, v61;
	v1 =	vadd.s32 v8, v1;
	v0 =	vadd.s32 v2, v0  }
0x1e5: {  	v1 =	vadd.s32 v63, v1;
	v2 =	vpsel !p6, $0x0, v62;
	v0 =	vadd.s32 v3, v0  }
0x1e6: {  	v3 =	vpsel !p6, $0x0, v4;
	v1 =	vadd.s32 v5, v1;
	v0 =	vadd.s32 v2, v0  }
0x1e7: {  	v1 =	vadd.s32 v3, v1;
	[tilespmem:$0x16900] =	vst v0  }
0x1e8: {  	s8 =	simm.s32 $0x0;
	[tilespmem:$0x16910] =	vst v1  }
0x1e9: {  	v2 =	vld [tilespmem:s8+$0x0];
	_ =	sdelay $0x1  }
0x1ea: {  	v3 =	vld [tilespmem:s8+$0x1000]  }
0x1eb: {  	v4 =	vimm.s32 $0x2;
	v0 =	vimm.s32 $0x1  }
0x1ec: {  	v0 =	vperm.xlane v1, v0;
	v1 =	vperm.xlane v1, v4  }
0x1ed: {  	s9 =	simm.s32 $0x10;
	vm14 =	veq.s32 v2, $0xBD  }
0x1ee: {  	v4 =	vld [tilespmem:s9+$0x0];
	v2 =	vsel vm14, v0, v1  }
0x1ef: {  	v3 =	vsub.s32 v3, v2  }
0x1f0: {  	v2 =	vld [tilespmem:s9+$0x1000];
	_ =	sdelay $0x2  }
0x1f1: {  	s10 =	simm.s32 $0x4900;
	vm15 =	veq.s32 v4, $0xBD  }
0x1f2: {  	s5 =	simm.s32 $0x20;
	s7 =	simm.s32 $0xC0;
	s6 =	sadd.s32 s23, s28;
	v4 =	vsel vm15, v0, v1;
	v3 =	vld.idx.msk [tilespmem:v3+s10+$0x0], $0xffff  }
.LBB2_3:
0x1f3: {  	p0 =	sne.s32 s7, $0x3FC0;
	v5 =	vld [tilespmem:s5+$0x0];
	v4 =	vsub.s32 v2, v4;
	_ =	sdelay $0x1  }
.Ltmp1:
0x1f4: {  	v2 =	vld [tilespmem:s5+$0x1000];
	(pc) =	sbr.rel @p0 .LBB2_3-.Ltmp1, $4  }
0x1f5: {  	_ = 	snop  }
0x1f6: {  	[tilespmem:s8+$0x15900] =	vst v3;
	s8 =	smov.u32 s9;
	s9 =	smov.u32 s5  }
0x1f7: {  	vm0 =	veq.s32 v5, $0xBD;
	v3 =	vld.idx.msk [tilespmem:v4+s10+$0x0], $0xffff  }
0x1f8: {  	s5 =	sshra.s32 s7, $0x2;
	s7 =	sadd.s32 $0x40, s7;
	v4 =	vsel vm0, v0, v1  }
0x1f9: {  	v5 =	vld [tilespmem:s5+$0x0]  }
0x1fa: {  	v2 =	vsub.s32 v2, v4  }
0x1fb: {  	v63 =	vld [tilespmem:s5+$0x1000];
	_ =	sdelay $0x2  }
0x1fc: {  	[tilespmem:s8+$0x15900] =	vst v3;
	vm0 =	veq.s32 v5, $0xBD  }
0x1fd: {  	v2 =	vld.idx.msk [tilespmem:v2+s10+$0x0], $0xffff;
	v0 =	vsel vm0, v0, v1  }
0x1fe: {  	v0 =	vsub.s32 v63, v0;
	_ =	sdelay $0x3  }
0x1ff: {  	s7 =	sadd.s32 $0xF, s6;
	[tilespmem:s9+$0x15900] =	vst v2  }
0x200: {  	v0 =	vld.idx.msk [tilespmem:v0+s10+$0x0], $0xffff;
	s10 =	sshra.s32 s7, $0x4  }
0x201: {  	p0 =	slt.s32 s10, $0x1  }
.Ltmp2:
0x202: {  	_ = 	snop;
	(pc) =	sbr.rel @p0 .LBB2_8-.Ltmp2, $2  }
0x203: {  	_ =	sdelay $0x2  }
0x204: {  	[tilespmem:s5+$0x15900] =	vst v0;
	s5 =	sadd.s32 s2, s4;
	s2 =	sadd.s32 s3, s4  }
0x205: {  	v0 =	vimm.s32 $0xEDCBA987;
	v1 =	vimm.s32 $0x65432100  }
0x206: {  	v2 =	vmov s6;
	v3 =	vimm.s32 $0xDCBA9876;
	v4 =	vimm.s32 $0x54321000  }
0x207: {  	v6 =	vimm.s32 $0xCBA98765;
	v8 =	vimm.s32 $0xBA987654;
	v0 =	vunpack.c.l.s4.s8 v0  }
0x208: {  	v9 =	vimm.s32 $0x39000;
	v10 =	vimm.s32 $0xE4000;
	v1 =	vunpack.c.l.s4.s8 v1  }
0x209: {  	v11 =	vimm.s32 $0x98765400;
	vm0 =	vcmask $0x3F24;
	v0 =	vunpack.c.0.s8.s32 v0  }
0x20a: {  	vm12 =	vcmask $0x3F28;
	v5 =	vunpack.c.l.s4.s8 v3;
	v1 =	vunpack.c.0.s8.s32 v1  }
0x20b: {  	v12 =	vimm.s32 $0xE40000;
	v4 =	vunpack.c.l.s4.s8 v4;
	v0 =	vand.u32 $0xF, v0  }
0x20c: {  	vm14 =	vcmask $0x3F1C;
	v1 =	vcombine.low v1, v0;
	v0 =	vunpack.c.0.s8.s32 v5  }
0x20d: {  	v6 =	vunpack.c.l.s4.s8 v6;
	v4 =	vunpack.c.0.s8.s32 v4;
	v5 =	vimm.s32 $0x43210000  }
0x20e: {  	v14 =	vimm.s32 $0x39000000;
	v5 =	vunpack.c.l.s4.s8 v5;
	v7 =	vand.u32 $0xF, v0  }
0x20f: {  	v6 =	vunpack.c.0.s8.s32 v6;
	v4 =	vcombine.low v4, v7;
	v7 =	vimm.s32 $0x32100000  }
0x210: {  	v8 =	vunpack.c.l.s4.s8 v8;
	v5 =	vunpack.c.0.s8.s32 v5;
	v7 =	vunpack.c.l.s4.s8 v7  }
0x211: {  	vm9 =	vcmask $0x3F20;
	v9 =	vunpack.c.l.s2.s4 v9;
	v6 =	vand.u32 $0xF, v6  }
0x212: {  	v5 =	vcombine.low v5, v6;
	v6 =	vunpack.c.0.s8.s32 v7;
	v7 =	vunpack.c.0.s8.s32 v8  }
0x213: {  	vm8 =	vcmask $0x3F34;
	vm1 =	vcmask $0x3B38;
	v10 =	vunpack.c.l.s2.s4 v10  }
0x214: {  	v9 =	vunpack.c.l.s4.s8 v9;
	v8 =	vimm.s32 $0xA9876540;
	v7 =	vand.u32 $0xF, v7  }
0x215: {  	vm2 =	vcmask $0x3B00;
	v8 =	vunpack.c.l.s4.s8 v8;
	v7 =	vcombine.low v6, v7  }
0x216: {  	v6 =	vunpack.c.0.s8.s32 v9;
	v9 =	vunpack.c.l.s4.s8 v10;
	v10 =	vimm.s32 $0x390000  }
0x217: {  	v11 =	vunpack.c.l.s4.s8 v11;
	v8 =	vunpack.c.0.s8.s32 v8;
	v10 =	vunpack.c.l.s2.s4 v10  }
0x218: {  	vm15 =	vcmask $0x3F2C;
	v6 =	vand.u32 $0x3, v6;
	v9 =	vunpack.c.0.s8.s32 v9  }
0x219: {  	v6 =	vsel vm0, v8, v6;
	v8 =	vunpack.c.l.s4.s8 v10;
	v10 =	vunpack.c.0.s8.s32 v11  }
0x21a: {  	vm13 =	vcmask $0x3F38;
	v3 =	vlaneseq.u32;
	v9 =	vand.u32 $0x3, v9  }
0x21b: {  	v11 =	vunpack.c.0.s8.s32 v8;
	v8 =	vsel vm12, v10, v9;
	v10 =	vunpack.c.l.s2.s4 v12  }
0x21c: {  	vm7 =	vmmov vm0;
	vm0 =	vcmask $0x2B00;
	v9 =	vimm.s32 $0x4070605  }
0x21d: {  	v9 =	vunpack.c.0.s8.s32 v9;
	v11 =	vand.u32 $0x3, v11;
	v10 =	vunpack.c.l.s4.s8 v10  }
0x21e: {  	v12 =	vimm.s32 $0x7060504;
	v11 =	vnsel vm0, $0x8, v11;
	vm0 =	vcmask $0x3B2C  }
0x21f: {  	v15 =	vsel vm0, v9, v11;
	v9 =	vunpack.c.0.s8.s32 v10;
	v10 =	vimm.s32 $0x3900000  }
0x220: {  	v12 =	vunpack.c.0.s8.s32 v12;
	v11 =	vimm.s32 $0xE400000;
	v10 =	vunpack.c.l.s2.s4 v10  }
0x221: {  	vm0 =	vcmask $0x3F30;
	v11 =	vunpack.c.l.s2.s4 v11;
	v9 =	vand.u32 $0x3, v9  }
0x222: {  	s8 =	simm.s32 $0x0;
	v13 =	vunpack.c.l.s4.s8 v10;
	v10 =	vsel vm0, v12, v9;
	v9 =	vunpack.c.l.s2.s4 v14  }
0x223: {  	vm11 =	vcmask $0x3F3C;
	v16 =	vor.u32 s8, v3;
	v11 =	vunpack.c.l.s4.s8 v11  }
0x224: {  	v12 =	vunpack.c.0.s8.s32 v13;
	v13 =	vimm.s32 $0xE4000000;
	v9 =	vunpack.c.l.s4.s8 v9  }
0x225: {  	v14 =	vimm.s32 $0x6050400;
	v11 =	vunpack.c.0.s8.s32 v11;
	v13 =	vunpack.c.l.s2.s4 v13  }
0x226: {  	vm0 =	vcmask $0x3700;
	v14 =	vunpack.c.0.s8.s32 v14;
	v9 =	vunpack.c.0.s8.s32 v9  }
0x227: {  	p0 =	sne.s32 s10, $0x1;
	v12 =	vand.u32 $0x3, v12;
	v11 =	vand.u32 $0x3, v11;
	v13 =	vunpack.c.l.s4.s8 v13  }
.Ltmp3:
0x228: {  	v11 =	vnsel vm0, $0x5, v11;
	v17 =	vsel vm8, v14, v12;
	v9 =	vand.u32 $0x3, v9;
	(pc) =	sbr.rel @!p0 .LBB2_7-.Ltmp3, $4  }
0x229: {  	v13 =	vunpack.c.0.s8.s32 v13;
	v14 =	vnsel vm2, $0x4, v9;
	v9 =	vimm.s32 $0x2  }
0x22a: {  	s9 =	simm.s32 $0x3080;
	v0 =	vimm.s32 $0x0;
	v18 =	vsel vm1, $0x4, v11;
	v11 =	vsel vm0, $0x0, v9  }
0x22b: {  	s3 =	simm.s32 $0x2000;
	s6 =	simm.s32 $0x16900;
	s4 =	simm.s32 $0x4900;
	v9 =	vimm.s32 $0x1;
	vm0 =	vlt.s32 v16, v2;
	v12 =	vand.u32 $0x3, v13  }
0x22c: {  	s7 =	simm.s32 $0x14900;
	s10 =	sadd.s32 $0xFFFFFFFF, s10;
	s11 =	simm.s32 $0x2000;
	v16 =	vld [tilespmem:s9+$0x0];
	v13 =	vsel vm1, $0x1, v11;
	v11 =	vsel vm2, $0x0, v9;
	vm10 =	vmmov vm0  }
.LBB2_6:
0x22d: {  	_ =	sdelay $0x3  }
0x22e: {  	v19 =	vperm.xlane v16, v6;
	v20 =	vperm.xlane v16, v18  }
0x22f: {  	v21 =	vperm.xlane v16, v7;
	v22 =	vperm.xlane v16, v14  }
0x230: {  	v23 =	vperm.xlane v16, v4;
	v24 =	vperm.xlane v16, v8  }
0x231: {  	s9 =	sadd.s32 $0x10, s9;
	s11 =	sadd.s32 $0x10, s11;
	s8 =	sadd.s32 $0x10, s8;
	vm6 =	vcmask $0x3F10;
	v26 =	vperm.xlane v16, v12;
	v27 =	vperm.xlane v16, v1  }
0x232: {  	p0 =	sne.s32 s10, $0x1;
	s10 =	sadd.s32 $0xFFFFFFFF, s10;
	v28 =	vperm.xlane v16, v10;
	vm0 =	veq.s32 v20, v16;
	v20 =	vperm.xlane v16, v15  }
0x233: {  	vm1 =	veq.s32 v22, v16;
	v22 =	vperm.xlane v16, v17;
	vm3 =	veq.s32 v23, v16  }
0x234: {  	v23 =	vperm.xlane v16, v5;
	vm4 =	veq.s32 v21, v16;
	vm0 =	vmand vm0, vm12  }
0x235: {  	vm2 =	vmand vm1, vm15;
	vm4 =	vmand vm4, vm6;
	v25 =	vsel vm0, $0x1, v0  }
0x236: {  	vm6 =	vcmask $0x3F04;
	vm0 =	veq.s32 v20, v16;
	v20 =	vsel vm2, $0x1, v0  }
0x237: {  	vm2 =	vcmask $0x3F08;
	vm1 =	vmand vm0, vm14;
	vm0 =	veq.s32 v22, v16  }
0x238: {  	vm3 =	vmand vm3, vm2;
	vm2 =	vmand vm0, vm7;
	vm0 =	veq.s32 v27, v16  }
0x239: {  	vm5 =	veq.s32 v23, v16;
	v21 =	vsel vm3, $0x1, v0;
	vm0 =	vmand vm0, vm6  }
0x23a: {  	vm3 =	veq.s32 v19, v16;
	v19 =	vsel vm0, $0x1, v0;
	vm0 =	vcmask $0x3F0C  }
0x23b: {  	v23 =	vsel vm4, $0x1, v0;
	vm0 =	vmand vm5, vm0;
	vm5 =	vcmask $0x3F14  }
0x23c: {  	v19 =	vadd.s32 v19, v21;
	vm3 =	vmand vm3, vm5;
	v22 =	vsel vm0, $0x1, v0  }
0x23d: {  	vm0 =	veq.s32 v24, v16;
	v21 =	vsel vm3, $0x1, v0;
	vm3 =	vcmask $0x3F18  }
0x23e: {  	v19 =	vadd.s32 v22, v19;
	vm0 =	vmand vm0, vm3  }
0x23f: {  	v19 =	vadd.s32 v23, v19;
	v22 =	vsel vm0, $0x1, v0;
	vm0 =	veq.s32 v28, v16  }
0x240: {  	v24 =	vor.u32 s8, v3;
	v19 =	vadd.s32 v21, v19;
	vm3 =	vmand vm0, vm9  }
0x241: {  	vm0 =	vlt.s32 v24, v2;
	v19 =	vadd.s32 v22, v19;
	v21 =	vsel vm3, $0x1, v0  }
0x242: {  	v22 =	vsel vm1, $0x1, v0;
	vm1 =	veq.s32 v26, v16;
	vm3 =	vcmask $0x3F30  }
0x243: {  	v19 =	vadd.s32 v22, v19;
	vm1 =	vmand vm1, vm3  }
0x244: {  	v22 =	vperm.xlane v16, v13;
	v19 =	vadd.s32 v21, v19;
	v21 =	vsel vm2, $0x1, v0;
	v23 =	vld.idx.msk [tilespmem:v16+s6+$0x0], vm10  }
0x245: {  	v19 =	vadd.s32 v21, v19;
	v21 =	vperm.xlane v16, v0;
	[tilespmem:v16+s6+$0x0] =	vst.idx.add.s32.msk vm10, v9  }
0x246: {  	vm2 =	veq.s32 v22, v16;
	v22 =	vperm.xlane v16, v11;
	v19 =	vadd.s32 v25, v19  }
0x247: {  	v19 =	vadd.s32 v20, v19;
	v20 =	vsel vm1, $0x1, v0;
	vm1 =	vmand vm2, vm8  }
0x248: {  	v19 =	vadd.s32 v20, v19;
	v20 =	vsel vm1, $0x1, v0;
	vm1 =	veq.s32 v22, v16  }
0x249: {  	vm2 =	veq.s32 v21, v16;
	v19 =	vadd.s32 v20, v19;
	vm1 =	vmand vm1, vm13  }
0x24a: {  	v16 =	vsel vm1, $0x1, v0;
	vm1 =	vmand vm2, vm11;
	v19 =	vadd.s32 v23, v19  }
0x24b: {  	v20 =	vsel vm1, $0x1, v0;
	v16 =	vadd.s32 v16, v19  }
0x24c: {  	v16 =	vadd.s32 v20, v16;
	_ =	sdelay $0x2  }
0x24d: {  	v19 =	vld [tilespmem:s3+$0x0];
	s3 =	smov.u32 s11;
	_ =	sdelay $0x1  }
0x24e: {  	v16 =	vld.idx.msk [tilespmem:v16+s4+$0x0], vm10;
	_ =	sdelay $0x2  }
.Ltmp4:
0x24f: {  	(pc) =	sbr.rel @p0 .LBB2_6-.Ltmp4, $3  }
0x250: {  	_ =	sdelay $0x1  }
0x251: {  	[tilespmem:v19+s7+$0x0] =	vst.idx.msk vm10, v16;
	vm10 =	vmmov vm0  }
0x252: {  	v16 =	vld [tilespmem:s9+$0x0]  }
.LBB2_7:
0x253: {  	_ =	sdelay $0x3  }
0x254: {  	v2 =	vperm.xlane v16, v18  }
0x255: {  	v3 =	vperm.xlane v16, v15;
	v36 =	vperm.xlane v16, v7  }
0x256: {  	v4 =	vperm.xlane v16, v4;
	v37 =	vperm.xlane v16, v17  }
0x257: {  	v1 =	vperm.xlane v16, v1;
	v39 =	vperm.xlane v16, v5  }
0x258: {  	v40 =	vperm.xlane v16, v6;
	v43 =	vperm.xlane v16, v8  }
0x259: {  	v45 =	vperm.xlane v16, v10;
	v49 =	vperm.xlane v16, v14  }
0x25a: {  	v52 =	vperm.xlane v16, v12;
	v54 =	vperm.xlane v16, v13  }
0x25b: {  	vm2 =	vcmask $0x3F08;
	v58 =	vperm.xlane v16, v11;
	v59 =	vperm.xlane v16, v0  }
0x25c: {  	vm0 =	veq.s32 v2, v16;
	vm5 =	veq.s32 v3, v16;
	vm6 =	veq.s32 v4, v16  }
0x25d: {  	vm3 =	veq.s32 v36, v16;
	vm4 =	veq.s32 v1, v16;
	vm0 =	vmand vm0, vm12  }
0x25e: {  	vm1 =	vmand vm5, vm14;
	vm2 =	vmand vm6, vm2;
	vm12 =	veq.s32 v37, v16  }
0x25f: {  	vm5 =	vcmask $0x3F10;
	vm14 =	vcmask $0x3F04;
	vm6 =	veq.s32 v52, v16  }
0x260: {  	v38 =	vsel vm0, $0x1, v0;
	vm0 =	vmand vm12, vm7;
	vm3 =	vmand vm3, vm5  }
0x261: {  	vm4 =	vmand vm4, vm14;
	vm12 =	veq.s32 v39, v16;
	vm14 =	vcmask $0x3F0C  }
0x262: {  	v41 =	vsel vm2, $0x1, v0;
	v42 =	vsel vm4, $0x1, v0;
	vm2 =	vmand vm12, vm14  }
0x263: {  	vm12 =	veq.s32 v40, v16;
	vm14 =	vcmask $0x3F14;
	v46 =	vsel vm3, $0x1, v0  }
0x264: {  	vm4 =	vmand vm12, vm14;
	v44 =	vsel vm2, $0x1, v0;
	v2 =	vadd.s32 v42, v41  }
0x265: {  	vm12 =	veq.s32 v43, v16;
	vm14 =	vcmask $0x3F18;
	v1 =	vadd.s32 v44, v2  }
0x266: {  	v47 =	vsel vm4, $0x1, v0;
	vm2 =	vmand vm12, vm14;
	v1 =	vadd.s32 v46, v1  }
0x267: {  	vm4 =	veq.s32 v45, v16;
	v48 =	vsel vm2, $0x1, v0;
	v1 =	vadd.s32 v47, v1  }
0x268: {  	v51 =	vsel vm1, $0x1, v0;
	vm2 =	vmand vm4, vm9;
	v1 =	vadd.s32 v48, v1  }
0x269: {  	vm5 =	veq.s32 v49, v16;
	v50 =	vsel vm2, $0x1, v0;
	v1 =	vadd.s32 v51, v1  }
0x26a: {  	vm7 =	vcmask $0x3F30;
	v53 =	vsel vm0, $0x1, v0;
	v1 =	vadd.s32 v50, v1  }
0x26b: {  	v56 =	vld.idx.msk [tilespmem:v16+s6+$0x0], vm10;
	vm1 =	vmand vm5, vm15;
	vm0 =	vmand vm6, vm7;
	v1 =	vadd.s32 v53, v1  }
0x26c: {  	v55 =	vsel vm1, $0x1, v0;
	vm9 =	veq.s32 v54, v16;
	v1 =	vadd.s32 v38, v1  }
0x26d: {  	v57 =	vsel vm0, $0x1, v0;
	vm0 =	vmand vm9, vm8;
	v1 =	vadd.s32 v55, v1  }
0x26e: {  	vm12 =	veq.s32 v58, v16;
	v60 =	vsel vm0, $0x1, v0;
	v1 =	vadd.s32 v57, v1  }
0x26f: {  	vm14 =	veq.s32 v59, v16;
	vm0 =	vmand vm12, vm13;
	v1 =	vadd.s32 v60, v1  }
0x270: {  	vm15 =	vmand vm14, vm11;
	v61 =	vsel vm0, $0x1, v0;
	v1 =	vadd.s32 v56, v1  }
0x271: {  	v62 =	vsel vm15, $0x1, v0;
	v1 =	vadd.s32 v61, v1  }
0x272: {  	v0 =	vadd.s32 v62, v1  }
0x273: {  	[tilespmem:v16+s6+$0x0] =	vst.idx.add.s32.msk vm10, v9  }
0x274: {  	v63 =	vld [tilespmem:s3+$0x0];
	_ =	sdelay $0x2  }
0x275: {  	v0 =	vld.idx.msk [tilespmem:v0+s4+$0x0], vm10;
	_ =	sdelay $0x4  }
0x276: {  	[tilespmem:v63+s7+$0x0] =	vst.idx.msk vm10, v0  }
.LBB2_8:
0x277: {  	s3 =	simm.s32 $0x0;
	s4 =	simm.s32 $0x14900;
	s30 =	simm.s32 $0x2  }
0x278: {  	[hbm4b:s5+s3] =	stream.linear.scatter [tilespmem:s4], [sflag:$0x2], $0x1000, $0x38;
	[tilespmem:$0x16980] =	vst v63  }
0x279: {  	_ =	swait.ge [sflag:s30], $0x1000  }
0x27a: {  	[sflag:s30] =	ssyncset.done $0x0  }
0x27b: {  	s31 =	simm.s32 $0x15900;
	[sflag:s30] =	ssyncadd.s32 $0xFFFFF000  }
0x27c: {  	[hbm4b:s2+s3] =	stream.linear.scatter [tilespmem:s31], [sflag:$0x2], $0x1000, $0x38;
	[tilespmem:$0x16980] =	vst v63  }
0x27d: {  	_ =	swait.ge [sflag:s30], $0x1000  }
0x27e: {  	[sflag:s30] =	ssyncset.done $0x0  }
0x27f: {  	[sflag:s30] =	ssyncadd.s32 $0xFFFFF000  }
0x280: {  	_ =	sfence.sel $0x180000  }
0x281: {  	[bflag:$0x0] =	sbarrier.arrive $0xFFFF  }
0x282: {  	p0 =	sne.s32 s1, $0x0;
	_ =	strace $0x90000047  }
0x283: {  	s0 =	sadd.s32 @!p0 $0x100000, s0;
	[bflag:$0x2] =	sbarrier.arrive $0xFFFF  }
0x284: {  	[sflag:s0] =	ssyncadd.tile.s32 @!p0 $0x1;
	_ =	shalt  }
.Lfunc_end2:
_tile_overlayer_lowered:
.L_overlay_start_2:
0x285: {  	(tag) =	ssettag $0x2  }
0x286: {  	s0 =	rddreg [dreg:$0x0];
	s2 =	stileid.u32  }
0x287: {  	s1 =	rddreg [dreg:$0x1];
	p0 =	sne.s32 s2, $0x0  }
0x288: {  	s3 =	rddreg [dreg:$0x2];
	[bflag:$0x3] =	sbarrier.arrive $0xFFFF;
	s2 =	simm.s32 @!p0 $0x1C02  }
0x289: {  	[timem:s3], [sflag:s2] =	dma.local @!p0 [hbm:s0], s1  }
0x28a: {  	s0 =	simm.s32 @!p0 $0x2  }
0x28b: {  	_ =	swait.ge @!p0 [sflag:s0], s1  }
0x28c: {  	s1 =	ssub.s32 @!p0 $0x0, s1;
	[sflag:s0] =	ssyncset.done @!p0 $0x0  }
0x28d: {  	[sflag:s0] =	ssyncadd.s32 @!p0 s1  }
0x28e: {  	[bflag:$0x3] =	sbarrier.arrive $0xFFFF  }
0x28f: {  	_ =	shalt  }

</sc_bundles>
